<compile_context>
chip_gen: v7x
topology: tpu7x:2x2x1
jax: 0.10.2.dev20260603
libtpu: 0.0.44.dev20260713+nightly
codegen_flags: <defaults>
</compile_context>

<pallas_src>
import functools
import jax
import jax.numpy as jnp
from jax import lax
from jax.experimental import pallas as pl
from jax.experimental.pallas import tpu as pltpu
from jax.experimental.pallas import tpu_sc as plsc

_BS, _N, _C = 8, 4096, 128
_HID, _OUT = 64, 16
_U = 16
_R = _BS * _N
_NC, _NS = 2, 16
_NW = _NC * _NS
_RPW = _R // _NW
_CHUNK = 128
_NCHUNK = _RPW // _CHUNK
_ZROWS = 9
_ACC_ROWS = _NS * _ZROWS
_DUMP = _BS * _U


def _sc_segsum(vals2d, orb_flat, mask_flat):
    mesh = plsc.VectorSubcoreMesh(core_axis_name="c", subcore_axis_name="s")

    @functools.partial(
        pl.kernel,
        mesh=mesh,
        out_type=jax.ShapeDtypeStruct((_NC, _BS * _U, _C), jnp.float32),
        scratch_types=[
            pltpu.VMEM((_CHUNK, _C), jnp.float32),
            pltpu.VMEM((_CHUNK, _C), jnp.float32),
            pltpu.VMEM((_RPW,), jnp.int32),
            pltpu.VMEM((_RPW,), jnp.int32),
            pltpu.VMEM((_CHUNK,), jnp.int32),
            pltpu.VMEM((_CHUNK,), jnp.int32),
            pltpu.VMEM_SHARED((_ACC_ROWS, _C), jnp.float32),
            pltpu.SemaphoreType.DMA,
            pltpu.SemaphoreType.DMA,
            pltpu.SemaphoreType.DMA,
            pltpu.SemaphoreType.DMA,
        ],
    )
    def k(vals_hbm, orb_hbm, mask_hbm, out_hbm, row_a, row_b, orb_v,
          mask_v, idx_a, idx_b, acc_s, lsem_a, lsem_b, ssem_a, ssem_b):
        c = lax.axis_index("c")
        s = lax.axis_index("s")
        wid = s * _NC + c
        base = wid * _RPW
        b16 = (base // _N) * _U

        rows = (row_a, row_b)
        idxs = (idx_a, idx_b)
        lsems = (lsem_a, lsem_b)
        ssems = (ssem_a, ssem_b)

        z16 = jnp.zeros((16,), jnp.float32)
        for j in range(_ZROWS):
            for kk in range(_C // 16):
                row_a[j, pl.ds(kk * 16, 16)] = z16
        pltpu.sync_copy(row_a.at[pl.ds(0, _ZROWS)],
                        acc_s.at[pl.ds(s * _ZROWS, _ZROWS)])

        pltpu.sync_copy(orb_hbm.at[pl.ds(base, _RPW)], orb_v)
        pltpu.sync_copy(mask_hbm.at[pl.ds(base, _RPW)], mask_v)
        plsc.subcore_barrier()

        loads = [None, None]
        scats = [None, None]
        for g in range(_NCHUNK + 1):
            if g < _NCHUNK:
                buf = g % 2
                if scats[buf] is not None:
                    scats[buf].wait()
                loads[buf] = pltpu.async_copy(
                    vals_hbm.at[pl.ds(base + g * _CHUNK, _CHUNK)],
                    rows[buf], lsems[buf])
            if g >= 1:
                gg = g - 1
                buf = gg % 2
                for kk in range(_CHUNK // 16):
                    off = gg * _CHUNK + kk * 16
                    m = mask_v[pl.ds(off, 16)]
                    o = orb_v[pl.ds(off, 16)]
                    idxs[buf][pl.ds(kk * 16, 16)] = jnp.where(
                        m > 0, o + b16, _DUMP)
                loads[buf].wait()
                scats[buf] = pltpu.async_copy(
                    rows[buf], acc_s.at[idxs[buf]], ssems[buf], add=True)
        scats[0].wait()
        scats[1].wait()
        plsc.subcore_barrier()

        pltpu.sync_copy(acc_s.at[pl.ds(s * 8, 8)], row_a.at[pl.ds(0, 8)])
        pltpu.sync_copy(row_a.at[pl.ds(0, 8)],
                        out_hbm.at[c, pl.ds(s * 8, 8)])

    return k(vals2d, orb_flat, mask_flat)


def _mlp_body(p_ref, W1_ref, b1_ref, W2_ref, b2_ref, W3_ref, b3_ref,
              out_ref):
    a = p_ref[0] + p_ref[1]
    rowsum = jnp.sum(a, axis=1, keepdims=True)
    empty = rowsum == 0.0
    h = jax.nn.relu(jnp.dot(a, W1_ref[...],
                            preferred_element_type=jnp.float32) + b1_ref[...])
    h = jax.nn.relu(jnp.dot(h, W2_ref[...],
                            preferred_element_type=jnp.float32) + b2_ref[...])
    t = jnp.dot(h, W3_ref[...], preferred_element_type=jnp.float32) + b3_ref[...]
    t = jnp.where(empty, 0.0, t)
    col = lax.broadcasted_iota(jnp.int32, (_BS, _BS * _U), 1)
    row = lax.broadcasted_iota(jnp.int32, (_BS, _BS * _U), 0)
    sel = (col // _U == row).astype(jnp.float32)
    out_ref[...] = jnp.dot(sel, t, preferred_element_type=jnp.float32)


def kernel(coords, vals, mask, W1, b1, W2, b2, W3, b3):
    vals2d = vals.reshape(_R, _C)
    orb_flat = coords[:, :, 1, 1].astype(jnp.int32).reshape(_R)
    mask_flat = mask.astype(jnp.int32).reshape(_R)

    partials = _sc_segsum(vals2d, orb_flat, mask_flat)

    out = pl.pallas_call(
        _mlp_body,
        out_shape=jax.ShapeDtypeStruct((_BS, _OUT), jnp.float32),
    )(partials, W1, b1.reshape(1, _HID), W2, b2.reshape(1, _HID),
      W3, b3.reshape(1, _OUT))
    return out

# --- scband reference (transcript-rebuilt; emitter-appended) ---
"""Pipeline reference for scband-lie-conv-gigp-44667659878781 (READ-ONLY COPY).

The authoritative reference and input builder live on the scoring server;
editing this copy changes nothing except your own understanding.
"""

import jax, jax.numpy as jnp
import numpy as np

BS, N, C = 8, 4096, 128
HID, OUT = 64, 16
NUM_ORBS = 16


def setup_inputs(seed: int = 0) -> dict:
    key = jax.random.key(seed)
    ks = jax.random.split(key, 10)
    coords = jax.random.randint(ks[0], (BS, N, 3, 3), 0, NUM_ORBS)
    vals = jax.random.normal(ks[1], (BS, N, C), dtype=jnp.float32)
    mask = jax.random.randint(ks[2], (BS, N), 0, 2).astype(bool)
    W1 = jax.random.normal(ks[3], (C, HID), dtype=jnp.float32) * (1.0 / np.sqrt(C))
    b1 = jnp.zeros((HID,), dtype=jnp.float32)
    W2 = jax.random.normal(ks[4], (HID, HID), dtype=jnp.float32) * (1.0 / np.sqrt(HID))
    b2 = jnp.zeros((HID,), dtype=jnp.float32)
    W3 = jax.random.normal(ks[5], (HID, OUT), dtype=jnp.float32) * (1.0 / np.sqrt(HID))
    b3 = jnp.zeros((OUT,), dtype=jnp.float32)
    return {"coords": coords, "vals": vals, "mask": mask,
            "W1": W1, "b1": b1, "W2": W2, "b2": b2, "W3": W3, "b3": b3}


def reference(coords, vals, mask, W1, b1, W2, b2, W3, b3):
    # masked_vals = where(mask, vals, 0)
    masked_vals = jnp.where(mask[:, :, None], vals, jnp.zeros_like(vals))
    orb_ids = coords[:, :, 1, 1]
    unique_orbs = jnp.arange(NUM_ORBS, dtype=orb_ids.dtype)  # all candidate orbit ids, shape (NUM_ORBS,)
    # orbs_mask: (bs, n, U)
    orbs_mask = orb_ids[:, :, None] == unique_orbs[None, None, :]
    # exp_vals: (bs, n, 1, c)
    exp_vals = masked_vals[:, :, None, :]
    masked_orbs = jnp.where(orbs_mask[:, :, :, None], exp_vals, jnp.zeros_like(exp_vals))
    # segment-style reduce over the n (points) axis -> (bs, U, c)
    agg_orbs = masked_orbs.sum(axis=1)
    empty_orbs_mask = agg_orbs.sum(axis=-1) == 0
    # orb_mlp: Linear -> ReLU -> Linear -> ReLU -> Linear
    h = jax.nn.relu(agg_orbs @ W1 + b1)
    h = jax.nn.relu(h @ W2 + b2)
    transf_orbs = h @ W3 + b3
    masked_transf_orbs = jnp.where(~empty_orbs_mask[:, :, None], transf_orbs,
                                   jnp.zeros_like(transf_orbs))
    return masked_transf_orbs.sum(axis=1)  # (bs, out_dim)

if __name__ == "__main__":
    import jax
    _d = setup_inputs()
    print(jax.jit(kernel)(*tuple(_d.values())))

</pallas_src>

<mosaic_0001>
#map = affine_map<(d0, d1) -> (0, 0)>
#map1 = affine_map<(d0, d1) -> (0)>
#map2 = affine_map<(d0, d1) -> (0, 0, 0)>
module attributes {stable_mosaic.version = 14 : i64} {
  func.func @k(%arg0: i32, %arg1: i32, %arg2: memref<32768x128xf32, #tpu.memory_space<hbm>>, %arg3: memref<32768xi32, #tpu.memory_space<hbm>>, %arg4: memref<32768xi32, #tpu.memory_space<hbm>>, %arg5: memref<2x128x128xf32, #tpu.memory_space<hbm>>, %arg6: memref<128x128xf32, #tpu.memory_space<vmem>>, %arg7: memref<128x128xf32, #tpu.memory_space<vmem>>, %arg8: memref<1024xi32, #tpu.memory_space<vmem>>, %arg9: memref<1024xi32, #tpu.memory_space<vmem>>, %arg10: memref<128xi32, #tpu.memory_space<vmem>>, %arg11: memref<128xi32, #tpu.memory_space<vmem>>, %arg12: memref<144x128xf32, #tpu.memory_space<vmem_shared>>, %arg13: memref<!tpu.dma_semaphore, #tpu.memory_space<semaphore_mem>>, %arg14: memref<!tpu.dma_semaphore, #tpu.memory_space<semaphore_mem>>, %arg15: memref<!tpu.dma_semaphore, #tpu.memory_space<semaphore_mem>>, %arg16: memref<!tpu.dma_semaphore, #tpu.memory_space<semaphore_mem>>) attributes {dimension_semantics = [#tpu.dimension_semantics<core_parallel>, #tpu.dimension_semantics<subcore_parallel>], iteration_bounds = array<i64: 2, 16>, scalar_prefetch = 0 : i64, scratch_operands = 11 : i64, tpu.core_type = #tpu.core_type<sc_vector_subcore>, window_params = [{transform_indices = #map}, {transform_indices = #map1}, {transform_indices = #map1}, {transform_indices = #map2}]} {
    %mul3A = arith.constant 2 : i32
    %mul3A_0 = arith.muli %arg1, %mul3A : i32
    %add3A = arith.addi %mul3A_0, %arg0 : i32
    %mul3A_1 = arith.constant 1024 : i32
    %mul3A_2 = arith.muli %add3A, %mul3A_1 : i32
    %jit3A = arith.constant 4096 : i32
    %div3A = arith.divsi %mul3A_2, %jit3A : i32
    %sign3A = arith.constant 0 : i32
    %sign3A_3 = arith.cmpi sgt, %mul3A_2, %sign3A : i32
    %sign3A_4 = arith.extui %sign3A_3 : i1 to i32
    %sign3A_5 = arith.constant 0 : i32
    %sign3A_6 = arith.cmpi slt, %mul3A_2, %sign3A_5 : i32
    %sign3A_7 = arith.extui %sign3A_6 : i1 to i32
    %sign3A_8 = arith.subi %sign3A_4, %sign3A_7 : i32
    %sign3A_9 = arith.constant 0 : i32
    %sign3A_10 = arith.cmpi sgt, %jit3A, %sign3A_9 : i32
    %sign3A_11 = arith.extui %sign3A_10 : i1 to i32
    %sign3A_12 = arith.constant 0 : i32
    %sign3A_13 = arith.cmpi slt, %jit3A, %sign3A_12 : i32
    %sign3A_14 = arith.extui %sign3A_13 : i1 to i32
    %sign3A_15 = arith.subi %sign3A_11, %sign3A_14 : i32
    %ne3A = arith.cmpi ne, %sign3A_8, %sign3A_15 : i32
    %rem3A = arith.remsi %mul3A_2, %jit3A : i32
    %ne3A_16 = arith.constant 0 : i32
    %ne3A_17 = arith.cmpi ne, %rem3A, %ne3A_16 : i32
    %and3A = arith.andi %ne3A, %ne3A_17 : i1
    %sub3A = arith.constant 1 : i32
    %sub3A_18 = arith.subi %div3A, %sub3A : i32
    %select_n3A = arith.select %and3A, %sub3A_18, %div3A : i32
    %mul3A_19 = arith.constant 16 : i32
    %mul3A_20 = arith.muli %select_n3A, %mul3A_19 : i32
    %broadcast_in_dim3A = arith.constant 0.000000e+00 : f32
    %broadcast_in_dim3A_21 = vector.broadcast %broadcast_in_dim3A : f32 to vector<16xf32>
    %swap3A = arith.constant 0 : i32
    %swap3A_22 = arith.index_cast %swap3A : i32 to index
    %swap3A_23 = arith.constant 0 : index
    %swap3A_24 = tpu.vector_load %arg6[%swap3A_22, %swap3A_23] {strides = array<i32>} : memref<128x128xf32, #tpu.memory_space<vmem>>, vector<1x16xf32>,
    %swap3A_25 = vector.shape_cast %swap3A_24 : vector<1x16xf32> to vector<16xf32>
    %swap3A_26 = vector.shape_cast %broadcast_in_dim3A_21 : vector<16xf32> to vector<1x16xf32>
    tpu.vector_store %arg6[%swap3A_22, %swap3A_23], %swap3A_26 {strides = array<i32>} : memref<128x128xf32, #tpu.memory_space<vmem>>, vector<1x16xf32>,
    %swap3A_27 = arith.constant 0 : i32
    %swap3A_28 = arith.index_cast %swap3A_27 : i32 to index
    %swap3A_29 = arith.constant 16 : index
    %swap3A_30 = tpu.vector_load %arg6[%swap3A_28, %swap3A_29] {strides = array<i32>} : memref<128x128xf32, #tpu.memory_space<vmem>>, vector<1x16xf32>,
    %swap3A_31 = vector.shape_cast %swap3A_30 : vector<1x16xf32> to vector<16xf32>
    %swap3A_32 = vector.shape_cast %broadcast_in_dim3A_21 : vector<16xf32> to vector<1x16xf32>
    tpu.vector_store %arg6[%swap3A_28, %swap3A_29], %swap3A_32 {strides = array<i32>} : memref<128x128xf32, #tpu.memory_space<vmem>>, vector<1x16xf32>,
    %swap3A_33 = arith.constant 0 : i32
    %swap3A_34 = arith.index_cast %swap3A_33 : i32 to index
    %swap3A_35 = arith.constant 32 : index
    %swap3A_36 = tpu.vector_load %arg6[%swap3A_34, %swap3A_35] {strides = array<i32>} : memref<128x128xf32, #tpu.memory_space<vmem>>, vector<1x16xf32>,
    %swap3A_37 = vector.shape_cast %swap3A_36 : vector<1x16xf32> to vector<16xf32>
    %swap3A_38 = vector.shape_cast %broadcast_in_dim3A_21 : vector<16xf32> to vector<1x16xf32>
    tpu.vector_store %arg6[%swap3A_34, %swap3A_35], %swap3A_38 {strides = array<i32>} : memref<128x128xf32, #tpu.memory_space<vmem>>, vector<1x16xf32>,
    %swap3A_39 = arith.constant 0 : i32
    %swap3A_40 = arith.index_cast %swap3A_39 : i32 to index
    %swap3A_41 = arith.constant 48 : index
    %swap3A_42 = tpu.vector_load %arg6[%swap3A_40, %swap3A_41] {strides = array<i32>} : memref<128x128xf32, #tpu.memory_space<vmem>>, vector<1x16xf32>,
    %swap3A_43 = vector.shape_cast %swap3A_42 : vector<1x16xf32> to vector<16xf32>
    %swap3A_44 = vector.shape_cast %broadcast_in_dim3A_21 : vector<16xf32> to vector<1x16xf32>
    tpu.vector_store %arg6[%swap3A_40, %swap3A_41], %swap3A_44 {strides = array<i32>} : memref<128x128xf32, #tpu.memory_space<vmem>>, vector<1x16xf32>,
    %swap3A_45 = arith.constant 0 : i32
    %swap3A_46 = arith.index_cast %swap3A_45 : i32 to index
    %swap3A_47 = arith.constant 64 : index
    %swap3A_48 = tpu.vector_load %arg6[%swap3A_46, %swap3A_47] {strides = array<i32>} : memref<128x128xf32, #tpu.memory_space<vmem>>, vector<1x16xf32>,
    %swap3A_49 = vector.shape_cast %swap3A_48 : vector<1x16xf32> to vector<16xf32>
    %swap3A_50 = vector.shape_cast %broadcast_in_dim3A_21 : vector<16xf32> to vector<1x16xf32>
    tpu.vector_store %arg6[%swap3A_46, %swap3A_47], %swap3A_50 {strides = array<i32>} : memref<128x128xf32, #tpu.memory_space<vmem>>, vector<1x16xf32>,
    %swap3A_51 = arith.constant 0 : i32
    %swap3A_52 = arith.index_cast %swap3A_51 : i32 to index
    %swap3A_53 = arith.constant 80 : index
    %swap3A_54 = tpu.vector_load %arg6[%swap3A_52, %swap3A_53] {strides = array<i32>} : memref<128x128xf32, #tpu.memory_space<vmem>>, vector<1x16xf32>,
    %swap3A_55 = vector.shape_cast %swap3A_54 : vector<1x16xf32> to vector<16xf32>
    %swap3A_56 = vector.shape_cast %broadcast_in_dim3A_21 : vector<16xf32> to vector<1x16xf32>
    tpu.vector_store %arg6[%swap3A_52, %swap3A_53], %swap3A_56 {strides = array<i32>} : memref<128x128xf32, #tpu.memory_space<vmem>>, vector<1x16xf32>,
    %swap3A_57 = arith.constant 0 : i32
    %swap3A_58 = arith.index_cast %swap3A_57 : i32 to index
    %swap3A_59 = arith.constant 96 : index
    %swap3A_60 = tpu.vector_load %arg6[%swap3A_58, %swap3A_59] {strides = array<i32>} : memref<128x128xf32, #tpu.memory_space<vmem>>, vector<1x16xf32>,
    %swap3A_61 = vector.shape_cast %swap3A_60 : vector<1x16xf32> to vector<16xf32>
    %swap3A_62 = vector.shape_cast %broadcast_in_dim3A_21 : vector<16xf32> to vector<1x16xf32>
    tpu.vector_store %arg6[%swap3A_58, %swap3A_59], %swap3A_62 {strides = array<i32>} : memref<128x128xf32, #tpu.memory_space<vmem>>, vector<1x16xf32>,
    %swap3A_63 = arith.constant 0 : i32
    %swap3A_64 = arith.index_cast %swap3A_63 : i32 to index
    %swap3A_65 = arith.constant 112 : index
    %swap3A_66 = tpu.vector_load %arg6[%swap3A_64, %swap3A_65] {strides = array<i32>} : memref<128x128xf32, #tpu.memory_space<vmem>>, vector<1x16xf32>,
    %swap3A_67 = vector.shape_cast %swap3A_66 : vector<1x16xf32> to vector<16xf32>
    %swap3A_68 = vector.shape_cast %broadcast_in_dim3A_21 : vector<16xf32> to vector<1x16xf32>
    tpu.vector_store %arg6[%swap3A_64, %swap3A_65], %swap3A_68 {strides = array<i32>} : memref<128x128xf32, #tpu.memory_space<vmem>>, vector<1x16xf32>,
    %swap3A_69 = arith.constant 1 : i32
    %swap3A_70 = arith.index_cast %swap3A_69 : i32 to index
    %swap3A_71 = arith.constant 0 : index
    %swap3A_72 = tpu.vector_load %arg6[%swap3A_70, %swap3A_71] {strides = array<i32>} : memref<128x128xf32, #tpu.memory_space<vmem>>, vector<1x16xf32>,
    %swap3A_73 = vector.shape_cast %swap3A_72 : vector<1x16xf32> to vector<16xf32>
    %swap3A_74 = vector.shape_cast %broadcast_in_dim3A_21 : vector<16xf32> to vector<1x16xf32>
    tpu.vector_store %arg6[%swap3A_70, %swap3A_71], %swap3A_74 {strides = array<i32>} : memref<128x128xf32, #tpu.memory_space<vmem>>, vector<1x16xf32>,
    %swap3A_75 = arith.constant 1 : i32
    %swap3A_76 = arith.index_cast %swap3A_75 : i32 to index
    %swap3A_77 = arith.constant 16 : index
    %swap3A_78 = tpu.vector_load %arg6[%swap3A_76, %swap3A_77] {strides = array<i32>} : memref<128x128xf32, #tpu.memory_space<vmem>>, vector<1x16xf32>,
    %swap3A_79 = vector.shape_cast %swap3A_78 : vector<1x16xf32> to vector<16xf32>
    %swap3A_80 = vector.shape_cast %broadcast_in_dim3A_21 : vector<16xf32> to vector<1x16xf32>
    tpu.vector_store %arg6[%swap3A_76, %swap3A_77], %swap3A_80 {strides = array<i32>} : memref<128x128xf32, #tpu.memory_space<vmem>>, vector<1x16xf32>,
    %swap3A_81 = arith.constant 1 : i32
    %swap3A_82 = arith.index_cast %swap3A_81 : i32 to index
    %swap3A_83 = arith.constant 32 : index
    %swap3A_84 = tpu.vector_load %arg6[%swap3A_82, %swap3A_83] {strides = array<i32>} : memref<128x128xf32, #tpu.memory_space<vmem>>, vector<1x16xf32>,
    %swap3A_85 = vector.shape_cast %swap3A_84 : vector<1x16xf32> to vector<16xf32>
    %swap3A_86 = vector.shape_cast %broadcast_in_dim3A_21 : vector<16xf32> to vector<1x16xf32>
    tpu.vector_store %arg6[%swap3A_82, %swap3A_83], %swap3A_86 {strides = array<i32>} : memref<128x128xf32, #tpu.memory_space<vmem>>, vector<1x16xf32>,
    %swap3A_87 = arith.constant 1 : i32
    %swap3A_88 = arith.index_cast %swap3A_87 : i32 to index
    %swap3A_89 = arith.constant 48 : index
    %swap3A_90 = tpu.vector_load %arg6[%swap3A_88, %swap3A_89] {strides = array<i32>} : memref<128x128xf32, #tpu.memory_space<vmem>>, vector<1x16xf32>,
    %swap3A_91 = vector.shape_cast %swap3A_90 : vector<1x16xf32> to vector<16xf32>
    %swap3A_92 = vector.shape_cast %broadcast_in_dim3A_21 : vector<16xf32> to vector<1x16xf32>
    tpu.vector_store %arg6[%swap3A_88, %swap3A_89], %swap3A_92 {strides = array<i32>} : memref<128x128xf32, #tpu.memory_space<vmem>>, vector<1x16xf32>,
    %swap3A_93 = arith.constant 1 : i32
    %swap3A_94 = arith.index_cast %swap3A_93 : i32 to index
    %swap3A_95 = arith.constant 64 : index
    %swap3A_96 = tpu.vector_load %arg6[%swap3A_94, %swap3A_95] {strides = array<i32>} : memref<128x128xf32, #tpu.memory_space<vmem>>, vector<1x16xf32>,
    %swap3A_97 = vector.shape_cast %swap3A_96 : vector<1x16xf32> to vector<16xf32>
    %swap3A_98 = vector.shape_cast %broadcast_in_dim3A_21 : vector<16xf32> to vector<1x16xf32>
    tpu.vector_store %arg6[%swap3A_94, %swap3A_95], %swap3A_98 {strides = array<i32>} : memref<128x128xf32, #tpu.memory_space<vmem>>, vector<1x16xf32>,
    %swap3A_99 = arith.constant 1 : i32
    %swap3A_100 = arith.index_cast %swap3A_99 : i32 to index
    %swap3A_101 = arith.constant 80 : index
    %swap3A_102 = tpu.vector_load %arg6[%swap3A_100, %swap3A_101] {strides = array<i32>} : memref<128x128xf32, #tpu.memory_space<vmem>>, vector<1x16xf32>,
    %swap3A_103 = vector.shape_cast %swap3A_102 : vector<1x16xf32> to vector<16xf32>
    %swap3A_104 = vector.shape_cast %broadcast_in_dim3A_21 : vector<16xf32> to vector<1x16xf32>
    tpu.vector_store %arg6[%swap3A_100, %swap3A_101], %swap3A_104 {strides = array<i32>} : memref<128x128xf32, #tpu.memory_space<vmem>>, vector<1x16xf32>,
    %swap3A_105 = arith.constant 1 : i32
    %swap3A_106 = arith.index_cast %swap3A_105 : i32 to index
    %swap3A_107 = arith.constant 96 : index
    %swap3A_108 = tpu.vector_load %arg6[%swap3A_106, %swap3A_107] {strides = array<i32>} : memref<128x128xf32, #tpu.memory_space<vmem>>, vector<1x16xf32>,
    %swap3A_109 = vector.shape_cast %swap3A_108 : vector<1x16xf32> to vector<16xf32>
    %swap3A_110 = vector.shape_cast %broadcast_in_dim3A_21 : vector<16xf32> to vector<1x16xf32>
    tpu.vector_store %arg6[%swap3A_106, %swap3A_107], %swap3A_110 {strides = array<i32>} : memref<128x128xf32, #tpu.memory_space<vmem>>, vector<1x16xf32>,
    %swap3A_111 = arith.constant 1 : i32
    %swap3A_112 = arith.index_cast %swap3A_111 : i32 to index
    %swap3A_113 = arith.constant 112 : index
    %swap3A_114 = tpu.vector_load %arg6[%swap3A_112, %swap3A_113] {strides = array<i32>} : memref<128x128xf32, #tpu.memory_space<vmem>>, vector<1x16xf32>,
    %swap3A_115 = vector.shape_cast %swap3A_114 : vector<1x16xf32> to vector<16xf32>
    %swap3A_116 = vector.shape_cast %broadcast_in_dim3A_21 : vector<16xf32> to vector<1x16xf32>
    tpu.vector_store %arg6[%swap3A_112, %swap3A_113], %swap3A_116 {strides = array<i32>} : memref<128x128xf32, #tpu.memory_space<vmem>>, vector<1x16xf32>,
    %swap3A_117 = arith.constant 2 : i32
    %swap3A_118 = arith.index_cast %swap3A_117 : i32 to index
    %swap3A_119 = arith.constant 0 : index
    %swap3A_120 = tpu.vector_load %arg6[%swap3A_118, %swap3A_119] {strides = array<i32>} : memref<128x128xf32, #tpu.memory_space<vmem>>, vector<1x16xf32>,
    %swap3A_121 = vector.shape_cast %swap3A_120 : vector<1x16xf32> to vector<16xf32>
    %swap3A_122 = vector.shape_cast %broadcast_in_dim3A_21 : vector<16xf32> to vector<1x16xf32>
    tpu.vector_store %arg6[%swap3A_118, %swap3A_119], %swap3A_122 {strides = array<i32>} : memref<128x128xf32, #tpu.memory_space<vmem>>, vector<1x16xf32>,
    %swap3A_123 = arith.constant 2 : i32
    %swap3A_124 = arith.index_cast %swap3A_123 : i32 to index
    %swap3A_125 = arith.constant 16 : index
    %swap3A_126 = tpu.vector_load %arg6[%swap3A_124, %swap3A_125] {strides = array<i32>} : memref<128x128xf32, #tpu.memory_space<vmem>>, vector<1x16xf32>,
    %swap3A_127 = vector.shape_cast %swap3A_126 : vector<1x16xf32> to vector<16xf32>
    %swap3A_128 = vector.shape_cast %broadcast_in_dim3A_21 : vector<16xf32> to vector<1x16xf32>
    tpu.vector_store %arg6[%swap3A_124, %swap3A_125], %swap3A_128 {strides = array<i32>} : memref<128x128xf32, #tpu.memory_space<vmem>>, vector<1x16xf32>,
    %swap3A_129 = arith.constant 2 : i32
    %swap3A_130 = arith.index_cast %swap3A_129 : i32 to index
    %swap3A_131 = arith.constant 32 : index
    %swap3A_132 = tpu.vector_load %arg6[%swap3A_130, %swap3A_131] {strides = array<i32>} : memref<128x128xf32, #tpu.memory_space<vmem>>, vector<1x16xf32>,
    %swap3A_133 = vector.shape_cast %swap3A_132 : vector<1x16xf32> to vector<16xf32>
    %swap3A_134 = vector.shape_cast %broadcast_in_dim3A_21 : vector<16xf32> to vector<1x16xf32>
    tpu.vector_store %arg6[%swap3A_130, %swap3A_131], %swap3A_134 {strides = array<i32>} : memref<128x128xf32, #tpu.memory_space<vmem>>, vector<1x16xf32>,
    %swap3A_135 = arith.constant 2 : i32
    %swap3A_136 = arith.index_cast %swap3A_135 : i32 to index
    %swap3A_137 = arith.constant 48 : index
    %swap3A_138 = tpu.vector_load %arg6[%swap3A_136, %swap3A_137] {strides = array<i32>} : memref<128x128xf32, #tpu.memory_space<vmem>>, vector<1x16xf32>,
    %swap3A_139 = vector.shape_cast %swap3A_138 : vector<1x16xf32> to vector<16xf32>
    %swap3A_140 = vector.shape_cast %broadcast_in_dim3A_21 : vector<16xf32> to vector<1x16xf32>
    tpu.vector_store %arg6[%swap3A_136, %swap3A_137], %swap3A_140 {strides = array<i32>} : memref<128x128xf32, #tpu.memory_space<vmem>>, vector<1x16xf32>,
    %swap3A_141 = arith.constant 2 : i32
    %swap3A_142 = arith.index_cast %swap3A_141 : i32 to index
    %swap3A_143 = arith.constant 64 : index
    %swap3A_144 = tpu.vector_load %arg6[%swap3A_142, %swap3A_143] {strides = array<i32>} : memref<128x128xf32, #tpu.memory_space<vmem>>, vector<1x16xf32>,
    %swap3A_145 = vector.shape_cast %swap3A_144 : vector<1x16xf32> to vector<16xf32>
    %swap3A_146 = vector.shape_cast %broadcast_in_dim3A_21 : vector<16xf32> to vector<1x16xf32>
    tpu.vector_store %arg6[%swap3A_142, %swap3A_143], %swap3A_146 {strides = array<i32>} : memref<128x128xf32, #tpu.memory_space<vmem>>, vector<1x16xf32>,
    %swap3A_147 = arith.constant 2 : i32
    %swap3A_148 = arith.index_cast %swap3A_147 : i32 to index
    %swap3A_149 = arith.constant 80 : index
    %swap3A_150 = tpu.vector_load %arg6[%swap3A_148, %swap3A_149] {strides = array<i32>} : memref<128x128xf32, #tpu.memory_space<vmem>>, vector<1x16xf32>,
    %swap3A_151 = vector.shape_cast %swap3A_150 : vector<1x16xf32> to vector<16xf32>
    %swap3A_152 = vector.shape_cast %broadcast_in_dim3A_21 : vector<16xf32> to vector<1x16xf32>
    tpu.vector_store %arg6[%swap3A_148, %swap3A_149], %swap3A_152 {strides = array<i32>} : memref<128x128xf32, #tpu.memory_space<vmem>>, vector<1x16xf32>,
    %swap3A_153 = arith.constant 2 : i32
    %swap3A_154 = arith.index_cast %swap3A_153 : i32 to index
    %swap3A_155 = arith.constant 96 : index
    %swap3A_156 = tpu.vector_load %arg6[%swap3A_154, %swap3A_155] {strides = array<i32>} : memref<128x128xf32, #tpu.memory_space<vmem>>, vector<1x16xf32>,
    %swap3A_157 = vector.shape_cast %swap3A_156 : vector<1x16xf32> to vector<16xf32>
    %swap3A_158 = vector.shape_cast %broadcast_in_dim3A_21 : vector<16xf32> to vector<1x16xf32>
    tpu.vector_store %arg6[%swap3A_154, %swap3A_155], %swap3A_158 {strides = array<i32>} : memref<128x128xf32, #tpu.memory_space<vmem>>, vector<1x16xf32>,
    %swap3A_159 = arith.constant 2 : i32
    %swap3A_160 = arith.index_cast %swap3A_159 : i32 to index
    %swap3A_161 = arith.constant 112 : index
    %swap3A_162 = tpu.vector_load %arg6[%swap3A_160, %swap3A_161] {strides = array<i32>} : memref<128x128xf32, #tpu.memory_space<vmem>>, vector<1x16xf32>,
    %swap3A_163 = vector.shape_cast %swap3A_162 : vector<1x16xf32> to vector<16xf32>
    %swap3A_164 = vector.shape_cast %broadcast_in_dim3A_21 : vector<16xf32> to vector<1x16xf32>
    tpu.vector_store %arg6[%swap3A_160, %swap3A_161], %swap3A_164 {strides = array<i32>} : memref<128x128xf32, #tpu.memory_space<vmem>>, vector<1x16xf32>,
    %swap3A_165 = arith.constant 3 : i32
    %swap3A_166 = arith.index_cast %swap3A_165 : i32 to index
    %swap3A_167 = arith.constant 0 : index
    %swap3A_168 = tpu.vector_load %arg6[%swap3A_166, %swap3A_167] {strides = array<i32>} : memref<128x128xf32, #tpu.memory_space<vmem>>, vector<1x16xf32>,
    %swap3A_169 = vector.shape_cast %swap3A_168 : vector<1x16xf32> to vector<16xf32>
    %swap3A_170 = vector.shape_cast %broadcast_in_dim3A_21 : vector<16xf32> to vector<1x16xf32>
    tpu.vector_store %arg6[%swap3A_166, %swap3A_167], %swap3A_170 {strides = array<i32>} : memref<128x128xf32, #tpu.memory_space<vmem>>, vector<1x16xf32>,
    %swap3A_171 = arith.constant 3 : i32
    %swap3A_172 = arith.index_cast %swap3A_171 : i32 to index
    %swap3A_173 = arith.constant 16 : index
    %swap3A_174 = tpu.vector_load %arg6[%swap3A_172, %swap3A_173] {strides = array<i32>} : memref<128x128xf32, #tpu.memory_space<vmem>>, vector<1x16xf32>,
    %swap3A_175 = vector.shape_cast %swap3A_174 : vector<1x16xf32> to vector<16xf32>
    %swap3A_176 = vector.shape_cast %broadcast_in_dim3A_21 : vector<16xf32> to vector<1x16xf32>
    tpu.vector_store %arg6[%swap3A_172, %swap3A_173], %swap3A_176 {strides = array<i32>} : memref<128x128xf32, #tpu.memory_space<vmem>>, vector<1x16xf32>,
    %swap3A_177 = arith.constant 3 : i32
    %swap3A_178 = arith.index_cast %swap3A_177 : i32 to index
    %swap3A_179 = arith.constant 32 : index
    %swap3A_180 = tpu.vector_load %arg6[%swap3A_178, %swap3A_179] {strides = array<i32>} : memref<128x128xf32, #tpu.memory_space<vmem>>, vector<1x16xf32>,
    %swap3A_181 = vector.shape_cast %swap3A_180 : vector<1x16xf32> to vector<16xf32>
    %swap3A_182 = vector.shape_cast %broadcast_in_dim3A_21 : vector<16xf32> to vector<1x16xf32>
    tpu.vector_store %arg6[%swap3A_178, %swap3A_179], %swap3A_182 {strides = array<i32>} : memref<128x128xf32, #tpu.memory_space<vmem>>, vector<1x16xf32>,
    %swap3A_183 = arith.constant 3 : i32
    %swap3A_184 = arith.index_cast %swap3A_183 : i32 to index
    %swap3A_185 = arith.constant 48 : index
    %swap3A_186 = tpu.vector_load %arg6[%swap3A_184, %swap3A_185] {strides = array<i32>} : memref<128x128xf32, #tpu.memory_space<vmem>>, vector<1x16xf32>,
    %swap3A_187 = vector.shape_cast %swap3A_186 : vector<1x16xf32> to vector<16xf32>
    %swap3A_188 = vector.shape_cast %broadcast_in_dim3A_21 : vector<16xf32> to vector<1x16xf32>
    tpu.vector_store %arg6[%swap3A_184, %swap3A_185], %swap3A_188 {strides = array<i32>} : memref<128x128xf32, #tpu.memory_space<vmem>>, vector<1x16xf32>,
    %swap3A_189 = arith.constant 3 : i32
    %swap3A_190 = arith.index_cast %swap3A_189 : i32 to index
    %swap3A_191 = arith.constant 64 : index
    %swap3A_192 = tpu.vector_load %arg6[%swap3A_190, %swap3A_191] {strides = array<i32>} : memref<128x128xf32, #tpu.memory_space<vmem>>, vector<1x16xf32>,
    %swap3A_193 = vector.shape_cast %swap3A_192 : vector<1x16xf32> to vector<16xf32>
    %swap3A_194 = vector.shape_cast %broadcast_in_dim3A_21 : vector<16xf32> to vector<1x16xf32>
    tpu.vector_store %arg6[%swap3A_190, %swap3A_191], %swap3A_194 {strides = array<i32>} : memref<128x128xf32, #tpu.memory_space<vmem>>, vector<1x16xf32>,
    %swap3A_195 = arith.constant 3 : i32
    %swap3A_196 = arith.index_cast %swap3A_195 : i32 to index
    %swap3A_197 = arith.constant 80 : index
    %swap3A_198 = tpu.vector_load %arg6[%swap3A_196, %swap3A_197] {strides = array<i32>} : memref<128x128xf32, #tpu.memory_space<vmem>>, vector<1x16xf32>,
    %swap3A_199 = vector.shape_cast %swap3A_198 : vector<1x16xf32> to vector<16xf32>
    %swap3A_200 = vector.shape_cast %broadcast_in_dim3A_21 : vector<16xf32> to vector<1x16xf32>
    tpu.vector_store %arg6[%swap3A_196, %swap3A_197], %swap3A_200 {strides = array<i32>} : memref<128x128xf32, #tpu.memory_space<vmem>>, vector<1x16xf32>,
    %swap3A_201 = arith.constant 3 : i32
    %swap3A_202 = arith.index_cast %swap3A_201 : i32 to index
    %swap3A_203 = arith.constant 96 : index
    %swap3A_204 = tpu.vector_load %arg6[%swap3A_202, %swap3A_203] {strides = array<i32>} : memref<128x128xf32, #tpu.memory_space<vmem>>, vector<1x16xf32>,
    %swap3A_205 = vector.shape_cast %swap3A_204 : vector<1x16xf32> to vector<16xf32>
    %swap3A_206 = vector.shape_cast %broadcast_in_dim3A_21 : vector<16xf32> to vector<1x16xf32>
    tpu.vector_store %arg6[%swap3A_202, %swap3A_203], %swap3A_206 {strides = array<i32>} : memref<128x128xf32, #tpu.memory_space<vmem>>, vector<1x16xf32>,
    %swap3A_207 = arith.constant 3 : i32
    %swap3A_208 = arith.index_cast %swap3A_207 : i32 to index
    %swap3A_209 = arith.constant 112 : index
    %swap3A_210 = tpu.vector_load %arg6[%swap3A_208, %swap3A_209] {strides = array<i32>} : memref<128x128xf32, #tpu.memory_space<vmem>>, vector<1x16xf32>,
    %swap3A_211 = vector.shape_cast %swap3A_210 : vector<1x16xf32> to vector<16xf32>
    %swap3A_212 = vector.shape_cast %broadcast_in_dim3A_21 : vector<16xf32> to vector<1x16xf32>
    tpu.vector_store %arg6[%swap3A_208, %swap3A_209], %swap3A_212 {strides = array<i32>} : memref<128x128xf32, #tpu.memory_space<vmem>>, vector<1x16xf32>,
    %swap3A_213 = arith.constant 4 : i32
    %swap3A_214 = arith.index_cast %swap3A_213 : i32 to index
    %swap3A_215 = arith.constant 0 : index
    %swap3A_216 = tpu.vector_load %arg6[%swap3A_214, %swap3A_215] {strides = array<i32>} : memref<128x128xf32, #tpu.memory_space<vmem>>, vector<1x16xf32>,
    %swap3A_217 = vector.shape_cast %swap3A_216 : vector<1x16xf32> to vector<16xf32>
    %swap3A_218 = vector.shape_cast %broadcast_in_dim3A_21 : vector<16xf32> to vector<1x16xf32>
    tpu.vector_store %arg6[%swap3A_214, %swap3A_215], %swap3A_218 {strides = array<i32>} : memref<128x128xf32, #tpu.memory_space<vmem>>, vector<1x16xf32>,
    %swap3A_219 = arith.constant 4 : i32
    %swap3A_220 = arith.index_cast %swap3A_219 : i32 to index
    %swap3A_221 = arith.constant 16 : index
    %swap3A_222 = tpu.vector_load %arg6[%swap3A_220, %swap3A_221] {strides = array<i32>} : memref<128x128xf32, #tpu.memory_space<vmem>>, vector<1x16xf32>,
    %swap3A_223 = vector.shape_cast %swap3A_222 : vector<1x16xf32> to vector<16xf32>
    %swap3A_224 = vector.shape_cast %broadcast_in_dim3A_21 : vector<16xf32> to vector<1x16xf32>
    tpu.vector_store %arg6[%swap3A_220, %swap3A_221], %swap3A_224 {strides = array<i32>} : memref<128x128xf32, #tpu.memory_space<vmem>>, vector<1x16xf32>,
    %swap3A_225 = arith.constant 4 : i32
    %swap3A_226 = arith.index_cast %swap3A_225 : i32 to index
    %swap3A_227 = arith.constant 32 : index
    %swap3A_228 = tpu.vector_load %arg6[%swap3A_226, %swap3A_227] {strides = array<i32>} : memref<128x128xf32, #tpu.memory_space<vmem>>, vector<1x16xf32>,
    %swap3A_229 = vector.shape_cast %swap3A_228 : vector<1x16xf32> to vector<16xf32>
    %swap3A_230 = vector.shape_cast %broadcast_in_dim3A_21 : vector<16xf32> to vector<1x16xf32>
    tpu.vector_store %arg6[%swap3A_226, %swap3A_227], %swap3A_230 {strides = array<i32>} : memref<128x128xf32, #tpu.memory_space<vmem>>, vector<1x16xf32>,
    %swap3A_231 = arith.constant 4 : i32
    %swap3A_232 = arith.index_cast %swap3A_231 : i32 to index
    %swap3A_233 = arith.constant 48 : index
    %swap3A_234 = tpu.vector_load %arg6[%swap3A_232, %swap3A_233] {strides = array<i32>} : memref<128x128xf32, #tpu.memory_space<vmem>>, vector<1x16xf32>,
    %swap3A_235 = vector.shape_cast %swap3A_234 : vector<1x16xf32> to vector<16xf32>
    %swap3A_236 = vector.shape_cast %broadcast_in_dim3A_21 : vector<16xf32> to vector<1x16xf32>
    tpu.vector_store %arg6[%swap3A_232, %swap3A_233], %swap3A_236 {strides = array<i32>} : memref<128x128xf32, #tpu.memory_space<vmem>>, vector<1x16xf32>,
    %swap3A_237 = arith.constant 4 : i32
    %swap3A_238 = arith.index_cast %swap3A_237 : i32 to index
    %swap3A_239 = arith.constant 64 : index
    %swap3A_240 = tpu.vector_load %arg6[%swap3A_238, %swap3A_239] {strides = array<i32>} : memref<128x128xf32, #tpu.memory_space<vmem>>, vector<1x16xf32>,
    %swap3A_241 = vector.shape_cast %swap3A_240 : vector<1x16xf32> to vector<16xf32>
    %swap3A_242 = vector.shape_cast %broadcast_in_dim3A_21 : vector<16xf32> to vector<1x16xf32>
    tpu.vector_store %arg6[%swap3A_238, %swap3A_239], %swap3A_242 {strides = array<i32>} : memref<128x128xf32, #tpu.memory_space<vmem>>, vector<1x16xf32>,
    %swap3A_243 = arith.constant 4 : i32
    %swap3A_244 = arith.index_cast %swap3A_243 : i32 to index
    %swap3A_245 = arith.constant 80 : index
    %swap3A_246 = tpu.vector_load %arg6[%swap3A_244, %swap3A_245] {strides = array<i32>} : memref<128x128xf32, #tpu.memory_space<vmem>>, vector<1x16xf32>,
    %swap3A_247 = vector.shape_cast %swap3A_246 : vector<1x16xf32> to vector<16xf32>
    %swap3A_248 = vector.shape_cast %broadcast_in_dim3A_21 : vector<16xf32> to vector<1x16xf32>
    tpu.vector_store %arg6[%swap3A_244, %swap3A_245], %swap3A_248 {strides = array<i32>} : memref<128x128xf32, #tpu.memory_space<vmem>>, vector<1x16xf32>,
    %swap3A_249 = arith.constant 4 : i32
    %swap3A_250 = arith.index_cast %swap3A_249 : i32 to index
    %swap3A_251 = arith.constant 96 : index
    %swap3A_252 = tpu.vector_load %arg6[%swap3A_250, %swap3A_251] {strides = array<i32>} : memref<128x128xf32, #tpu.memory_space<vmem>>, vector<1x16xf32>,
    %swap3A_253 = vector.shape_cast %swap3A_252 : vector<1x16xf32> to vector<16xf32>
    %swap3A_254 = vector.shape_cast %broadcast_in_dim3A_21 : vector<16xf32> to vector<1x16xf32>
    tpu.vector_store %arg6[%swap3A_250, %swap3A_251], %swap3A_254 {strides = array<i32>} : memref<128x128xf32, #tpu.memory_space<vmem>>, vector<1x16xf32>,
    %swap3A_255 = arith.constant 4 : i32
    %swap3A_256 = arith.index_cast %swap3A_255 : i32 to index
    %swap3A_257 = arith.constant 112 : index
    %swap3A_258 = tpu.vector_load %arg6[%swap3A_256, %swap3A_257] {strides = array<i32>} : memref<128x128xf32, #tpu.memory_space<vmem>>, vector<1x16xf32>,
    %swap3A_259 = vector.shape_cast %swap3A_258 : vector<1x16xf32> to vector<16xf32>
    %swap3A_260 = vector.shape_cast %broadcast_in_dim3A_21 : vector<16xf32> to vector<1x16xf32>
    tpu.vector_store %arg6[%swap3A_256, %swap3A_257], %swap3A_260 {strides = array<i32>} : memref<128x128xf32, #tpu.memory_space<vmem>>, vector<1x16xf32>,
    %swap3A_261 = arith.constant 5 : i32
    %swap3A_262 = arith.index_cast %swap3A_261 : i32 to index
    %swap3A_263 = arith.constant 0 : index
    %swap3A_264 = tpu.vector_load %arg6[%swap3A_262, %swap3A_263] {strides = array<i32>} : memref<128x128xf32, #tpu.memory_space<vmem>>, vector<1x16xf32>,
    %swap3A_265 = vector.shape_cast %swap3A_264 : vector<1x16xf32> to vector<16xf32>
    %swap3A_266 = vector.shape_cast %broadcast_in_dim3A_21 : vector<16xf32> to vector<1x16xf32>
    tpu.vector_store %arg6[%swap3A_262, %swap3A_263], %swap3A_266 {strides = array<i32>} : memref<128x128xf32, #tpu.memory_space<vmem>>, vector<1x16xf32>,
    %swap3A_267 = arith.constant 5 : i32
    %swap3A_268 = arith.index_cast %swap3A_267 : i32 to index
    %swap3A_269 = arith.constant 16 : index
    %swap3A_270 = tpu.vector_load %arg6[%swap3A_268, %swap3A_269] {strides = array<i32>} : memref<128x128xf32, #tpu.memory_space<vmem>>, vector<1x16xf32>,
    %swap3A_271 = vector.shape_cast %swap3A_270 : vector<1x16xf32> to vector<16xf32>
    %swap3A_272 = vector.shape_cast %broadcast_in_dim3A_21 : vector<16xf32> to vector<1x16xf32>
    tpu.vector_store %arg6[%swap3A_268, %swap3A_269], %swap3A_272 {strides = array<i32>} : memref<128x128xf32, #tpu.memory_space<vmem>>, vector<1x16xf32>,
    %swap3A_273 = arith.constant 5 : i32
    %swap3A_274 = arith.index_cast %swap3A_273 : i32 to index
    %swap3A_275 = arith.constant 32 : index
    %swap3A_276 = tpu.vector_load %arg6[%swap3A_274, %swap3A_275] {strides = array<i32>} : memref<128x128xf32, #tpu.memory_space<vmem>>, vector<1x16xf32>,
    %swap3A_277 = vector.shape_cast %swap3A_276 : vector<1x16xf32> to vector<16xf32>
    %swap3A_278 = vector.shape_cast %broadcast_in_dim3A_21 : vector<16xf32> to vector<1x16xf32>
    tpu.vector_store %arg6[%swap3A_274, %swap3A_275], %swap3A_278 {strides = array<i32>} : memref<128x128xf32, #tpu.memory_space<vmem>>, vector<1x16xf32>,
    %swap3A_279 = arith.constant 5 : i32
    %swap3A_280 = arith.index_cast %swap3A_279 : i32 to index
    %swap3A_281 = arith.constant 48 : index
    %swap3A_282 = tpu.vector_load %arg6[%swap3A_280, %swap3A_281] {strides = array<i32>} : memref<128x128xf32, #tpu.memory_space<vmem>>, vector<1x16xf32>,
    %swap3A_283 = vector.shape_cast %swap3A_282 : vector<1x16xf32> to vector<16xf32>
    %swap3A_284 = vector.shape_cast %broadcast_in_dim3A_21 : vector<16xf32> to vector<1x16xf32>
    tpu.vector_store %arg6[%swap3A_280, %swap3A_281], %swap3A_284 {strides = array<i32>} : memref<128x128xf32, #tpu.memory_space<vmem>>, vector<1x16xf32>,
    %swap3A_285 = arith.constant 5 : i32
    %swap3A_286 = arith.index_cast %swap3A_285 : i32 to index
    %swap3A_287 = arith.constant 64 : index
    %swap3A_288 = tpu.vector_load %arg6[%swap3A_286, %swap3A_287] {strides = array<i32>} : memref<128x128xf32, #tpu.memory_space<vmem>>, vector<1x16xf32>,
    %swap3A_289 = vector.shape_cast %swap3A_288 : vector<1x16xf32> to vector<16xf32>
    %swap3A_290 = vector.shape_cast %broadcast_in_dim3A_21 : vector<16xf32> to vector<1x16xf32>
    tpu.vector_store %arg6[%swap3A_286, %swap3A_287], %swap3A_290 {strides = array<i32>} : memref<128x128xf32, #tpu.memory_space<vmem>>, vector<1x16xf32>,
    %swap3A_291 = arith.constant 5 : i32
    %swap3A_292 = arith.index_cast %swap3A_291 : i32 to index
    %swap3A_293 = arith.constant 80 : index
    %swap3A_294 = tpu.vector_load %arg6[%swap3A_292, %swap3A_293] {strides = array<i32>} : memref<128x128xf32, #tpu.memory_space<vmem>>, vector<1x16xf32>,
    %swap3A_295 = vector.shape_cast %swap3A_294 : vector<1x16xf32> to vector<16xf32>
    %swap3A_296 = vector.shape_cast %broadcast_in_dim3A_21 : vector<16xf32> to vector<1x16xf32>
    tpu.vector_store %arg6[%swap3A_292, %swap3A_293], %swap3A_296 {strides = array<i32>} : memref<128x128xf32, #tpu.memory_space<vmem>>, vector<1x16xf32>,
    %swap3A_297 = arith.constant 5 : i32
    %swap3A_298 = arith.index_cast %swap3A_297 : i32 to index
    %swap3A_299 = arith.constant 96 : index
    %swap3A_300 = tpu.vector_load %arg6[%swap3A_298, %swap3A_299] {strides = array<i32>} : memref<128x128xf32, #tpu.memory_space<vmem>>, vector<1x16xf32>,
    %swap3A_301 = vector.shape_cast %swap3A_300 : vector<1x16xf32> to vector<16xf32>
    %swap3A_302 = vector.shape_cast %broadcast_in_dim3A_21 : vector<16xf32> to vector<1x16xf32>
    tpu.vector_store %arg6[%swap3A_298, %swap3A_299], %swap3A_302 {strides = array<i32>} : memref<128x128xf32, #tpu.memory_space<vmem>>, vector<1x16xf32>,
    %swap3A_303 = arith.constant 5 : i32
    %swap3A_304 = arith.index_cast %swap3A_303 : i32 to index
    %swap3A_305 = arith.constant 112 : index
    %swap3A_306 = tpu.vector_load %arg6[%swap3A_304, %swap3A_305] {strides = array<i32>} : memref<128x128xf32, #tpu.memory_space<vmem>>, vector<1x16xf32>,
    %swap3A_307 = vector.shape_cast %swap3A_306 : vector<1x16xf32> to vector<16xf32>
    %swap3A_308 = vector.shape_cast %broadcast_in_dim3A_21 : vector<16xf32> to vector<1x16xf32>
    tpu.vector_store %arg6[%swap3A_304, %swap3A_305], %swap3A_308 {strides = array<i32>} : memref<128x128xf32, #tpu.memory_space<vmem>>, vector<1x16xf32>,
    %swap3A_309 = arith.constant 6 : i32
    %swap3A_310 = arith.index_cast %swap3A_309 : i32 to index
    %swap3A_311 = arith.constant 0 : index
    %swap3A_312 = tpu.vector_load %arg6[%swap3A_310, %swap3A_311] {strides = array<i32>} : memref<128x128xf32, #tpu.memory_space<vmem>>, vector<1x16xf32>,
    %swap3A_313 = vector.shape_cast %swap3A_312 : vector<1x16xf32> to vector<16xf32>
    %swap3A_314 = vector.shape_cast %broadcast_in_dim3A_21 : vector<16xf32> to vector<1x16xf32>
    tpu.vector_store %arg6[%swap3A_310, %swap3A_311], %swap3A_314 {strides = array<i32>} : memref<128x128xf32, #tpu.memory_space<vmem>>, vector<1x16xf32>,
    %swap3A_315 = arith.constant 6 : i32
    %swap3A_316 = arith.index_cast %swap3A_315 : i32 to index
    %swap3A_317 = arith.constant 16 : index
    %swap3A_318 = tpu.vector_load %arg6[%swap3A_316, %swap3A_317] {strides = array<i32>} : memref<128x128xf32, #tpu.memory_space<vmem>>, vector<1x16xf32>,
    %swap3A_319 = vector.shape_cast %swap3A_318 : vector<1x16xf32> to vector<16xf32>
    %swap3A_320 = vector.shape_cast %broadcast_in_dim3A_21 : vector<16xf32> to vector<1x16xf32>
    tpu.vector_store %arg6[%swap3A_316, %swap3A_317], %swap3A_320 {strides = array<i32>} : memref<128x128xf32, #tpu.memory_space<vmem>>, vector<1x16xf32>,
    %swap3A_321 = arith.constant 6 : i32
    %swap3A_322 = arith.index_cast %swap3A_321 : i32 to index
    %swap3A_323 = arith.constant 32 : index
    %swap3A_324 = tpu.vector_load %arg6[%swap3A_322, %swap3A_323] {strides = array<i32>} : memref<128x128xf32, #tpu.memory_space<vmem>>, vector<1x16xf32>,
    %swap3A_325 = vector.shape_cast %swap3A_324 : vector<1x16xf32> to vector<16xf32>
    %swap3A_326 = vector.shape_cast %broadcast_in_dim3A_21 : vector<16xf32> to vector<1x16xf32>
    tpu.vector_store %arg6[%swap3A_322, %swap3A_323], %swap3A_326 {strides = array<i32>} : memref<128x128xf32, #tpu.memory_space<vmem>>, vector<1x16xf32>,
    %swap3A_327 = arith.constant 6 : i32
    %swap3A_328 = arith.index_cast %swap3A_327 : i32 to index
    %swap3A_329 = arith.constant 48 : index
    %swap3A_330 = tpu.vector_load %arg6[%swap3A_328, %swap3A_329] {strides = array<i32>} : memref<128x128xf32, #tpu.memory_space<vmem>>, vector<1x16xf32>,
    %swap3A_331 = vector.shape_cast %swap3A_330 : vector<1x16xf32> to vector<16xf32>
    %swap3A_332 = vector.shape_cast %broadcast_in_dim3A_21 : vector<16xf32> to vector<1x16xf32>
    tpu.vector_store %arg6[%swap3A_328, %swap3A_329], %swap3A_332 {strides = array<i32>} : memref<128x128xf32, #tpu.memory_space<vmem>>, vector<1x16xf32>,
    %swap3A_333 = arith.constant 6 : i32
    %swap3A_334 = arith.index_cast %swap3A_333 : i32 to index
    %swap3A_335 = arith.constant 64 : index
    %swap3A_336 = tpu.vector_load %arg6[%swap3A_334, %swap3A_335] {strides = array<i32>} : memref<128x128xf32, #tpu.memory_space<vmem>>, vector<1x16xf32>,
    %swap3A_337 = vector.shape_cast %swap3A_336 : vector<1x16xf32> to vector<16xf32>
    %swap3A_338 = vector.shape_cast %broadcast_in_dim3A_21 : vector<16xf32> to vector<1x16xf32>
    tpu.vector_store %arg6[%swap3A_334, %swap3A_335], %swap3A_338 {strides = array<i32>} : memref<128x128xf32, #tpu.memory_space<vmem>>, vector<1x16xf32>,
    %swap3A_339 = arith.constant 6 : i32
    %swap3A_340 = arith.index_cast %swap3A_339 : i32 to index
    %swap3A_341 = arith.constant 80 : index
    %swap3A_342 = tpu.vector_load %arg6[%swap3A_340, %swap3A_341] {strides = array<i32>} : memref<128x128xf32, #tpu.memory_space<vmem>>, vector<1x16xf32>,
    %swap3A_343 = vector.shape_cast %swap3A_342 : vector<1x16xf32> to vector<16xf32>
    %swap3A_344 = vector.shape_cast %broadcast_in_dim3A_21 : vector<16xf32> to vector<1x16xf32>
    tpu.vector_store %arg6[%swap3A_340, %swap3A_341], %swap3A_344 {strides = array<i32>} : memref<128x128xf32, #tpu.memory_space<vmem>>, vector<1x16xf32>,
    %swap3A_345 = arith.constant 6 : i32
    %swap3A_346 = arith.index_cast %swap3A_345 : i32 to index
    %swap3A_347 = arith.constant 96 : index
    %swap3A_348 = tpu.vector_load %arg6[%swap3A_346, %swap3A_347] {strides = array<i32>} : memref<128x128xf32, #tpu.memory_space<vmem>>, vector<1x16xf32>,
    %swap3A_349 = vector.shape_cast %swap3A_348 : vector<1x16xf32> to vector<16xf32>
    %swap3A_350 = vector.shape_cast %broadcast_in_dim3A_21 : vector<16xf32> to vector<1x16xf32>
    tpu.vector_store %arg6[%swap3A_346, %swap3A_347], %swap3A_350 {strides = array<i32>} : memref<128x128xf32, #tpu.memory_space<vmem>>, vector<1x16xf32>,
    %swap3A_351 = arith.constant 6 : i32
    %swap3A_352 = arith.index_cast %swap3A_351 : i32 to index
    %swap3A_353 = arith.constant 112 : index
    %swap3A_354 = tpu.vector_load %arg6[%swap3A_352, %swap3A_353] {strides = array<i32>} : memref<128x128xf32, #tpu.memory_space<vmem>>, vector<1x16xf32>,
    %swap3A_355 = vector.shape_cast %swap3A_354 : vector<1x16xf32> to vector<16xf32>
    %swap3A_356 = vector.shape_cast %broadcast_in_dim3A_21 : vector<16xf32> to vector<1x16xf32>
    tpu.vector_store %arg6[%swap3A_352, %swap3A_353], %swap3A_356 {strides = array<i32>} : memref<128x128xf32, #tpu.memory_space<vmem>>, vector<1x16xf32>,
    %swap3A_357 = arith.constant 7 : i32
    %swap3A_358 = arith.index_cast %swap3A_357 : i32 to index
    %swap3A_359 = arith.constant 0 : index
    %swap3A_360 = tpu.vector_load %arg6[%swap3A_358, %swap3A_359] {strides = array<i32>} : memref<128x128xf32, #tpu.memory_space<vmem>>, vector<1x16xf32>,
    %swap3A_361 = vector.shape_cast %swap3A_360 : vector<1x16xf32> to vector<16xf32>
    %swap3A_362 = vector.shape_cast %broadcast_in_dim3A_21 : vector<16xf32> to vector<1x16xf32>
    tpu.vector_store %arg6[%swap3A_358, %swap3A_359], %swap3A_362 {strides = array<i32>} : memref<128x128xf32, #tpu.memory_space<vmem>>, vector<1x16xf32>,
    %swap3A_363 = arith.constant 7 : i32
    %swap3A_364 = arith.index_cast %swap3A_363 : i32 to index
    %swap3A_365 = arith.constant 16 : index
    %swap3A_366 = tpu.vector_load %arg6[%swap3A_364, %swap3A_365] {strides = array<i32>} : memref<128x128xf32, #tpu.memory_space<vmem>>, vector<1x16xf32>,
    %swap3A_367 = vector.shape_cast %swap3A_366 : vector<1x16xf32> to vector<16xf32>
    %swap3A_368 = vector.shape_cast %broadcast_in_dim3A_21 : vector<16xf32> to vector<1x16xf32>
    tpu.vector_store %arg6[%swap3A_364, %swap3A_365], %swap3A_368 {strides = array<i32>} : memref<128x128xf32, #tpu.memory_space<vmem>>, vector<1x16xf32>,
    %swap3A_369 = arith.constant 7 : i32
    %swap3A_370 = arith.index_cast %swap3A_369 : i32 to index
    %swap3A_371 = arith.constant 32 : index
    %swap3A_372 = tpu.vector_load %arg6[%swap3A_370, %swap3A_371] {strides = array<i32>} : memref<128x128xf32, #tpu.memory_space<vmem>>, vector<1x16xf32>,
    %swap3A_373 = vector.shape_cast %swap3A_372 : vector<1x16xf32> to vector<16xf32>
    %swap3A_374 = vector.shape_cast %broadcast_in_dim3A_21 : vector<16xf32> to vector<1x16xf32>
    tpu.vector_store %arg6[%swap3A_370, %swap3A_371], %swap3A_374 {strides = array<i32>} : memref<128x128xf32, #tpu.memory_space<vmem>>, vector<1x16xf32>,
    %swap3A_375 = arith.constant 7 : i32
    %swap3A_376 = arith.index_cast %swap3A_375 : i32 to index
    %swap3A_377 = arith.constant 48 : index
    %swap3A_378 = tpu.vector_load %arg6[%swap3A_376, %swap3A_377] {strides = array<i32>} : memref<128x128xf32, #tpu.memory_space<vmem>>, vector<1x16xf32>,
    %swap3A_379 = vector.shape_cast %swap3A_378 : vector<1x16xf32> to vector<16xf32>
    %swap3A_380 = vector.shape_cast %broadcast_in_dim3A_21 : vector<16xf32> to vector<1x16xf32>
    tpu.vector_store %arg6[%swap3A_376, %swap3A_377], %swap3A_380 {strides = array<i32>} : memref<128x128xf32, #tpu.memory_space<vmem>>, vector<1x16xf32>,
    %swap3A_381 = arith.constant 7 : i32
    %swap3A_382 = arith.index_cast %swap3A_381 : i32 to index
    %swap3A_383 = arith.constant 64 : index
    %swap3A_384 = tpu.vector_load %arg6[%swap3A_382, %swap3A_383] {strides = array<i32>} : memref<128x128xf32, #tpu.memory_space<vmem>>, vector<1x16xf32>,
    %swap3A_385 = vector.shape_cast %swap3A_384 : vector<1x16xf32> to vector<16xf32>
    %swap3A_386 = vector.shape_cast %broadcast_in_dim3A_21 : vector<16xf32> to vector<1x16xf32>
    tpu.vector_store %arg6[%swap3A_382, %swap3A_383], %swap3A_386 {strides = array<i32>} : memref<128x128xf32, #tpu.memory_space<vmem>>, vector<1x16xf32>,
    %swap3A_387 = arith.constant 7 : i32
    %swap3A_388 = arith.index_cast %swap3A_387 : i32 to index
    %swap3A_389 = arith.constant 80 : index
    %swap3A_390 = tpu.vector_load %arg6[%swap3A_388, %swap3A_389] {strides = array<i32>} : memref<128x128xf32, #tpu.memory_space<vmem>>, vector<1x16xf32>,
    %swap3A_391 = vector.shape_cast %swap3A_390 : vector<1x16xf32> to vector<16xf32>
    %swap3A_392 = vector.shape_cast %broadcast_in_dim3A_21 : vector<16xf32> to vector<1x16xf32>
    tpu.vector_store %arg6[%swap3A_388, %swap3A_389], %swap3A_392 {strides = array<i32>} : memref<128x128xf32, #tpu.memory_space<vmem>>, vector<1x16xf32>,
    %swap3A_393 = arith.constant 7 : i32
    %swap3A_394 = arith.index_cast %swap3A_393 : i32 to index
    %swap3A_395 = arith.constant 96 : index
    %swap3A_396 = tpu.vector_load %arg6[%swap3A_394, %swap3A_395] {strides = array<i32>} : memref<128x128xf32, #tpu.memory_space<vmem>>, vector<1x16xf32>,
    %swap3A_397 = vector.shape_cast %swap3A_396 : vector<1x16xf32> to vector<16xf32>
    %swap3A_398 = vector.shape_cast %broadcast_in_dim3A_21 : vector<16xf32> to vector<1x16xf32>
    tpu.vector_store %arg6[%swap3A_394, %swap3A_395], %swap3A_398 {strides = array<i32>} : memref<128x128xf32, #tpu.memory_space<vmem>>, vector<1x16xf32>,
    %swap3A_399 = arith.constant 7 : i32
    %swap3A_400 = arith.index_cast %swap3A_399 : i32 to index
    %swap3A_401 = arith.constant 112 : index
    %swap3A_402 = tpu.vector_load %arg6[%swap3A_400, %swap3A_401] {strides = array<i32>} : memref<128x128xf32, #tpu.memory_space<vmem>>, vector<1x16xf32>,
    %swap3A_403 = vector.shape_cast %swap3A_402 : vector<1x16xf32> to vector<16xf32>
    %swap3A_404 = vector.shape_cast %broadcast_in_dim3A_21 : vector<16xf32> to vector<1x16xf32>
    tpu.vector_store %arg6[%swap3A_400, %swap3A_401], %swap3A_404 {strides = array<i32>} : memref<128x128xf32, #tpu.memory_space<vmem>>, vector<1x16xf32>,
    %swap3A_405 = arith.constant 8 : i32
    %swap3A_406 = arith.index_cast %swap3A_405 : i32 to index
    %swap3A_407 = arith.constant 0 : index
    %swap3A_408 = tpu.vector_load %arg6[%swap3A_406, %swap3A_407] {strides = array<i32>} : memref<128x128xf32, #tpu.memory_space<vmem>>, vector<1x16xf32>,
    %swap3A_409 = vector.shape_cast %swap3A_408 : vector<1x16xf32> to vector<16xf32>
    %swap3A_410 = vector.shape_cast %broadcast_in_dim3A_21 : vector<16xf32> to vector<1x16xf32>
    tpu.vector_store %arg6[%swap3A_406, %swap3A_407], %swap3A_410 {strides = array<i32>} : memref<128x128xf32, #tpu.memory_space<vmem>>, vector<1x16xf32>,
    %swap3A_411 = arith.constant 8 : i32
    %swap3A_412 = arith.index_cast %swap3A_411 : i32 to index
    %swap3A_413 = arith.constant 16 : index
    %swap3A_414 = tpu.vector_load %arg6[%swap3A_412, %swap3A_413] {strides = array<i32>} : memref<128x128xf32, #tpu.memory_space<vmem>>, vector<1x16xf32>,
    %swap3A_415 = vector.shape_cast %swap3A_414 : vector<1x16xf32> to vector<16xf32>
    %swap3A_416 = vector.shape_cast %broadcast_in_dim3A_21 : vector<16xf32> to vector<1x16xf32>
    tpu.vector_store %arg6[%swap3A_412, %swap3A_413], %swap3A_416 {strides = array<i32>} : memref<128x128xf32, #tpu.memory_space<vmem>>, vector<1x16xf32>,
    %swap3A_417 = arith.constant 8 : i32
    %swap3A_418 = arith.index_cast %swap3A_417 : i32 to index
    %swap3A_419 = arith.constant 32 : index
    %swap3A_420 = tpu.vector_load %arg6[%swap3A_418, %swap3A_419] {strides = array<i32>} : memref<128x128xf32, #tpu.memory_space<vmem>>, vector<1x16xf32>,
    %swap3A_421 = vector.shape_cast %swap3A_420 : vector<1x16xf32> to vector<16xf32>
    %swap3A_422 = vector.shape_cast %broadcast_in_dim3A_21 : vector<16xf32> to vector<1x16xf32>
    tpu.vector_store %arg6[%swap3A_418, %swap3A_419], %swap3A_422 {strides = array<i32>} : memref<128x128xf32, #tpu.memory_space<vmem>>, vector<1x16xf32>,
    %swap3A_423 = arith.constant 8 : i32
    %swap3A_424 = arith.index_cast %swap3A_423 : i32 to index
    %swap3A_425 = arith.constant 48 : index
    %swap3A_426 = tpu.vector_load %arg6[%swap3A_424, %swap3A_425] {strides = array<i32>} : memref<128x128xf32, #tpu.memory_space<vmem>>, vector<1x16xf32>,
    %swap3A_427 = vector.shape_cast %swap3A_426 : vector<1x16xf32> to vector<16xf32>
    %swap3A_428 = vector.shape_cast %broadcast_in_dim3A_21 : vector<16xf32> to vector<1x16xf32>
    tpu.vector_store %arg6[%swap3A_424, %swap3A_425], %swap3A_428 {strides = array<i32>} : memref<128x128xf32, #tpu.memory_space<vmem>>, vector<1x16xf32>,
    %swap3A_429 = arith.constant 8 : i32
    %swap3A_430 = arith.index_cast %swap3A_429 : i32 to index
    %swap3A_431 = arith.constant 64 : index
    %swap3A_432 = tpu.vector_load %arg6[%swap3A_430, %swap3A_431] {strides = array<i32>} : memref<128x128xf32, #tpu.memory_space<vmem>>, vector<1x16xf32>,
    %swap3A_433 = vector.shape_cast %swap3A_432 : vector<1x16xf32> to vector<16xf32>
    %swap3A_434 = vector.shape_cast %broadcast_in_dim3A_21 : vector<16xf32> to vector<1x16xf32>
    tpu.vector_store %arg6[%swap3A_430, %swap3A_431], %swap3A_434 {strides = array<i32>} : memref<128x128xf32, #tpu.memory_space<vmem>>, vector<1x16xf32>,
    %swap3A_435 = arith.constant 8 : i32
    %swap3A_436 = arith.index_cast %swap3A_435 : i32 to index
    %swap3A_437 = arith.constant 80 : index
    %swap3A_438 = tpu.vector_load %arg6[%swap3A_436, %swap3A_437] {strides = array<i32>} : memref<128x128xf32, #tpu.memory_space<vmem>>, vector<1x16xf32>,
    %swap3A_439 = vector.shape_cast %swap3A_438 : vector<1x16xf32> to vector<16xf32>
    %swap3A_440 = vector.shape_cast %broadcast_in_dim3A_21 : vector<16xf32> to vector<1x16xf32>
    tpu.vector_store %arg6[%swap3A_436, %swap3A_437], %swap3A_440 {strides = array<i32>} : memref<128x128xf32, #tpu.memory_space<vmem>>, vector<1x16xf32>,
    %swap3A_441 = arith.constant 8 : i32
    %swap3A_442 = arith.index_cast %swap3A_441 : i32 to index
    %swap3A_443 = arith.constant 96 : index
    %swap3A_444 = tpu.vector_load %arg6[%swap3A_442, %swap3A_443] {strides = array<i32>} : memref<128x128xf32, #tpu.memory_space<vmem>>, vector<1x16xf32>,
    %swap3A_445 = vector.shape_cast %swap3A_444 : vector<1x16xf32> to vector<16xf32>
    %swap3A_446 = vector.shape_cast %broadcast_in_dim3A_21 : vector<16xf32> to vector<1x16xf32>
    tpu.vector_store %arg6[%swap3A_442, %swap3A_443], %swap3A_446 {strides = array<i32>} : memref<128x128xf32, #tpu.memory_space<vmem>>, vector<1x16xf32>,
    %swap3A_447 = arith.constant 8 : i32
    %swap3A_448 = arith.index_cast %swap3A_447 : i32 to index
    %swap3A_449 = arith.constant 112 : index
    %swap3A_450 = tpu.vector_load %arg6[%swap3A_448, %swap3A_449] {strides = array<i32>} : memref<128x128xf32, #tpu.memory_space<vmem>>, vector<1x16xf32>,
    %swap3A_451 = vector.shape_cast %swap3A_450 : vector<1x16xf32> to vector<16xf32>
    %swap3A_452 = vector.shape_cast %broadcast_in_dim3A_21 : vector<16xf32> to vector<1x16xf32>
    tpu.vector_store %arg6[%swap3A_448, %swap3A_449], %swap3A_452 {strides = array<i32>} : memref<128x128xf32, #tpu.memory_space<vmem>>, vector<1x16xf32>,
    %mul3A_453 = arith.constant 9 : i32
    %mul3A_454 = arith.muli %arg1, %mul3A_453 : i32
    "tpu.region"() ({
      %run_scoped3A = tpu.sem_alloc : memref<!tpu.dma_semaphore, #tpu.memory_space<semaphore_mem>>
      %dma_start3A_1736 = arith.constant 0 : i32
      %dma_start3A_1737 = arith.constant 0 : i32
      %dma_start3A_1738 = tpu.memref_slice %arg6[%dma_start3A_1736, %dma_start3A_1737] : memref<128x128xf32, #tpu.memory_space<vmem>> -> memref<9x128xf32, #tpu.memory_space<vmem>>
      %dma_start3A_1739 = arith.constant 0 : i32
      %dma_start3A_1740 = tpu.memref_slice %arg12[%mul3A_454, %dma_start3A_1739] : memref<144x128xf32, #tpu.memory_space<vmem_shared>> -> memref<9x128xf32, #tpu.memory_space<vmem_shared>>
      %dma_start3A_1741 = arith.constant 0 : i32
      %dma_start3A_1742 = tpu.memref_slice %arg12[%mul3A_454, %dma_start3A_1741] : memref<144x128xf32, #tpu.memory_space<vmem_shared>> -> memref<9x128xf32, #tpu.memory_space<vmem_shared>>
      %dma_start3A_1743 = arith.constant 0 : i32
      %dma_start3A_1744 = arith.constant 0 : i32
      %dma_start3A_1745 = tpu.memref_slice %arg6[%dma_start3A_1743, %dma_start3A_1744] : memref<128x128xf32, #tpu.memory_space<vmem>> -> memref<9x128xf32, #tpu.memory_space<vmem>>
      tpu.enqueue_dma source(%dma_start3A_1745 : memref<9x128xf32, #tpu.memory_space<vmem>>) target(%dma_start3A_1742 : memref<9x128xf32, #tpu.memory_space<vmem_shared>>) target_semaphore(%run_scoped3A : memref<!tpu.dma_semaphore, #tpu.memory_space<semaphore_mem>>)
      %dma_wait3A_1746 = arith.constant 0 : i32
      %dma_wait3A_1747 = arith.constant 0 : i32
      %dma_wait3A_1748 = tpu.memref_slice %arg6[%dma_wait3A_1746, %dma_wait3A_1747] : memref<128x128xf32, #tpu.memory_space<vmem>> -> memref<9x128xf32, #tpu.memory_space<vmem>>
      %dma_wait3A_1749 = arith.constant 0 : i32
      %dma_wait3A_1750 = tpu.memref_slice %arg12[%mul3A_454, %dma_wait3A_1749] : memref<144x128xf32, #tpu.memory_space<vmem_shared>> -> memref<9x128xf32, #tpu.memory_space<vmem_shared>>
      %dma_wait3A_1751 = arith.constant 0 : i32
      %dma_wait3A_1752 = tpu.memref_slice %arg12[%mul3A_454, %dma_wait3A_1751] : memref<144x128xf32, #tpu.memory_space<vmem_shared>> -> memref<9x128xf32, #tpu.memory_space<vmem_shared>>
      %dma_wait3A_1753 = arith.constant 0 : i32
      %dma_wait3A_1754 = arith.constant 0 : i32
      %dma_wait3A_1755 = tpu.memref_slice %arg6[%dma_wait3A_1753, %dma_wait3A_1754] : memref<128x128xf32, #tpu.memory_space<vmem>> -> memref<9x128xf32, #tpu.memory_space<vmem>>
      tpu.wait_dma2 semaphore(%run_scoped3A : memref<!tpu.dma_semaphore, #tpu.memory_space<semaphore_mem>>) src(%dma_wait3A_1755 : memref<9x128xf32, #tpu.memory_space<vmem>>) dst(%dma_wait3A_1752 : memref<9x128xf32, #tpu.memory_space<vmem_shared>>)
      tpu.yield
    }) : () -> ()
    "tpu.region"() ({
      %run_scoped3A = tpu.sem_alloc : memref<!tpu.dma_semaphore, #tpu.memory_space<semaphore_mem>>
      %dma_start3A_1736 = tpu.memref_slice %arg3[%mul3A_2] : memref<32768xi32, #tpu.memory_space<hbm>> -> memref<1024xi32, #tpu.memory_space<hbm>>
      %dma_start3A_1737 = tpu.memref_slice %arg3[%mul3A_2] : memref<32768xi32, #tpu.memory_space<hbm>> -> memref<1024xi32, #tpu.memory_space<hbm>>
      tpu.enqueue_dma source(%dma_start3A_1737 : memref<1024xi32, #tpu.memory_space<hbm>>) target(%arg8 : memref<1024xi32, #tpu.memory_space<vmem>>) target_semaphore(%run_scoped3A : memref<!tpu.dma_semaphore, #tpu.memory_space<semaphore_mem>>)
      %dma_wait3A_1738 = tpu.memref_slice %arg3[%mul3A_2] : memref<32768xi32, #tpu.memory_space<hbm>> -> memref<1024xi32, #tpu.memory_space<hbm>>
      %dma_wait3A_1739 = tpu.memref_slice %arg3[%mul3A_2] : memref<32768xi32, #tpu.memory_space<hbm>> -> memref<1024xi32, #tpu.memory_space<hbm>>
      tpu.wait_dma2 semaphore(%run_scoped3A : memref<!tpu.dma_semaphore, #tpu.memory_space<semaphore_mem>>) src(%dma_wait3A_1739 : memref<1024xi32, #tpu.memory_space<hbm>>) dst(%arg8 : memref<1024xi32, #tpu.memory_space<vmem>>)
      tpu.yield
    }) : () -> ()
    "tpu.region"() ({
      %run_scoped3A = tpu.sem_alloc : memref<!tpu.dma_semaphore, #tpu.memory_space<semaphore_mem>>
      %dma_start3A_1736 = tpu.memref_slice %arg4[%mul3A_2] : memref<32768xi32, #tpu.memory_space<hbm>> -> memref<1024xi32, #tpu.memory_space<hbm>>
      %dma_start3A_1737 = tpu.memref_slice %arg4[%mul3A_2] : memref<32768xi32, #tpu.memory_space<hbm>> -> memref<1024xi32, #tpu.memory_space<hbm>>
      tpu.enqueue_dma source(%dma_start3A_1737 : memref<1024xi32, #tpu.memory_space<hbm>>) target(%arg9 : memref<1024xi32, #tpu.memory_space<vmem>>) target_semaphore(%run_scoped3A : memref<!tpu.dma_semaphore, #tpu.memory_space<semaphore_mem>>)
      %dma_wait3A_1738 = tpu.memref_slice %arg4[%mul3A_2] : memref<32768xi32, #tpu.memory_space<hbm>> -> memref<1024xi32, #tpu.memory_space<hbm>>
      %dma_wait3A_1739 = tpu.memref_slice %arg4[%mul3A_2] : memref<32768xi32, #tpu.memory_space<hbm>> -> memref<1024xi32, #tpu.memory_space<hbm>>
      tpu.wait_dma2 semaphore(%run_scoped3A : memref<!tpu.dma_semaphore, #tpu.memory_space<semaphore_mem>>) src(%dma_wait3A_1739 : memref<1024xi32, #tpu.memory_space<hbm>>) dst(%arg9 : memref<1024xi32, #tpu.memory_space<vmem>>)
      tpu.yield
    }) : () -> ()
    %barrier3A = arith.constant 0 : index
    tpu.barrier barrier_id(%barrier3A)
    %add3A_455 = arith.constant 0 : i32
    %add3A_456 = arith.addi %mul3A_2, %add3A_455 : i32
    %dma_start3A = arith.constant 0 : i32
    %dma_start3A_457 = tpu.memref_slice %arg2[%add3A_456, %dma_start3A] : memref<32768x128xf32, #tpu.memory_space<hbm>> -> memref<128x128xf32, #tpu.memory_space<hbm>>
    %dma_start3A_458 = arith.constant 0 : i32
    %dma_start3A_459 = tpu.memref_slice %arg2[%add3A_456, %dma_start3A_458] : memref<32768x128xf32, #tpu.memory_space<hbm>> -> memref<128x128xf32, #tpu.memory_space<hbm>>
    tpu.enqueue_dma source(%dma_start3A_459 : memref<128x128xf32, #tpu.memory_space<hbm>>) target(%arg6 : memref<128x128xf32, #tpu.memory_space<vmem>>) target_semaphore(%arg13 : memref<!tpu.dma_semaphore, #tpu.memory_space<semaphore_mem>>)
    %add3A_460 = arith.constant 128 : i32
    %add3A_461 = arith.addi %mul3A_2, %add3A_460 : i32
    %dma_start3A_462 = arith.constant 0 : i32
    %dma_start3A_463 = tpu.memref_slice %arg2[%add3A_461, %dma_start3A_462] : memref<32768x128xf32, #tpu.memory_space<hbm>> -> memref<128x128xf32, #tpu.memory_space<hbm>>
    %dma_start3A_464 = arith.constant 0 : i32
    %dma_start3A_465 = tpu.memref_slice %arg2[%add3A_461, %dma_start3A_464] : memref<32768x128xf32, #tpu.memory_space<hbm>> -> memref<128x128xf32, #tpu.memory_space<hbm>>
    tpu.enqueue_dma source(%dma_start3A_465 : memref<128x128xf32, #tpu.memory_space<hbm>>) target(%arg7 : memref<128x128xf32, #tpu.memory_space<vmem>>) target_semaphore(%arg14 : memref<!tpu.dma_semaphore, #tpu.memory_space<semaphore_mem>>)
    %get3A = arith.constant 0 : index
    %get3A_466 = tpu.vector_load %arg9[%get3A] {strides = array<i32>} : memref<1024xi32, #tpu.memory_space<vmem>>, vector<16xi32>,
    %get3A_467 = vector.shape_cast %get3A_466 : vector<16xi32> to vector<16xi32>
    %get3A_468 = arith.constant 0 : index
    %get3A_469 = tpu.vector_load %arg8[%get3A_468] {strides = array<i32>} : memref<1024xi32, #tpu.memory_space<vmem>>, vector<16xi32>,
    %get3A_470 = vector.shape_cast %get3A_469 : vector<16xi32> to vector<16xi32>
    %gt3A = arith.constant 0 : i32
    %gt3A_471 = vector.broadcast %gt3A : i32 to vector<16xi32>
    %gt3A_472 = arith.cmpi sgt, %get3A_467, %gt3A_471 : vector<16xi32>
    %add3A_473 = vector.broadcast %mul3A_20 : i32 to vector<16xi32>
    %add3A_474 = arith.addi %get3A_470, %add3A_473 : vector<16xi32>
    %jit3A_475 = arith.constant 128 : i32
    %broadcast_in_dim3A_476 = vector.broadcast %jit3A_475 : i32 to vector<16xi32>
    %select_n3A_477 = arith.select %gt3A_472, %add3A_474, %broadcast_in_dim3A_476 : vector<16xi1>, vector<16xi32>
    %swap3A_478 = arith.constant 0 : index
    %swap3A_479 = tpu.vector_load %arg10[%swap3A_478] {strides = array<i32>} : memref<128xi32, #tpu.memory_space<vmem>>, vector<16xi32>,
    %swap3A_480 = vector.shape_cast %swap3A_479 : vector<16xi32> to vector<16xi32>
    %swap3A_481 = vector.shape_cast %select_n3A_477 : vector<16xi32> to vector<16xi32>
    tpu.vector_store %arg10[%swap3A_478], %swap3A_481 {strides = array<i32>} : memref<128xi32, #tpu.memory_space<vmem>>, vector<16xi32>,
    %get3A_482 = arith.constant 16 : index
    %get3A_483 = tpu.vector_load %arg9[%get3A_482] {strides = array<i32>} : memref<1024xi32, #tpu.memory_space<vmem>>, vector<16xi32>,
    %get3A_484 = vector.shape_cast %get3A_483 : vector<16xi32> to vector<16xi32>
    %get3A_485 = arith.constant 16 : index
    %get3A_486 = tpu.vector_load %arg8[%get3A_485] {strides = array<i32>} : memref<1024xi32, #tpu.memory_space<vmem>>, vector<16xi32>,
    %get3A_487 = vector.shape_cast %get3A_486 : vector<16xi32> to vector<16xi32>
    %gt3A_488 = arith.constant 0 : i32
    %gt3A_489 = vector.broadcast %gt3A_488 : i32 to vector<16xi32>
    %gt3A_490 = arith.cmpi sgt, %get3A_484, %gt3A_489 : vector<16xi32>
    %add3A_491 = vector.broadcast %mul3A_20 : i32 to vector<16xi32>
    %add3A_492 = arith.addi %get3A_487, %add3A_491 : vector<16xi32>
    %jit3A_493 = arith.constant 128 : i32
    %broadcast_in_dim3A_494 = vector.broadcast %jit3A_493 : i32 to vector<16xi32>
    %select_n3A_495 = arith.select %gt3A_490, %add3A_492, %broadcast_in_dim3A_494 : vector<16xi1>, vector<16xi32>
    %swap3A_496 = arith.constant 16 : index
    %swap3A_497 = tpu.vector_load %arg10[%swap3A_496] {strides = array<i32>} : memref<128xi32, #tpu.memory_space<vmem>>, vector<16xi32>,
    %swap3A_498 = vector.shape_cast %swap3A_497 : vector<16xi32> to vector<16xi32>
    %swap3A_499 = vector.shape_cast %select_n3A_495 : vector<16xi32> to vector<16xi32>
    tpu.vector_store %arg10[%swap3A_496], %swap3A_499 {strides = array<i32>} : memref<128xi32, #tpu.memory_space<vmem>>, vector<16xi32>,
    %get3A_500 = arith.constant 32 : index
    %get3A_501 = tpu.vector_load %arg9[%get3A_500] {strides = array<i32>} : memref<1024xi32, #tpu.memory_space<vmem>>, vector<16xi32>,
    %get3A_502 = vector.shape_cast %get3A_501 : vector<16xi32> to vector<16xi32>
    %get3A_503 = arith.constant 32 : index
    %get3A_504 = tpu.vector_load %arg8[%get3A_503] {strides = array<i32>} : memref<1024xi32, #tpu.memory_space<vmem>>, vector<16xi32>,
    %get3A_505 = vector.shape_cast %get3A_504 : vector<16xi32> to vector<16xi32>
    %gt3A_506 = arith.constant 0 : i32
    %gt3A_507 = vector.broadcast %gt3A_506 : i32 to vector<16xi32>
    %gt3A_508 = arith.cmpi sgt, %get3A_502, %gt3A_507 : vector<16xi32>
    %add3A_509 = vector.broadcast %mul3A_20 : i32 to vector<16xi32>
    %add3A_510 = arith.addi %get3A_505, %add3A_509 : vector<16xi32>
    %jit3A_511 = arith.constant 128 : i32
    %broadcast_in_dim3A_512 = vector.broadcast %jit3A_511 : i32 to vector<16xi32>
    %select_n3A_513 = arith.select %gt3A_508, %add3A_510, %broadcast_in_dim3A_512 : vector<16xi1>, vector<16xi32>
    %swap3A_514 = arith.constant 32 : index
    %swap3A_515 = tpu.vector_load %arg10[%swap3A_514] {strides = array<i32>} : memref<128xi32, #tpu.memory_space<vmem>>, vector<16xi32>,
    %swap3A_516 = vector.shape_cast %swap3A_515 : vector<16xi32> to vector<16xi32>
    %swap3A_517 = vector.shape_cast %select_n3A_513 : vector<16xi32> to vector<16xi32>
    tpu.vector_store %arg10[%swap3A_514], %swap3A_517 {strides = array<i32>} : memref<128xi32, #tpu.memory_space<vmem>>, vector<16xi32>,
    %get3A_518 = arith.constant 48 : index
    %get3A_519 = tpu.vector_load %arg9[%get3A_518] {strides = array<i32>} : memref<1024xi32, #tpu.memory_space<vmem>>, vector<16xi32>,
    %get3A_520 = vector.shape_cast %get3A_519 : vector<16xi32> to vector<16xi32>
    %get3A_521 = arith.constant 48 : index
    %get3A_522 = tpu.vector_load %arg8[%get3A_521] {strides = array<i32>} : memref<1024xi32, #tpu.memory_space<vmem>>, vector<16xi32>,
    %get3A_523 = vector.shape_cast %get3A_522 : vector<16xi32> to vector<16xi32>
    %gt3A_524 = arith.constant 0 : i32
    %gt3A_525 = vector.broadcast %gt3A_524 : i32 to vector<16xi32>
    %gt3A_526 = arith.cmpi sgt, %get3A_520, %gt3A_525 : vector<16xi32>
    %add3A_527 = vector.broadcast %mul3A_20 : i32 to vector<16xi32>
    %add3A_528 = arith.addi %get3A_523, %add3A_527 : vector<16xi32>
    %jit3A_529 = arith.constant 128 : i32
    %broadcast_in_dim3A_530 = vector.broadcast %jit3A_529 : i32 to vector<16xi32>
    %select_n3A_531 = arith.select %gt3A_526, %add3A_528, %broadcast_in_dim3A_530 : vector<16xi1>, vector<16xi32>
    %swap3A_532 = arith.constant 48 : index
    %swap3A_533 = tpu.vector_load %arg10[%swap3A_532] {strides = array<i32>} : memref<128xi32, #tpu.memory_space<vmem>>, vector<16xi32>,
    %swap3A_534 = vector.shape_cast %swap3A_533 : vector<16xi32> to vector<16xi32>
    %swap3A_535 = vector.shape_cast %select_n3A_531 : vector<16xi32> to vector<16xi32>
    tpu.vector_store %arg10[%swap3A_532], %swap3A_535 {strides = array<i32>} : memref<128xi32, #tpu.memory_space<vmem>>, vector<16xi32>,
    %get3A_536 = arith.constant 64 : index
    %get3A_537 = tpu.vector_load %arg9[%get3A_536] {strides = array<i32>} : memref<1024xi32, #tpu.memory_space<vmem>>, vector<16xi32>,
    %get3A_538 = vector.shape_cast %get3A_537 : vector<16xi32> to vector<16xi32>
    %get3A_539 = arith.constant 64 : index
    %get3A_540 = tpu.vector_load %arg8[%get3A_539] {strides = array<i32>} : memref<1024xi32, #tpu.memory_space<vmem>>, vector<16xi32>,
    %get3A_541 = vector.shape_cast %get3A_540 : vector<16xi32> to vector<16xi32>
    %gt3A_542 = arith.constant 0 : i32
    %gt3A_543 = vector.broadcast %gt3A_542 : i32 to vector<16xi32>
    %gt3A_544 = arith.cmpi sgt, %get3A_538, %gt3A_543 : vector<16xi32>
    %add3A_545 = vector.broadcast %mul3A_20 : i32 to vector<16xi32>
    %add3A_546 = arith.addi %get3A_541, %add3A_545 : vector<16xi32>
    %jit3A_547 = arith.constant 128 : i32
    %broadcast_in_dim3A_548 = vector.broadcast %jit3A_547 : i32 to vector<16xi32>
    %select_n3A_549 = arith.select %gt3A_544, %add3A_546, %broadcast_in_dim3A_548 : vector<16xi1>, vector<16xi32>
    %swap3A_550 = arith.constant 64 : index
    %swap3A_551 = tpu.vector_load %arg10[%swap3A_550] {strides = array<i32>} : memref<128xi32, #tpu.memory_space<vmem>>, vector<16xi32>,
    %swap3A_552 = vector.shape_cast %swap3A_551 : vector<16xi32> to vector<16xi32>
    %swap3A_553 = vector.shape_cast %select_n3A_549 : vector<16xi32> to vector<16xi32>
    tpu.vector_store %arg10[%swap3A_550], %swap3A_553 {strides = array<i32>} : memref<128xi32, #tpu.memory_space<vmem>>, vector<16xi32>,
    %get3A_554 = arith.constant 80 : index
    %get3A_555 = tpu.vector_load %arg9[%get3A_554] {strides = array<i32>} : memref<1024xi32, #tpu.memory_space<vmem>>, vector<16xi32>,
    %get3A_556 = vector.shape_cast %get3A_555 : vector<16xi32> to vector<16xi32>
    %get3A_557 = arith.constant 80 : index
    %get3A_558 = tpu.vector_load %arg8[%get3A_557] {strides = array<i32>} : memref<1024xi32, #tpu.memory_space<vmem>>, vector<16xi32>,
    %get3A_559 = vector.shape_cast %get3A_558 : vector<16xi32> to vector<16xi32>
    %gt3A_560 = arith.constant 0 : i32
    %gt3A_561 = vector.broadcast %gt3A_560 : i32 to vector<16xi32>
    %gt3A_562 = arith.cmpi sgt, %get3A_556, %gt3A_561 : vector<16xi32>
    %add3A_563 = vector.broadcast %mul3A_20 : i32 to vector<16xi32>
    %add3A_564 = arith.addi %get3A_559, %add3A_563 : vector<16xi32>
    %jit3A_565 = arith.constant 128 : i32
    %broadcast_in_dim3A_566 = vector.broadcast %jit3A_565 : i32 to vector<16xi32>
    %select_n3A_567 = arith.select %gt3A_562, %add3A_564, %broadcast_in_dim3A_566 : vector<16xi1>, vector<16xi32>
    %swap3A_568 = arith.constant 80 : index
    %swap3A_569 = tpu.vector_load %arg10[%swap3A_568] {strides = array<i32>} : memref<128xi32, #tpu.memory_space<vmem>>, vector<16xi32>,
    %swap3A_570 = vector.shape_cast %swap3A_569 : vector<16xi32> to vector<16xi32>
    %swap3A_571 = vector.shape_cast %select_n3A_567 : vector<16xi32> to vector<16xi32>
    tpu.vector_store %arg10[%swap3A_568], %swap3A_571 {strides = array<i32>} : memref<128xi32, #tpu.memory_space<vmem>>, vector<16xi32>,
    %get3A_572 = arith.constant 96 : index
    %get3A_573 = tpu.vector_load %arg9[%get3A_572] {strides = array<i32>} : memref<1024xi32, #tpu.memory_space<vmem>>, vector<16xi32>,
    %get3A_574 = vector.shape_cast %get3A_573 : vector<16xi32> to vector<16xi32>
    %get3A_575 = arith.constant 96 : index
    %get3A_576 = tpu.vector_load %arg8[%get3A_575] {strides = array<i32>} : memref<1024xi32, #tpu.memory_space<vmem>>, vector<16xi32>,
    %get3A_577 = vector.shape_cast %get3A_576 : vector<16xi32> to vector<16xi32>
    %gt3A_578 = arith.constant 0 : i32
    %gt3A_579 = vector.broadcast %gt3A_578 : i32 to vector<16xi32>
    %gt3A_580 = arith.cmpi sgt, %get3A_574, %gt3A_579 : vector<16xi32>
    %add3A_581 = vector.broadcast %mul3A_20 : i32 to vector<16xi32>
    %add3A_582 = arith.addi %get3A_577, %add3A_581 : vector<16xi32>
    %jit3A_583 = arith.constant 128 : i32
    %broadcast_in_dim3A_584 = vector.broadcast %jit3A_583 : i32 to vector<16xi32>
    %select_n3A_585 = arith.select %gt3A_580, %add3A_582, %broadcast_in_dim3A_584 : vector<16xi1>, vector<16xi32>
    %swap3A_586 = arith.constant 96 : index
    %swap3A_587 = tpu.vector_load %arg10[%swap3A_586] {strides = array<i32>} : memref<128xi32, #tpu.memory_space<vmem>>, vector<16xi32>,
    %swap3A_588 = vector.shape_cast %swap3A_587 : vector<16xi32> to vector<16xi32>
    %swap3A_589 = vector.shape_cast %select_n3A_585 : vector<16xi32> to vector<16xi32>
    tpu.vector_store %arg10[%swap3A_586], %swap3A_589 {strides = array<i32>} : memref<128xi32, #tpu.memory_space<vmem>>, vector<16xi32>,
    %get3A_590 = arith.constant 112 : index
    %get3A_591 = tpu.vector_load %arg9[%get3A_590] {strides = array<i32>} : memref<1024xi32, #tpu.memory_space<vmem>>, vector<16xi32>,
    %get3A_592 = vector.shape_cast %get3A_591 : vector<16xi32> to vector<16xi32>
    %get3A_593 = arith.constant 112 : index
    %get3A_594 = tpu.vector_load %arg8[%get3A_593] {strides = array<i32>} : memref<1024xi32, #tpu.memory_space<vmem>>, vector<16xi32>,
    %get3A_595 = vector.shape_cast %get3A_594 : vector<16xi32> to vector<16xi32>
    %gt3A_596 = arith.constant 0 : i32
    %gt3A_597 = vector.broadcast %gt3A_596 : i32 to vector<16xi32>
    %gt3A_598 = arith.cmpi sgt, %get3A_592, %gt3A_597 : vector<16xi32>
    %add3A_599 = vector.broadcast %mul3A_20 : i32 to vector<16xi32>
    %add3A_600 = arith.addi %get3A_595, %add3A_599 : vector<16xi32>
    %jit3A_601 = arith.constant 128 : i32
    %broadcast_in_dim3A_602 = vector.broadcast %jit3A_601 : i32 to vector<16xi32>
    %select_n3A_603 = arith.select %gt3A_598, %add3A_600, %broadcast_in_dim3A_602 : vector<16xi1>, vector<16xi32>
    %swap3A_604 = arith.constant 112 : index
    %swap3A_605 = tpu.vector_load %arg10[%swap3A_604] {strides = array<i32>} : memref<128xi32, #tpu.memory_space<vmem>>, vector<16xi32>,
    %swap3A_606 = vector.shape_cast %swap3A_605 : vector<16xi32> to vector<16xi32>
    %swap3A_607 = vector.shape_cast %select_n3A_603 : vector<16xi32> to vector<16xi32>
    tpu.vector_store %arg10[%swap3A_604], %swap3A_607 {strides = array<i32>} : memref<128xi32, #tpu.memory_space<vmem>>, vector<16xi32>,
    %dma_wait3A = arith.constant 0 : i32
    %dma_wait3A_608 = tpu.memref_slice %arg2[%add3A_456, %dma_wait3A] : memref<32768x128xf32, #tpu.memory_space<hbm>> -> memref<128x128xf32, #tpu.memory_space<hbm>>
    %dma_wait3A_609 = arith.constant 0 : i32
    %dma_wait3A_610 = tpu.memref_slice %arg2[%add3A_456, %dma_wait3A_609] : memref<32768x128xf32, #tpu.memory_space<hbm>> -> memref<128x128xf32, #tpu.memory_space<hbm>>
    tpu.wait_dma2 semaphore(%arg13 : memref<!tpu.dma_semaphore, #tpu.memory_space<semaphore_mem>>) src(%dma_wait3A_610 : memref<128x128xf32, #tpu.memory_space<hbm>>) dst(%arg6 : memref<128x128xf32, #tpu.memory_space<vmem>>)
    %dma_start3A_611 = arith.constant 0 : i32
    %dma_start3A_612 = arith.constant 0 : i32
    %dma_start3A_613 = tpu.memref_slice %arg12[%dma_start3A_611, %dma_start3A_612] : memref<144x128xf32, #tpu.memory_space<vmem_shared>> -> memref<144x128xf32, #tpu.memory_space<vmem_shared>>
    tpu.enqueue_indirect_dma source(%arg6 : memref<128x128xf32, #tpu.memory_space<vmem>>) target(%dma_start3A_613 : memref<144x128xf32, #tpu.memory_space<vmem_shared>>) offsets(%arg10 : memref<128xi32, #tpu.memory_space<vmem>>) semaphore(%arg15 : memref<!tpu.dma_semaphore, #tpu.memory_space<semaphore_mem>>) {add = true}
    %dma_wait3A_614 = arith.constant 0 : i32
    %dma_wait3A_615 = arith.constant 0 : i32
    %dma_wait3A_616 = tpu.memref_slice %arg12[%dma_wait3A_614, %dma_wait3A_615] : memref<144x128xf32, #tpu.memory_space<vmem_shared>> -> memref<144x128xf32, #tpu.memory_space<vmem_shared>>
    tpu.wait_indirect_dma semaphore(%arg15 : memref<!tpu.dma_semaphore, #tpu.memory_space<semaphore_mem>>) src(%arg6 : memref<128x128xf32, #tpu.memory_space<vmem>>) dst(%dma_wait3A_616 : memref<144x128xf32, #tpu.memory_space<vmem_shared>>)
    %add3A_617 = arith.constant 256 : i32
    %add3A_618 = arith.addi %mul3A_2, %add3A_617 : i32
    %dma_start3A_619 = arith.constant 0 : i32
    %dma_start3A_620 = tpu.memref_slice %arg2[%add3A_618, %dma_start3A_619] : memref<32768x128xf32, #tpu.memory_space<hbm>> -> memref<128x128xf32, #tpu.memory_space<hbm>>
    %dma_start3A_621 = arith.constant 0 : i32
    %dma_start3A_622 = tpu.memref_slice %arg2[%add3A_618, %dma_start3A_621] : memref<32768x128xf32, #tpu.memory_space<hbm>> -> memref<128x128xf32, #tpu.memory_space<hbm>>
    tpu.enqueue_dma source(%dma_start3A_622 : memref<128x128xf32, #tpu.memory_space<hbm>>) target(%arg6 : memref<128x128xf32, #tpu.memory_space<vmem>>) target_semaphore(%arg13 : memref<!tpu.dma_semaphore, #tpu.memory_space<semaphore_mem>>)
    %get3A_623 = arith.constant 128 : index
    %get3A_624 = tpu.vector_load %arg9[%get3A_623] {strides = array<i32>} : memref<1024xi32, #tpu.memory_space<vmem>>, vector<16xi32>,
    %get3A_625 = vector.shape_cast %get3A_624 : vector<16xi32> to vector<16xi32>
    %get3A_626 = arith.constant 128 : index
    %get3A_627 = tpu.vector_load %arg8[%get3A_626] {strides = array<i32>} : memref<1024xi32, #tpu.memory_space<vmem>>, vector<16xi32>,
    %get3A_628 = vector.shape_cast %get3A_627 : vector<16xi32> to vector<16xi32>
    %gt3A_629 = arith.constant 0 : i32
    %gt3A_630 = vector.broadcast %gt3A_629 : i32 to vector<16xi32>
    %gt3A_631 = arith.cmpi sgt, %get3A_625, %gt3A_630 : vector<16xi32>
    %add3A_632 = vector.broadcast %mul3A_20 : i32 to vector<16xi32>
    %add3A_633 = arith.addi %get3A_628, %add3A_632 : vector<16xi32>
    %jit3A_634 = arith.constant 128 : i32
    %broadcast_in_dim3A_635 = vector.broadcast %jit3A_634 : i32 to vector<16xi32>
    %select_n3A_636 = arith.select %gt3A_631, %add3A_633, %broadcast_in_dim3A_635 : vector<16xi1>, vector<16xi32>
    %swap3A_637 = arith.constant 0 : index
    %swap3A_638 = tpu.vector_load %arg11[%swap3A_637] {strides = array<i32>} : memref<128xi32, #tpu.memory_space<vmem>>, vector<16xi32>,
    %swap3A_639 = vector.shape_cast %swap3A_638 : vector<16xi32> to vector<16xi32>
    %swap3A_640 = vector.shape_cast %select_n3A_636 : vector<16xi32> to vector<16xi32>
    tpu.vector_store %arg11[%swap3A_637], %swap3A_640 {strides = array<i32>} : memref<128xi32, #tpu.memory_space<vmem>>, vector<16xi32>,
    %get3A_641 = arith.constant 144 : index
    %get3A_642 = tpu.vector_load %arg9[%get3A_641] {strides = array<i32>} : memref<1024xi32, #tpu.memory_space<vmem>>, vector<16xi32>,
    %get3A_643 = vector.shape_cast %get3A_642 : vector<16xi32> to vector<16xi32>
    %get3A_644 = arith.constant 144 : index
    %get3A_645 = tpu.vector_load %arg8[%get3A_644] {strides = array<i32>} : memref<1024xi32, #tpu.memory_space<vmem>>, vector<16xi32>,
    %get3A_646 = vector.shape_cast %get3A_645 : vector<16xi32> to vector<16xi32>
    %gt3A_647 = arith.constant 0 : i32
    %gt3A_648 = vector.broadcast %gt3A_647 : i32 to vector<16xi32>
    %gt3A_649 = arith.cmpi sgt, %get3A_643, %gt3A_648 : vector<16xi32>
    %add3A_650 = vector.broadcast %mul3A_20 : i32 to vector<16xi32>
    %add3A_651 = arith.addi %get3A_646, %add3A_650 : vector<16xi32>
    %jit3A_652 = arith.constant 128 : i32
    %broadcast_in_dim3A_653 = vector.broadcast %jit3A_652 : i32 to vector<16xi32>
    %select_n3A_654 = arith.select %gt3A_649, %add3A_651, %broadcast_in_dim3A_653 : vector<16xi1>, vector<16xi32>
    %swap3A_655 = arith.constant 16 : index
    %swap3A_656 = tpu.vector_load %arg11[%swap3A_655] {strides = array<i32>} : memref<128xi32, #tpu.memory_space<vmem>>, vector<16xi32>,
    %swap3A_657 = vector.shape_cast %swap3A_656 : vector<16xi32> to vector<16xi32>
    %swap3A_658 = vector.shape_cast %select_n3A_654 : vector<16xi32> to vector<16xi32>
    tpu.vector_store %arg11[%swap3A_655], %swap3A_658 {strides = array<i32>} : memref<128xi32, #tpu.memory_space<vmem>>, vector<16xi32>,
    %get3A_659 = arith.constant 160 : index
    %get3A_660 = tpu.vector_load %arg9[%get3A_659] {strides = array<i32>} : memref<1024xi32, #tpu.memory_space<vmem>>, vector<16xi32>,
    %get3A_661 = vector.shape_cast %get3A_660 : vector<16xi32> to vector<16xi32>
    %get3A_662 = arith.constant 160 : index
    %get3A_663 = tpu.vector_load %arg8[%get3A_662] {strides = array<i32>} : memref<1024xi32, #tpu.memory_space<vmem>>, vector<16xi32>,
    %get3A_664 = vector.shape_cast %get3A_663 : vector<16xi32> to vector<16xi32>
    %gt3A_665 = arith.constant 0 : i32
    %gt3A_666 = vector.broadcast %gt3A_665 : i32 to vector<16xi32>
    %gt3A_667 = arith.cmpi sgt, %get3A_661, %gt3A_666 : vector<16xi32>
    %add3A_668 = vector.broadcast %mul3A_20 : i32 to vector<16xi32>
    %add3A_669 = arith.addi %get3A_664, %add3A_668 : vector<16xi32>
    %jit3A_670 = arith.constant 128 : i32
    %broadcast_in_dim3A_671 = vector.broadcast %jit3A_670 : i32 to vector<16xi32>
    %select_n3A_672 = arith.select %gt3A_667, %add3A_669, %broadcast_in_dim3A_671 : vector<16xi1>, vector<16xi32>
    %swap3A_673 = arith.constant 32 : index
    %swap3A_674 = tpu.vector_load %arg11[%swap3A_673] {strides = array<i32>} : memref<128xi32, #tpu.memory_space<vmem>>, vector<16xi32>,
    %swap3A_675 = vector.shape_cast %swap3A_674 : vector<16xi32> to vector<16xi32>
    %swap3A_676 = vector.shape_cast %select_n3A_672 : vector<16xi32> to vector<16xi32>
    tpu.vector_store %arg11[%swap3A_673], %swap3A_676 {strides = array<i32>} : memref<128xi32, #tpu.memory_space<vmem>>, vector<16xi32>,
    %get3A_677 = arith.constant 176 : index
    %get3A_678 = tpu.vector_load %arg9[%get3A_677] {strides = array<i32>} : memref<1024xi32, #tpu.memory_space<vmem>>, vector<16xi32>,
    %get3A_679 = vector.shape_cast %get3A_678 : vector<16xi32> to vector<16xi32>
    %get3A_680 = arith.constant 176 : index
    %get3A_681 = tpu.vector_load %arg8[%get3A_680] {strides = array<i32>} : memref<1024xi32, #tpu.memory_space<vmem>>, vector<16xi32>,
    %get3A_682 = vector.shape_cast %get3A_681 : vector<16xi32> to vector<16xi32>
    %gt3A_683 = arith.constant 0 : i32
    %gt3A_684 = vector.broadcast %gt3A_683 : i32 to vector<16xi32>
    %gt3A_685 = arith.cmpi sgt, %get3A_679, %gt3A_684 : vector<16xi32>
    %add3A_686 = vector.broadcast %mul3A_20 : i32 to vector<16xi32>
    %add3A_687 = arith.addi %get3A_682, %add3A_686 : vector<16xi32>
    %jit3A_688 = arith.constant 128 : i32
    %broadcast_in_dim3A_689 = vector.broadcast %jit3A_688 : i32 to vector<16xi32>
    %select_n3A_690 = arith.select %gt3A_685, %add3A_687, %broadcast_in_dim3A_689 : vector<16xi1>, vector<16xi32>
    %swap3A_691 = arith.constant 48 : index
    %swap3A_692 = tpu.vector_load %arg11[%swap3A_691] {strides = array<i32>} : memref<128xi32, #tpu.memory_space<vmem>>, vector<16xi32>,
    %swap3A_693 = vector.shape_cast %swap3A_692 : vector<16xi32> to vector<16xi32>
    %swap3A_694 = vector.shape_cast %select_n3A_690 : vector<16xi32> to vector<16xi32>
    tpu.vector_store %arg11[%swap3A_691], %swap3A_694 {strides = array<i32>} : memref<128xi32, #tpu.memory_space<vmem>>, vector<16xi32>,
    %get3A_695 = arith.constant 192 : index
    %get3A_696 = tpu.vector_load %arg9[%get3A_695] {strides = array<i32>} : memref<1024xi32, #tpu.memory_space<vmem>>, vector<16xi32>,
    %get3A_697 = vector.shape_cast %get3A_696 : vector<16xi32> to vector<16xi32>
    %get3A_698 = arith.constant 192 : index
    %get3A_699 = tpu.vector_load %arg8[%get3A_698] {strides = array<i32>} : memref<1024xi32, #tpu.memory_space<vmem>>, vector<16xi32>,
    %get3A_700 = vector.shape_cast %get3A_699 : vector<16xi32> to vector<16xi32>
    %gt3A_701 = arith.constant 0 : i32
    %gt3A_702 = vector.broadcast %gt3A_701 : i32 to vector<16xi32>
    %gt3A_703 = arith.cmpi sgt, %get3A_697, %gt3A_702 : vector<16xi32>
    %add3A_704 = vector.broadcast %mul3A_20 : i32 to vector<16xi32>
    %add3A_705 = arith.addi %get3A_700, %add3A_704 : vector<16xi32>
    %jit3A_706 = arith.constant 128 : i32
    %broadcast_in_dim3A_707 = vector.broadcast %jit3A_706 : i32 to vector<16xi32>
    %select_n3A_708 = arith.select %gt3A_703, %add3A_705, %broadcast_in_dim3A_707 : vector<16xi1>, vector<16xi32>
    %swap3A_709 = arith.constant 64 : index
    %swap3A_710 = tpu.vector_load %arg11[%swap3A_709] {strides = array<i32>} : memref<128xi32, #tpu.memory_space<vmem>>, vector<16xi32>,
    %swap3A_711 = vector.shape_cast %swap3A_710 : vector<16xi32> to vector<16xi32>
    %swap3A_712 = vector.shape_cast %select_n3A_708 : vector<16xi32> to vector<16xi32>
    tpu.vector_store %arg11[%swap3A_709], %swap3A_712 {strides = array<i32>} : memref<128xi32, #tpu.memory_space<vmem>>, vector<16xi32>,
    %get3A_713 = arith.constant 208 : index
    %get3A_714 = tpu.vector_load %arg9[%get3A_713] {strides = array<i32>} : memref<1024xi32, #tpu.memory_space<vmem>>, vector<16xi32>,
    %get3A_715 = vector.shape_cast %get3A_714 : vector<16xi32> to vector<16xi32>
    %get3A_716 = arith.constant 208 : index
    %get3A_717 = tpu.vector_load %arg8[%get3A_716] {strides = array<i32>} : memref<1024xi32, #tpu.memory_space<vmem>>, vector<16xi32>,
    %get3A_718 = vector.shape_cast %get3A_717 : vector<16xi32> to vector<16xi32>
    %gt3A_719 = arith.constant 0 : i32
    %gt3A_720 = vector.broadcast %gt3A_719 : i32 to vector<16xi32>
    %gt3A_721 = arith.cmpi sgt, %get3A_715, %gt3A_720 : vector<16xi32>
    %add3A_722 = vector.broadcast %mul3A_20 : i32 to vector<16xi32>
    %add3A_723 = arith.addi %get3A_718, %add3A_722 : vector<16xi32>
    %jit3A_724 = arith.constant 128 : i32
    %broadcast_in_dim3A_725 = vector.broadcast %jit3A_724 : i32 to vector<16xi32>
    %select_n3A_726 = arith.select %gt3A_721, %add3A_723, %broadcast_in_dim3A_725 : vector<16xi1>, vector<16xi32>
    %swap3A_727 = arith.constant 80 : index
    %swap3A_728 = tpu.vector_load %arg11[%swap3A_727] {strides = array<i32>} : memref<128xi32, #tpu.memory_space<vmem>>, vector<16xi32>,
    %swap3A_729 = vector.shape_cast %swap3A_728 : vector<16xi32> to vector<16xi32>
    %swap3A_730 = vector.shape_cast %select_n3A_726 : vector<16xi32> to vector<16xi32>
    tpu.vector_store %arg11[%swap3A_727], %swap3A_730 {strides = array<i32>} : memref<128xi32, #tpu.memory_space<vmem>>, vector<16xi32>,
    %get3A_731 = arith.constant 224 : index
    %get3A_732 = tpu.vector_load %arg9[%get3A_731] {strides = array<i32>} : memref<1024xi32, #tpu.memory_space<vmem>>, vector<16xi32>,
    %get3A_733 = vector.shape_cast %get3A_732 : vector<16xi32> to vector<16xi32>
    %get3A_734 = arith.constant 224 : index
    %get3A_735 = tpu.vector_load %arg8[%get3A_734] {strides = array<i32>} : memref<1024xi32, #tpu.memory_space<vmem>>, vector<16xi32>,
    %get3A_736 = vector.shape_cast %get3A_735 : vector<16xi32> to vector<16xi32>
    %gt3A_737 = arith.constant 0 : i32
    %gt3A_738 = vector.broadcast %gt3A_737 : i32 to vector<16xi32>
    %gt3A_739 = arith.cmpi sgt, %get3A_733, %gt3A_738 : vector<16xi32>
    %add3A_740 = vector.broadcast %mul3A_20 : i32 to vector<16xi32>
    %add3A_741 = arith.addi %get3A_736, %add3A_740 : vector<16xi32>
    %jit3A_742 = arith.constant 128 : i32
    %broadcast_in_dim3A_743 = vector.broadcast %jit3A_742 : i32 to vector<16xi32>
    %select_n3A_744 = arith.select %gt3A_739, %add3A_741, %broadcast_in_dim3A_743 : vector<16xi1>, vector<16xi32>
    %swap3A_745 = arith.constant 96 : index
    %swap3A_746 = tpu.vector_load %arg11[%swap3A_745] {strides = array<i32>} : memref<128xi32, #tpu.memory_space<vmem>>, vector<16xi32>,
    %swap3A_747 = vector.shape_cast %swap3A_746 : vector<16xi32> to vector<16xi32>
    %swap3A_748 = vector.shape_cast %select_n3A_744 : vector<16xi32> to vector<16xi32>
    tpu.vector_store %arg11[%swap3A_745], %swap3A_748 {strides = array<i32>} : memref<128xi32, #tpu.memory_space<vmem>>, vector<16xi32>,
    %get3A_749 = arith.constant 240 : index
    %get3A_750 = tpu.vector_load %arg9[%get3A_749] {strides = array<i32>} : memref<1024xi32, #tpu.memory_space<vmem>>, vector<16xi32>,
    %get3A_751 = vector.shape_cast %get3A_750 : vector<16xi32> to vector<16xi32>
    %get3A_752 = arith.constant 240 : index
    %get3A_753 = tpu.vector_load %arg8[%get3A_752] {strides = array<i32>} : memref<1024xi32, #tpu.memory_space<vmem>>, vector<16xi32>,
    %get3A_754 = vector.shape_cast %get3A_753 : vector<16xi32> to vector<16xi32>
    %gt3A_755 = arith.constant 0 : i32
    %gt3A_756 = vector.broadcast %gt3A_755 : i32 to vector<16xi32>
    %gt3A_757 = arith.cmpi sgt, %get3A_751, %gt3A_756 : vector<16xi32>
    %add3A_758 = vector.broadcast %mul3A_20 : i32 to vector<16xi32>
    %add3A_759 = arith.addi %get3A_754, %add3A_758 : vector<16xi32>
    %jit3A_760 = arith.constant 128 : i32
    %broadcast_in_dim3A_761 = vector.broadcast %jit3A_760 : i32 to vector<16xi32>
    %select_n3A_762 = arith.select %gt3A_757, %add3A_759, %broadcast_in_dim3A_761 : vector<16xi1>, vector<16xi32>
    %swap3A_763 = arith.constant 112 : index
    %swap3A_764 = tpu.vector_load %arg11[%swap3A_763] {strides = array<i32>} : memref<128xi32, #tpu.memory_space<vmem>>, vector<16xi32>,
    %swap3A_765 = vector.shape_cast %swap3A_764 : vector<16xi32> to vector<16xi32>
    %swap3A_766 = vector.shape_cast %select_n3A_762 : vector<16xi32> to vector<16xi32>
    tpu.vector_store %arg11[%swap3A_763], %swap3A_766 {strides = array<i32>} : memref<128xi32, #tpu.memory_space<vmem>>, vector<16xi32>,
    %dma_wait3A_767 = arith.constant 0 : i32
    %dma_wait3A_768 = tpu.memref_slice %arg2[%add3A_461, %dma_wait3A_767] : memref<32768x128xf32, #tpu.memory_space<hbm>> -> memref<128x128xf32, #tpu.memory_space<hbm>>
    %dma_wait3A_769 = arith.constant 0 : i32
    %dma_wait3A_770 = tpu.memref_slice %arg2[%add3A_461, %dma_wait3A_769] : memref<32768x128xf32, #tpu.memory_space<hbm>> -> memref<128x128xf32, #tpu.memory_space<hbm>>
    tpu.wait_dma2 semaphore(%arg14 : memref<!tpu.dma_semaphore, #tpu.memory_space<semaphore_mem>>) src(%dma_wait3A_770 : memref<128x128xf32, #tpu.memory_space<hbm>>) dst(%arg7 : memref<128x128xf32, #tpu.memory_space<vmem>>)
    %dma_start3A_771 = arith.constant 0 : i32
    %dma_start3A_772 = arith.constant 0 : i32
    %dma_start3A_773 = tpu.memref_slice %arg12[%dma_start3A_771, %dma_start3A_772] : memref<144x128xf32, #tpu.memory_space<vmem_shared>> -> memref<144x128xf32, #tpu.memory_space<vmem_shared>>
    tpu.enqueue_indirect_dma source(%arg7 : memref<128x128xf32, #tpu.memory_space<vmem>>) target(%dma_start3A_773 : memref<144x128xf32, #tpu.memory_space<vmem_shared>>) offsets(%arg11 : memref<128xi32, #tpu.memory_space<vmem>>) semaphore(%arg16 : memref<!tpu.dma_semaphore, #tpu.memory_space<semaphore_mem>>) {add = true}
    %dma_wait3A_774 = arith.constant 0 : i32
    %dma_wait3A_775 = arith.constant 0 : i32
    %dma_wait3A_776 = tpu.memref_slice %arg12[%dma_wait3A_774, %dma_wait3A_775] : memref<144x128xf32, #tpu.memory_space<vmem_shared>> -> memref<144x128xf32, #tpu.memory_space<vmem_shared>>
    tpu.wait_indirect_dma semaphore(%arg16 : memref<!tpu.dma_semaphore, #tpu.memory_space<semaphore_mem>>) src(%arg7 : memref<128x128xf32, #tpu.memory_space<vmem>>) dst(%dma_wait3A_776 : memref<144x128xf32, #tpu.memory_space<vmem_shared>>)
    %add3A_777 = arith.constant 384 : i32
    %add3A_778 = arith.addi %mul3A_2, %add3A_777 : i32
    %dma_start3A_779 = arith.constant 0 : i32
    %dma_start3A_780 = tpu.memref_slice %arg2[%add3A_778, %dma_start3A_779] : memref<32768x128xf32, #tpu.memory_space<hbm>> -> memref<128x128xf32, #tpu.memory_space<hbm>>
    %dma_start3A_781 = arith.constant 0 : i32
    %dma_start3A_782 = tpu.memref_slice %arg2[%add3A_778, %dma_start3A_781] : memref<32768x128xf32, #tpu.memory_space<hbm>> -> memref<128x128xf32, #tpu.memory_space<hbm>>
    tpu.enqueue_dma source(%dma_start3A_782 : memref<128x128xf32, #tpu.memory_space<hbm>>) target(%arg7 : memref<128x128xf32, #tpu.memory_space<vmem>>) target_semaphore(%arg14 : memref<!tpu.dma_semaphore, #tpu.memory_space<semaphore_mem>>)
    %get3A_783 = arith.constant 256 : index
    %get3A_784 = tpu.vector_load %arg9[%get3A_783] {strides = array<i32>} : memref<1024xi32, #tpu.memory_space<vmem>>, vector<16xi32>,
    %get3A_785 = vector.shape_cast %get3A_784 : vector<16xi32> to vector<16xi32>
    %get3A_786 = arith.constant 256 : index
    %get3A_787 = tpu.vector_load %arg8[%get3A_786] {strides = array<i32>} : memref<1024xi32, #tpu.memory_space<vmem>>, vector<16xi32>,
    %get3A_788 = vector.shape_cast %get3A_787 : vector<16xi32> to vector<16xi32>
    %gt3A_789 = arith.constant 0 : i32
    %gt3A_790 = vector.broadcast %gt3A_789 : i32 to vector<16xi32>
    %gt3A_791 = arith.cmpi sgt, %get3A_785, %gt3A_790 : vector<16xi32>
    %add3A_792 = vector.broadcast %mul3A_20 : i32 to vector<16xi32>
    %add3A_793 = arith.addi %get3A_788, %add3A_792 : vector<16xi32>
    %jit3A_794 = arith.constant 128 : i32
    %broadcast_in_dim3A_795 = vector.broadcast %jit3A_794 : i32 to vector<16xi32>
    %select_n3A_796 = arith.select %gt3A_791, %add3A_793, %broadcast_in_dim3A_795 : vector<16xi1>, vector<16xi32>
    %swap3A_797 = arith.constant 0 : index
    %swap3A_798 = tpu.vector_load %arg10[%swap3A_797] {strides = array<i32>} : memref<128xi32, #tpu.memory_space<vmem>>, vector<16xi32>,
    %swap3A_799 = vector.shape_cast %swap3A_798 : vector<16xi32> to vector<16xi32>
    %swap3A_800 = vector.shape_cast %select_n3A_796 : vector<16xi32> to vector<16xi32>
    tpu.vector_store %arg10[%swap3A_797], %swap3A_800 {strides = array<i32>} : memref<128xi32, #tpu.memory_space<vmem>>, vector<16xi32>,
    %get3A_801 = arith.constant 272 : index
    %get3A_802 = tpu.vector_load %arg9[%get3A_801] {strides = array<i32>} : memref<1024xi32, #tpu.memory_space<vmem>>, vector<16xi32>,
    %get3A_803 = vector.shape_cast %get3A_802 : vector<16xi32> to vector<16xi32>
    %get3A_804 = arith.constant 272 : index
    %get3A_805 = tpu.vector_load %arg8[%get3A_804] {strides = array<i32>} : memref<1024xi32, #tpu.memory_space<vmem>>, vector<16xi32>,
    %get3A_806 = vector.shape_cast %get3A_805 : vector<16xi32> to vector<16xi32>
    %gt3A_807 = arith.constant 0 : i32
    %gt3A_808 = vector.broadcast %gt3A_807 : i32 to vector<16xi32>
    %gt3A_809 = arith.cmpi sgt, %get3A_803, %gt3A_808 : vector<16xi32>
    %add3A_810 = vector.broadcast %mul3A_20 : i32 to vector<16xi32>
    %add3A_811 = arith.addi %get3A_806, %add3A_810 : vector<16xi32>
    %jit3A_812 = arith.constant 128 : i32
    %broadcast_in_dim3A_813 = vector.broadcast %jit3A_812 : i32 to vector<16xi32>
    %select_n3A_814 = arith.select %gt3A_809, %add3A_811, %broadcast_in_dim3A_813 : vector<16xi1>, vector<16xi32>
    %swap3A_815 = arith.constant 16 : index
    %swap3A_816 = tpu.vector_load %arg10[%swap3A_815] {strides = array<i32>} : memref<128xi32, #tpu.memory_space<vmem>>, vector<16xi32>,
    %swap3A_817 = vector.shape_cast %swap3A_816 : vector<16xi32> to vector<16xi32>
    %swap3A_818 = vector.shape_cast %select_n3A_814 : vector<16xi32> to vector<16xi32>
    tpu.vector_store %arg10[%swap3A_815], %swap3A_818 {strides = array<i32>} : memref<128xi32, #tpu.memory_space<vmem>>, vector<16xi32>,
    %get3A_819 = arith.constant 288 : index
    %get3A_820 = tpu.vector_load %arg9[%get3A_819] {strides = array<i32>} : memref<1024xi32, #tpu.memory_space<vmem>>, vector<16xi32>,
    %get3A_821 = vector.shape_cast %get3A_820 : vector<16xi32> to vector<16xi32>
    %get3A_822 = arith.constant 288 : index
    %get3A_823 = tpu.vector_load %arg8[%get3A_822] {strides = array<i32>} : memref<1024xi32, #tpu.memory_space<vmem>>, vector<16xi32>,
    %get3A_824 = vector.shape_cast %get3A_823 : vector<16xi32> to vector<16xi32>
    %gt3A_825 = arith.constant 0 : i32
    %gt3A_826 = vector.broadcast %gt3A_825 : i32 to vector<16xi32>
    %gt3A_827 = arith.cmpi sgt, %get3A_821, %gt3A_826 : vector<16xi32>
    %add3A_828 = vector.broadcast %mul3A_20 : i32 to vector<16xi32>
    %add3A_829 = arith.addi %get3A_824, %add3A_828 : vector<16xi32>
    %jit3A_830 = arith.constant 128 : i32
    %broadcast_in_dim3A_831 = vector.broadcast %jit3A_830 : i32 to vector<16xi32>
    %select_n3A_832 = arith.select %gt3A_827, %add3A_829, %broadcast_in_dim3A_831 : vector<16xi1>, vector<16xi32>
    %swap3A_833 = arith.constant 32 : index
    %swap3A_834 = tpu.vector_load %arg10[%swap3A_833] {strides = array<i32>} : memref<128xi32, #tpu.memory_space<vmem>>, vector<16xi32>,
    %swap3A_835 = vector.shape_cast %swap3A_834 : vector<16xi32> to vector<16xi32>
    %swap3A_836 = vector.shape_cast %select_n3A_832 : vector<16xi32> to vector<16xi32>
    tpu.vector_store %arg10[%swap3A_833], %swap3A_836 {strides = array<i32>} : memref<128xi32, #tpu.memory_space<vmem>>, vector<16xi32>,
    %get3A_837 = arith.constant 304 : index
    %get3A_838 = tpu.vector_load %arg9[%get3A_837] {strides = array<i32>} : memref<1024xi32, #tpu.memory_space<vmem>>, vector<16xi32>,
    %get3A_839 = vector.shape_cast %get3A_838 : vector<16xi32> to vector<16xi32>
    %get3A_840 = arith.constant 304 : index
    %get3A_841 = tpu.vector_load %arg8[%get3A_840] {strides = array<i32>} : memref<1024xi32, #tpu.memory_space<vmem>>, vector<16xi32>,
    %get3A_842 = vector.shape_cast %get3A_841 : vector<16xi32> to vector<16xi32>
    %gt3A_843 = arith.constant 0 : i32
    %gt3A_844 = vector.broadcast %gt3A_843 : i32 to vector<16xi32>
    %gt3A_845 = arith.cmpi sgt, %get3A_839, %gt3A_844 : vector<16xi32>
    %add3A_846 = vector.broadcast %mul3A_20 : i32 to vector<16xi32>
    %add3A_847 = arith.addi %get3A_842, %add3A_846 : vector<16xi32>
    %jit3A_848 = arith.constant 128 : i32
    %broadcast_in_dim3A_849 = vector.broadcast %jit3A_848 : i32 to vector<16xi32>
    %select_n3A_850 = arith.select %gt3A_845, %add3A_847, %broadcast_in_dim3A_849 : vector<16xi1>, vector<16xi32>
    %swap3A_851 = arith.constant 48 : index
    %swap3A_852 = tpu.vector_load %arg10[%swap3A_851] {strides = array<i32>} : memref<128xi32, #tpu.memory_space<vmem>>, vector<16xi32>,
    %swap3A_853 = vector.shape_cast %swap3A_852 : vector<16xi32> to vector<16xi32>
    %swap3A_854 = vector.shape_cast %select_n3A_850 : vector<16xi32> to vector<16xi32>
    tpu.vector_store %arg10[%swap3A_851], %swap3A_854 {strides = array<i32>} : memref<128xi32, #tpu.memory_space<vmem>>, vector<16xi32>,
    %get3A_855 = arith.constant 320 : index
    %get3A_856 = tpu.vector_load %arg9[%get3A_855] {strides = array<i32>} : memref<1024xi32, #tpu.memory_space<vmem>>, vector<16xi32>,
    %get3A_857 = vector.shape_cast %get3A_856 : vector<16xi32> to vector<16xi32>
    %get3A_858 = arith.constant 320 : index
    %get3A_859 = tpu.vector_load %arg8[%get3A_858] {strides = array<i32>} : memref<1024xi32, #tpu.memory_space<vmem>>, vector<16xi32>,
    %get3A_860 = vector.shape_cast %get3A_859 : vector<16xi32> to vector<16xi32>
    %gt3A_861 = arith.constant 0 : i32
    %gt3A_862 = vector.broadcast %gt3A_861 : i32 to vector<16xi32>
    %gt3A_863 = arith.cmpi sgt, %get3A_857, %gt3A_862 : vector<16xi32>
    %add3A_864 = vector.broadcast %mul3A_20 : i32 to vector<16xi32>
    %add3A_865 = arith.addi %get3A_860, %add3A_864 : vector<16xi32>
    %jit3A_866 = arith.constant 128 : i32
    %broadcast_in_dim3A_867 = vector.broadcast %jit3A_866 : i32 to vector<16xi32>
    %select_n3A_868 = arith.select %gt3A_863, %add3A_865, %broadcast_in_dim3A_867 : vector<16xi1>, vector<16xi32>
    %swap3A_869 = arith.constant 64 : index
    %swap3A_870 = tpu.vector_load %arg10[%swap3A_869] {strides = array<i32>} : memref<128xi32, #tpu.memory_space<vmem>>, vector<16xi32>,
    %swap3A_871 = vector.shape_cast %swap3A_870 : vector<16xi32> to vector<16xi32>
    %swap3A_872 = vector.shape_cast %select_n3A_868 : vector<16xi32> to vector<16xi32>
    tpu.vector_store %arg10[%swap3A_869], %swap3A_872 {strides = array<i32>} : memref<128xi32, #tpu.memory_space<vmem>>, vector<16xi32>,
    %get3A_873 = arith.constant 336 : index
    %get3A_874 = tpu.vector_load %arg9[%get3A_873] {strides = array<i32>} : memref<1024xi32, #tpu.memory_space<vmem>>, vector<16xi32>,
    %get3A_875 = vector.shape_cast %get3A_874 : vector<16xi32> to vector<16xi32>
    %get3A_876 = arith.constant 336 : index
    %get3A_877 = tpu.vector_load %arg8[%get3A_876] {strides = array<i32>} : memref<1024xi32, #tpu.memory_space<vmem>>, vector<16xi32>,
    %get3A_878 = vector.shape_cast %get3A_877 : vector<16xi32> to vector<16xi32>
    %gt3A_879 = arith.constant 0 : i32
    %gt3A_880 = vector.broadcast %gt3A_879 : i32 to vector<16xi32>
    %gt3A_881 = arith.cmpi sgt, %get3A_875, %gt3A_880 : vector<16xi32>
    %add3A_882 = vector.broadcast %mul3A_20 : i32 to vector<16xi32>
    %add3A_883 = arith.addi %get3A_878, %add3A_882 : vector<16xi32>
    %jit3A_884 = arith.constant 128 : i32
    %broadcast_in_dim3A_885 = vector.broadcast %jit3A_884 : i32 to vector<16xi32>
    %select_n3A_886 = arith.select %gt3A_881, %add3A_883, %broadcast_in_dim3A_885 : vector<16xi1>, vector<16xi32>
    %swap3A_887 = arith.constant 80 : index
    %swap3A_888 = tpu.vector_load %arg10[%swap3A_887] {strides = array<i32>} : memref<128xi32, #tpu.memory_space<vmem>>, vector<16xi32>,
    %swap3A_889 = vector.shape_cast %swap3A_888 : vector<16xi32> to vector<16xi32>
    %swap3A_890 = vector.shape_cast %select_n3A_886 : vector<16xi32> to vector<16xi32>
    tpu.vector_store %arg10[%swap3A_887], %swap3A_890 {strides = array<i32>} : memref<128xi32, #tpu.memory_space<vmem>>, vector<16xi32>,
    %get3A_891 = arith.constant 352 : index
    %get3A_892 = tpu.vector_load %arg9[%get3A_891] {strides = array<i32>} : memref<1024xi32, #tpu.memory_space<vmem>>, vector<16xi32>,
    %get3A_893 = vector.shape_cast %get3A_892 : vector<16xi32> to vector<16xi32>
    %get3A_894 = arith.constant 352 : index
    %get3A_895 = tpu.vector_load %arg8[%get3A_894] {strides = array<i32>} : memref<1024xi32, #tpu.memory_space<vmem>>, vector<16xi32>,
    %get3A_896 = vector.shape_cast %get3A_895 : vector<16xi32> to vector<16xi32>
    %gt3A_897 = arith.constant 0 : i32
    %gt3A_898 = vector.broadcast %gt3A_897 : i32 to vector<16xi32>
    %gt3A_899 = arith.cmpi sgt, %get3A_893, %gt3A_898 : vector<16xi32>
    %add3A_900 = vector.broadcast %mul3A_20 : i32 to vector<16xi32>
    %add3A_901 = arith.addi %get3A_896, %add3A_900 : vector<16xi32>
    %jit3A_902 = arith.constant 128 : i32
    %broadcast_in_dim3A_903 = vector.broadcast %jit3A_902 : i32 to vector<16xi32>
    %select_n3A_904 = arith.select %gt3A_899, %add3A_901, %broadcast_in_dim3A_903 : vector<16xi1>, vector<16xi32>
    %swap3A_905 = arith.constant 96 : index
    %swap3A_906 = tpu.vector_load %arg10[%swap3A_905] {strides = array<i32>} : memref<128xi32, #tpu.memory_space<vmem>>, vector<16xi32>,
    %swap3A_907 = vector.shape_cast %swap3A_906 : vector<16xi32> to vector<16xi32>
    %swap3A_908 = vector.shape_cast %select_n3A_904 : vector<16xi32> to vector<16xi32>
    tpu.vector_store %arg10[%swap3A_905], %swap3A_908 {strides = array<i32>} : memref<128xi32, #tpu.memory_space<vmem>>, vector<16xi32>,
    %get3A_909 = arith.constant 368 : index
    %get3A_910 = tpu.vector_load %arg9[%get3A_909] {strides = array<i32>} : memref<1024xi32, #tpu.memory_space<vmem>>, vector<16xi32>,
    %get3A_911 = vector.shape_cast %get3A_910 : vector<16xi32> to vector<16xi32>
    %get3A_912 = arith.constant 368 : index
    %get3A_913 = tpu.vector_load %arg8[%get3A_912] {strides = array<i32>} : memref<1024xi32, #tpu.memory_space<vmem>>, vector<16xi32>,
    %get3A_914 = vector.shape_cast %get3A_913 : vector<16xi32> to vector<16xi32>
    %gt3A_915 = arith.constant 0 : i32
    %gt3A_916 = vector.broadcast %gt3A_915 : i32 to vector<16xi32>
    %gt3A_917 = arith.cmpi sgt, %get3A_911, %gt3A_916 : vector<16xi32>
    %add3A_918 = vector.broadcast %mul3A_20 : i32 to vector<16xi32>
    %add3A_919 = arith.addi %get3A_914, %add3A_918 : vector<16xi32>
    %jit3A_920 = arith.constant 128 : i32
    %broadcast_in_dim3A_921 = vector.broadcast %jit3A_920 : i32 to vector<16xi32>
    %select_n3A_922 = arith.select %gt3A_917, %add3A_919, %broadcast_in_dim3A_921 : vector<16xi1>, vector<16xi32>
    %swap3A_923 = arith.constant 112 : index
    %swap3A_924 = tpu.vector_load %arg10[%swap3A_923] {strides = array<i32>} : memref<128xi32, #tpu.memory_space<vmem>>, vector<16xi32>,
    %swap3A_925 = vector.shape_cast %swap3A_924 : vector<16xi32> to vector<16xi32>
    %swap3A_926 = vector.shape_cast %select_n3A_922 : vector<16xi32> to vector<16xi32>
    tpu.vector_store %arg10[%swap3A_923], %swap3A_926 {strides = array<i32>} : memref<128xi32, #tpu.memory_space<vmem>>, vector<16xi32>,
    %dma_wait3A_927 = arith.constant 0 : i32
    %dma_wait3A_928 = tpu.memref_slice %arg2[%add3A_618, %dma_wait3A_927] : memref<32768x128xf32, #tpu.memory_space<hbm>> -> memref<128x128xf32, #tpu.memory_space<hbm>>
    %dma_wait3A_929 = arith.constant 0 : i32
    %dma_wait3A_930 = tpu.memref_slice %arg2[%add3A_618, %dma_wait3A_929] : memref<32768x128xf32, #tpu.memory_space<hbm>> -> memref<128x128xf32, #tpu.memory_space<hbm>>
    tpu.wait_dma2 semaphore(%arg13 : memref<!tpu.dma_semaphore, #tpu.memory_space<semaphore_mem>>) src(%dma_wait3A_930 : memref<128x128xf32, #tpu.memory_space<hbm>>) dst(%arg6 : memref<128x128xf32, #tpu.memory_space<vmem>>)
    %dma_start3A_931 = arith.constant 0 : i32
    %dma_start3A_932 = arith.constant 0 : i32
    %dma_start3A_933 = tpu.memref_slice %arg12[%dma_start3A_931, %dma_start3A_932] : memref<144x128xf32, #tpu.memory_space<vmem_shared>> -> memref<144x128xf32, #tpu.memory_space<vmem_shared>>
    tpu.enqueue_indirect_dma source(%arg6 : memref<128x128xf32, #tpu.memory_space<vmem>>) target(%dma_start3A_933 : memref<144x128xf32, #tpu.memory_space<vmem_shared>>) offsets(%arg10 : memref<128xi32, #tpu.memory_space<vmem>>) semaphore(%arg15 : memref<!tpu.dma_semaphore, #tpu.memory_space<semaphore_mem>>) {add = true}
    %dma_wait3A_934 = arith.constant 0 : i32
    %dma_wait3A_935 = arith.constant 0 : i32
    %dma_wait3A_936 = tpu.memref_slice %arg12[%dma_wait3A_934, %dma_wait3A_935] : memref<144x128xf32, #tpu.memory_space<vmem_shared>> -> memref<144x128xf32, #tpu.memory_space<vmem_shared>>
    tpu.wait_indirect_dma semaphore(%arg15 : memref<!tpu.dma_semaphore, #tpu.memory_space<semaphore_mem>>) src(%arg6 : memref<128x128xf32, #tpu.memory_space<vmem>>) dst(%dma_wait3A_936 : memref<144x128xf32, #tpu.memory_space<vmem_shared>>)
    %add3A_937 = arith.constant 512 : i32
    %add3A_938 = arith.addi %mul3A_2, %add3A_937 : i32
    %dma_start3A_939 = arith.constant 0 : i32
    %dma_start3A_940 = tpu.memref_slice %arg2[%add3A_938, %dma_start3A_939] : memref<32768x128xf32, #tpu.memory_space<hbm>> -> memref<128x128xf32, #tpu.memory_space<hbm>>
    %dma_start3A_941 = arith.constant 0 : i32
    %dma_start3A_942 = tpu.memref_slice %arg2[%add3A_938, %dma_start3A_941] : memref<32768x128xf32, #tpu.memory_space<hbm>> -> memref<128x128xf32, #tpu.memory_space<hbm>>
    tpu.enqueue_dma source(%dma_start3A_942 : memref<128x128xf32, #tpu.memory_space<hbm>>) target(%arg6 : memref<128x128xf32, #tpu.memory_space<vmem>>) target_semaphore(%arg13 : memref<!tpu.dma_semaphore, #tpu.memory_space<semaphore_mem>>)
    %get3A_943 = arith.constant 384 : index
    %get3A_944 = tpu.vector_load %arg9[%get3A_943] {strides = array<i32>} : memref<1024xi32, #tpu.memory_space<vmem>>, vector<16xi32>,
    %get3A_945 = vector.shape_cast %get3A_944 : vector<16xi32> to vector<16xi32>
    %get3A_946 = arith.constant 384 : index
    %get3A_947 = tpu.vector_load %arg8[%get3A_946] {strides = array<i32>} : memref<1024xi32, #tpu.memory_space<vmem>>, vector<16xi32>,
    %get3A_948 = vector.shape_cast %get3A_947 : vector<16xi32> to vector<16xi32>
    %gt3A_949 = arith.constant 0 : i32
    %gt3A_950 = vector.broadcast %gt3A_949 : i32 to vector<16xi32>
    %gt3A_951 = arith.cmpi sgt, %get3A_945, %gt3A_950 : vector<16xi32>
    %add3A_952 = vector.broadcast %mul3A_20 : i32 to vector<16xi32>
    %add3A_953 = arith.addi %get3A_948, %add3A_952 : vector<16xi32>
    %jit3A_954 = arith.constant 128 : i32
    %broadcast_in_dim3A_955 = vector.broadcast %jit3A_954 : i32 to vector<16xi32>
    %select_n3A_956 = arith.select %gt3A_951, %add3A_953, %broadcast_in_dim3A_955 : vector<16xi1>, vector<16xi32>
    %swap3A_957 = arith.constant 0 : index
    %swap3A_958 = tpu.vector_load %arg11[%swap3A_957] {strides = array<i32>} : memref<128xi32, #tpu.memory_space<vmem>>, vector<16xi32>,
    %swap3A_959 = vector.shape_cast %swap3A_958 : vector<16xi32> to vector<16xi32>
    %swap3A_960 = vector.shape_cast %select_n3A_956 : vector<16xi32> to vector<16xi32>
    tpu.vector_store %arg11[%swap3A_957], %swap3A_960 {strides = array<i32>} : memref<128xi32, #tpu.memory_space<vmem>>, vector<16xi32>,
    %get3A_961 = arith.constant 400 : index
    %get3A_962 = tpu.vector_load %arg9[%get3A_961] {strides = array<i32>} : memref<1024xi32, #tpu.memory_space<vmem>>, vector<16xi32>,
    %get3A_963 = vector.shape_cast %get3A_962 : vector<16xi32> to vector<16xi32>
    %get3A_964 = arith.constant 400 : index
    %get3A_965 = tpu.vector_load %arg8[%get3A_964] {strides = array<i32>} : memref<1024xi32, #tpu.memory_space<vmem>>, vector<16xi32>,
    %get3A_966 = vector.shape_cast %get3A_965 : vector<16xi32> to vector<16xi32>
    %gt3A_967 = arith.constant 0 : i32
    %gt3A_968 = vector.broadcast %gt3A_967 : i32 to vector<16xi32>
    %gt3A_969 = arith.cmpi sgt, %get3A_963, %gt3A_968 : vector<16xi32>
    %add3A_970 = vector.broadcast %mul3A_20 : i32 to vector<16xi32>
    %add3A_971 = arith.addi %get3A_966, %add3A_970 : vector<16xi32>
    %jit3A_972 = arith.constant 128 : i32
    %broadcast_in_dim3A_973 = vector.broadcast %jit3A_972 : i32 to vector<16xi32>
    %select_n3A_974 = arith.select %gt3A_969, %add3A_971, %broadcast_in_dim3A_973 : vector<16xi1>, vector<16xi32>
    %swap3A_975 = arith.constant 16 : index
    %swap3A_976 = tpu.vector_load %arg11[%swap3A_975] {strides = array<i32>} : memref<128xi32, #tpu.memory_space<vmem>>, vector<16xi32>,
    %swap3A_977 = vector.shape_cast %swap3A_976 : vector<16xi32> to vector<16xi32>
    %swap3A_978 = vector.shape_cast %select_n3A_974 : vector<16xi32> to vector<16xi32>
    tpu.vector_store %arg11[%swap3A_975], %swap3A_978 {strides = array<i32>} : memref<128xi32, #tpu.memory_space<vmem>>, vector<16xi32>,
    %get3A_979 = arith.constant 416 : index
    %get3A_980 = tpu.vector_load %arg9[%get3A_979] {strides = array<i32>} : memref<1024xi32, #tpu.memory_space<vmem>>, vector<16xi32>,
    %get3A_981 = vector.shape_cast %get3A_980 : vector<16xi32> to vector<16xi32>
    %get3A_982 = arith.constant 416 : index
    %get3A_983 = tpu.vector_load %arg8[%get3A_982] {strides = array<i32>} : memref<1024xi32, #tpu.memory_space<vmem>>, vector<16xi32>,
    %get3A_984 = vector.shape_cast %get3A_983 : vector<16xi32> to vector<16xi32>
    %gt3A_985 = arith.constant 0 : i32
    %gt3A_986 = vector.broadcast %gt3A_985 : i32 to vector<16xi32>
    %gt3A_987 = arith.cmpi sgt, %get3A_981, %gt3A_986 : vector<16xi32>
    %add3A_988 = vector.broadcast %mul3A_20 : i32 to vector<16xi32>
    %add3A_989 = arith.addi %get3A_984, %add3A_988 : vector<16xi32>
    %jit3A_990 = arith.constant 128 : i32
    %broadcast_in_dim3A_991 = vector.broadcast %jit3A_990 : i32 to vector<16xi32>
    %select_n3A_992 = arith.select %gt3A_987, %add3A_989, %broadcast_in_dim3A_991 : vector<16xi1>, vector<16xi32>
    %swap3A_993 = arith.constant 32 : index
    %swap3A_994 = tpu.vector_load %arg11[%swap3A_993] {strides = array<i32>} : memref<128xi32, #tpu.memory_space<vmem>>, vector<16xi32>,
    %swap3A_995 = vector.shape_cast %swap3A_994 : vector<16xi32> to vector<16xi32>
    %swap3A_996 = vector.shape_cast %select_n3A_992 : vector<16xi32> to vector<16xi32>
    tpu.vector_store %arg11[%swap3A_993], %swap3A_996 {strides = array<i32>} : memref<128xi32, #tpu.memory_space<vmem>>, vector<16xi32>,
    %get3A_997 = arith.constant 432 : index
    %get3A_998 = tpu.vector_load %arg9[%get3A_997] {strides = array<i32>} : memref<1024xi32, #tpu.memory_space<vmem>>, vector<16xi32>,
    %get3A_999 = vector.shape_cast %get3A_998 : vector<16xi32> to vector<16xi32>
    %get3A_1000 = arith.constant 432 : index
    %get3A_1001 = tpu.vector_load %arg8[%get3A_1000] {strides = array<i32>} : memref<1024xi32, #tpu.memory_space<vmem>>, vector<16xi32>,
    %get3A_1002 = vector.shape_cast %get3A_1001 : vector<16xi32> to vector<16xi32>
    %gt3A_1003 = arith.constant 0 : i32
    %gt3A_1004 = vector.broadcast %gt3A_1003 : i32 to vector<16xi32>
    %gt3A_1005 = arith.cmpi sgt, %get3A_999, %gt3A_1004 : vector<16xi32>
    %add3A_1006 = vector.broadcast %mul3A_20 : i32 to vector<16xi32>
    %add3A_1007 = arith.addi %get3A_1002, %add3A_1006 : vector<16xi32>
    %jit3A_1008 = arith.constant 128 : i32
    %broadcast_in_dim3A_1009 = vector.broadcast %jit3A_1008 : i32 to vector<16xi32>
    %select_n3A_1010 = arith.select %gt3A_1005, %add3A_1007, %broadcast_in_dim3A_1009 : vector<16xi1>, vector<16xi32>
    %swap3A_1011 = arith.constant 48 : index
    %swap3A_1012 = tpu.vector_load %arg11[%swap3A_1011] {strides = array<i32>} : memref<128xi32, #tpu.memory_space<vmem>>, vector<16xi32>,
    %swap3A_1013 = vector.shape_cast %swap3A_1012 : vector<16xi32> to vector<16xi32>
    %swap3A_1014 = vector.shape_cast %select_n3A_1010 : vector<16xi32> to vector<16xi32>
    tpu.vector_store %arg11[%swap3A_1011], %swap3A_1014 {strides = array<i32>} : memref<128xi32, #tpu.memory_space<vmem>>, vector<16xi32>,
    %get3A_1015 = arith.constant 448 : index
    %get3A_1016 = tpu.vector_load %arg9[%get3A_1015] {strides = array<i32>} : memref<1024xi32, #tpu.memory_space<vmem>>, vector<16xi32>,
    %get3A_1017 = vector.shape_cast %get3A_1016 : vector<16xi32> to vector<16xi32>
    %get3A_1018 = arith.constant 448 : index
    %get3A_1019 = tpu.vector_load %arg8[%get3A_1018] {strides = array<i32>} : memref<1024xi32, #tpu.memory_space<vmem>>, vector<16xi32>,
    %get3A_1020 = vector.shape_cast %get3A_1019 : vector<16xi32> to vector<16xi32>
    %gt3A_1021 = arith.constant 0 : i32
    %gt3A_1022 = vector.broadcast %gt3A_1021 : i32 to vector<16xi32>
    %gt3A_1023 = arith.cmpi sgt, %get3A_1017, %gt3A_1022 : vector<16xi32>
    %add3A_1024 = vector.broadcast %mul3A_20 : i32 to vector<16xi32>
    %add3A_1025 = arith.addi %get3A_1020, %add3A_1024 : vector<16xi32>
    %jit3A_1026 = arith.constant 128 : i32
    %broadcast_in_dim3A_1027 = vector.broadcast %jit3A_1026 : i32 to vector<16xi32>
    %select_n3A_1028 = arith.select %gt3A_1023, %add3A_1025, %broadcast_in_dim3A_1027 : vector<16xi1>, vector<16xi32>
    %swap3A_1029 = arith.constant 64 : index
    %swap3A_1030 = tpu.vector_load %arg11[%swap3A_1029] {strides = array<i32>} : memref<128xi32, #tpu.memory_space<vmem>>, vector<16xi32>,
    %swap3A_1031 = vector.shape_cast %swap3A_1030 : vector<16xi32> to vector<16xi32>
    %swap3A_1032 = vector.shape_cast %select_n3A_1028 : vector<16xi32> to vector<16xi32>
    tpu.vector_store %arg11[%swap3A_1029], %swap3A_1032 {strides = array<i32>} : memref<128xi32, #tpu.memory_space<vmem>>, vector<16xi32>,
    %get3A_1033 = arith.constant 464 : index
    %get3A_1034 = tpu.vector_load %arg9[%get3A_1033] {strides = array<i32>} : memref<1024xi32, #tpu.memory_space<vmem>>, vector<16xi32>,
    %get3A_1035 = vector.shape_cast %get3A_1034 : vector<16xi32> to vector<16xi32>
    %get3A_1036 = arith.constant 464 : index
    %get3A_1037 = tpu.vector_load %arg8[%get3A_1036] {strides = array<i32>} : memref<1024xi32, #tpu.memory_space<vmem>>, vector<16xi32>,
    %get3A_1038 = vector.shape_cast %get3A_1037 : vector<16xi32> to vector<16xi32>
    %gt3A_1039 = arith.constant 0 : i32
    %gt3A_1040 = vector.broadcast %gt3A_1039 : i32 to vector<16xi32>
    %gt3A_1041 = arith.cmpi sgt, %get3A_1035, %gt3A_1040 : vector<16xi32>
    %add3A_1042 = vector.broadcast %mul3A_20 : i32 to vector<16xi32>
    %add3A_1043 = arith.addi %get3A_1038, %add3A_1042 : vector<16xi32>
    %jit3A_1044 = arith.constant 128 : i32
    %broadcast_in_dim3A_1045 = vector.broadcast %jit3A_1044 : i32 to vector<16xi32>
    %select_n3A_1046 = arith.select %gt3A_1041, %add3A_1043, %broadcast_in_dim3A_1045 : vector<16xi1>, vector<16xi32>
    %swap3A_1047 = arith.constant 80 : index
    %swap3A_1048 = tpu.vector_load %arg11[%swap3A_1047] {strides = array<i32>} : memref<128xi32, #tpu.memory_space<vmem>>, vector<16xi32>,
    %swap3A_1049 = vector.shape_cast %swap3A_1048 : vector<16xi32> to vector<16xi32>
    %swap3A_1050 = vector.shape_cast %select_n3A_1046 : vector<16xi32> to vector<16xi32>
    tpu.vector_store %arg11[%swap3A_1047], %swap3A_1050 {strides = array<i32>} : memref<128xi32, #tpu.memory_space<vmem>>, vector<16xi32>,
    %get3A_1051 = arith.constant 480 : index
    %get3A_1052 = tpu.vector_load %arg9[%get3A_1051] {strides = array<i32>} : memref<1024xi32, #tpu.memory_space<vmem>>, vector<16xi32>,
    %get3A_1053 = vector.shape_cast %get3A_1052 : vector<16xi32> to vector<16xi32>
    %get3A_1054 = arith.constant 480 : index
    %get3A_1055 = tpu.vector_load %arg8[%get3A_1054] {strides = array<i32>} : memref<1024xi32, #tpu.memory_space<vmem>>, vector<16xi32>,
    %get3A_1056 = vector.shape_cast %get3A_1055 : vector<16xi32> to vector<16xi32>
    %gt3A_1057 = arith.constant 0 : i32
    %gt3A_1058 = vector.broadcast %gt3A_1057 : i32 to vector<16xi32>
    %gt3A_1059 = arith.cmpi sgt, %get3A_1053, %gt3A_1058 : vector<16xi32>
    %add3A_1060 = vector.broadcast %mul3A_20 : i32 to vector<16xi32>
    %add3A_1061 = arith.addi %get3A_1056, %add3A_1060 : vector<16xi32>
    %jit3A_1062 = arith.constant 128 : i32
    %broadcast_in_dim3A_1063 = vector.broadcast %jit3A_1062 : i32 to vector<16xi32>
    %select_n3A_1064 = arith.select %gt3A_1059, %add3A_1061, %broadcast_in_dim3A_1063 : vector<16xi1>, vector<16xi32>
    %swap3A_1065 = arith.constant 96 : index
    %swap3A_1066 = tpu.vector_load %arg11[%swap3A_1065] {strides = array<i32>} : memref<128xi32, #tpu.memory_space<vmem>>, vector<16xi32>,
    %swap3A_1067 = vector.shape_cast %swap3A_1066 : vector<16xi32> to vector<16xi32>
    %swap3A_1068 = vector.shape_cast %select_n3A_1064 : vector<16xi32> to vector<16xi32>
    tpu.vector_store %arg11[%swap3A_1065], %swap3A_1068 {strides = array<i32>} : memref<128xi32, #tpu.memory_space<vmem>>, vector<16xi32>,
    %get3A_1069 = arith.constant 496 : index
    %get3A_1070 = tpu.vector_load %arg9[%get3A_1069] {strides = array<i32>} : memref<1024xi32, #tpu.memory_space<vmem>>, vector<16xi32>,
    %get3A_1071 = vector.shape_cast %get3A_1070 : vector<16xi32> to vector<16xi32>
    %get3A_1072 = arith.constant 496 : index
    %get3A_1073 = tpu.vector_load %arg8[%get3A_1072] {strides = array<i32>} : memref<1024xi32, #tpu.memory_space<vmem>>, vector<16xi32>,
    %get3A_1074 = vector.shape_cast %get3A_1073 : vector<16xi32> to vector<16xi32>
    %gt3A_1075 = arith.constant 0 : i32
    %gt3A_1076 = vector.broadcast %gt3A_1075 : i32 to vector<16xi32>
    %gt3A_1077 = arith.cmpi sgt, %get3A_1071, %gt3A_1076 : vector<16xi32>
    %add3A_1078 = vector.broadcast %mul3A_20 : i32 to vector<16xi32>
    %add3A_1079 = arith.addi %get3A_1074, %add3A_1078 : vector<16xi32>
    %jit3A_1080 = arith.constant 128 : i32
    %broadcast_in_dim3A_1081 = vector.broadcast %jit3A_1080 : i32 to vector<16xi32>
    %select_n3A_1082 = arith.select %gt3A_1077, %add3A_1079, %broadcast_in_dim3A_1081 : vector<16xi1>, vector<16xi32>
    %swap3A_1083 = arith.constant 112 : index
    %swap3A_1084 = tpu.vector_load %arg11[%swap3A_1083] {strides = array<i32>} : memref<128xi32, #tpu.memory_space<vmem>>, vector<16xi32>,
    %swap3A_1085 = vector.shape_cast %swap3A_1084 : vector<16xi32> to vector<16xi32>
    %swap3A_1086 = vector.shape_cast %select_n3A_1082 : vector<16xi32> to vector<16xi32>
    tpu.vector_store %arg11[%swap3A_1083], %swap3A_1086 {strides = array<i32>} : memref<128xi32, #tpu.memory_space<vmem>>, vector<16xi32>,
    %dma_wait3A_1087 = arith.constant 0 : i32
    %dma_wait3A_1088 = tpu.memref_slice %arg2[%add3A_778, %dma_wait3A_1087] : memref<32768x128xf32, #tpu.memory_space<hbm>> -> memref<128x128xf32, #tpu.memory_space<hbm>>
    %dma_wait3A_1089 = arith.constant 0 : i32
    %dma_wait3A_1090 = tpu.memref_slice %arg2[%add3A_778, %dma_wait3A_1089] : memref<32768x128xf32, #tpu.memory_space<hbm>> -> memref<128x128xf32, #tpu.memory_space<hbm>>
    tpu.wait_dma2 semaphore(%arg14 : memref<!tpu.dma_semaphore, #tpu.memory_space<semaphore_mem>>) src(%dma_wait3A_1090 : memref<128x128xf32, #tpu.memory_space<hbm>>) dst(%arg7 : memref<128x128xf32, #tpu.memory_space<vmem>>)
    %dma_start3A_1091 = arith.constant 0 : i32
    %dma_start3A_1092 = arith.constant 0 : i32
    %dma_start3A_1093 = tpu.memref_slice %arg12[%dma_start3A_1091, %dma_start3A_1092] : memref<144x128xf32, #tpu.memory_space<vmem_shared>> -> memref<144x128xf32, #tpu.memory_space<vmem_shared>>
    tpu.enqueue_indirect_dma source(%arg7 : memref<128x128xf32, #tpu.memory_space<vmem>>) target(%dma_start3A_1093 : memref<144x128xf32, #tpu.memory_space<vmem_shared>>) offsets(%arg11 : memref<128xi32, #tpu.memory_space<vmem>>) semaphore(%arg16 : memref<!tpu.dma_semaphore, #tpu.memory_space<semaphore_mem>>) {add = true}
    %dma_wait3A_1094 = arith.constant 0 : i32
    %dma_wait3A_1095 = arith.constant 0 : i32
    %dma_wait3A_1096 = tpu.memref_slice %arg12[%dma_wait3A_1094, %dma_wait3A_1095] : memref<144x128xf32, #tpu.memory_space<vmem_shared>> -> memref<144x128xf32, #tpu.memory_space<vmem_shared>>
    tpu.wait_indirect_dma semaphore(%arg16 : memref<!tpu.dma_semaphore, #tpu.memory_space<semaphore_mem>>) src(%arg7 : memref<128x128xf32, #tpu.memory_space<vmem>>) dst(%dma_wait3A_1096 : memref<144x128xf32, #tpu.memory_space<vmem_shared>>)
    %add3A_1097 = arith.constant 640 : i32
    %add3A_1098 = arith.addi %mul3A_2, %add3A_1097 : i32
    %dma_start3A_1099 = arith.constant 0 : i32
    %dma_start3A_1100 = tpu.memref_slice %arg2[%add3A_1098, %dma_start3A_1099] : memref<32768x128xf32, #tpu.memory_space<hbm>> -> memref<128x128xf32, #tpu.memory_space<hbm>>
    %dma_start3A_1101 = arith.constant 0 : i32
    %dma_start3A_1102 = tpu.memref_slice %arg2[%add3A_1098, %dma_start3A_1101] : memref<32768x128xf32, #tpu.memory_space<hbm>> -> memref<128x128xf32, #tpu.memory_space<hbm>>
    tpu.enqueue_dma source(%dma_start3A_1102 : memref<128x128xf32, #tpu.memory_space<hbm>>) target(%arg7 : memref<128x128xf32, #tpu.memory_space<vmem>>) target_semaphore(%arg14 : memref<!tpu.dma_semaphore, #tpu.memory_space<semaphore_mem>>)
    %get3A_1103 = arith.constant 512 : index
    %get3A_1104 = tpu.vector_load %arg9[%get3A_1103] {strides = array<i32>} : memref<1024xi32, #tpu.memory_space<vmem>>, vector<16xi32>,
    %get3A_1105 = vector.shape_cast %get3A_1104 : vector<16xi32> to vector<16xi32>
    %get3A_1106 = arith.constant 512 : index
    %get3A_1107 = tpu.vector_load %arg8[%get3A_1106] {strides = array<i32>} : memref<1024xi32, #tpu.memory_space<vmem>>, vector<16xi32>,
    %get3A_1108 = vector.shape_cast %get3A_1107 : vector<16xi32> to vector<16xi32>
    %gt3A_1109 = arith.constant 0 : i32
    %gt3A_1110 = vector.broadcast %gt3A_1109 : i32 to vector<16xi32>
    %gt3A_1111 = arith.cmpi sgt, %get3A_1105, %gt3A_1110 : vector<16xi32>
    %add3A_1112 = vector.broadcast %mul3A_20 : i32 to vector<16xi32>
    %add3A_1113 = arith.addi %get3A_1108, %add3A_1112 : vector<16xi32>
    %jit3A_1114 = arith.constant 128 : i32
    %broadcast_in_dim3A_1115 = vector.broadcast %jit3A_1114 : i32 to vector<16xi32>
    %select_n3A_1116 = arith.select %gt3A_1111, %add3A_1113, %broadcast_in_dim3A_1115 : vector<16xi1>, vector<16xi32>
    %swap3A_1117 = arith.constant 0 : index
    %swap3A_1118 = tpu.vector_load %arg10[%swap3A_1117] {strides = array<i32>} : memref<128xi32, #tpu.memory_space<vmem>>, vector<16xi32>,
    %swap3A_1119 = vector.shape_cast %swap3A_1118 : vector<16xi32> to vector<16xi32>
    %swap3A_1120 = vector.shape_cast %select_n3A_1116 : vector<16xi32> to vector<16xi32>
    tpu.vector_store %arg10[%swap3A_1117], %swap3A_1120 {strides = array<i32>} : memref<128xi32, #tpu.memory_space<vmem>>, vector<16xi32>,
    %get3A_1121 = arith.constant 528 : index
    %get3A_1122 = tpu.vector_load %arg9[%get3A_1121] {strides = array<i32>} : memref<1024xi32, #tpu.memory_space<vmem>>, vector<16xi32>,
    %get3A_1123 = vector.shape_cast %get3A_1122 : vector<16xi32> to vector<16xi32>
    %get3A_1124 = arith.constant 528 : index
    %get3A_1125 = tpu.vector_load %arg8[%get3A_1124] {strides = array<i32>} : memref<1024xi32, #tpu.memory_space<vmem>>, vector<16xi32>,
    %get3A_1126 = vector.shape_cast %get3A_1125 : vector<16xi32> to vector<16xi32>
    %gt3A_1127 = arith.constant 0 : i32
    %gt3A_1128 = vector.broadcast %gt3A_1127 : i32 to vector<16xi32>
    %gt3A_1129 = arith.cmpi sgt, %get3A_1123, %gt3A_1128 : vector<16xi32>
    %add3A_1130 = vector.broadcast %mul3A_20 : i32 to vector<16xi32>
    %add3A_1131 = arith.addi %get3A_1126, %add3A_1130 : vector<16xi32>
    %jit3A_1132 = arith.constant 128 : i32
    %broadcast_in_dim3A_1133 = vector.broadcast %jit3A_1132 : i32 to vector<16xi32>
    %select_n3A_1134 = arith.select %gt3A_1129, %add3A_1131, %broadcast_in_dim3A_1133 : vector<16xi1>, vector<16xi32>
    %swap3A_1135 = arith.constant 16 : index
    %swap3A_1136 = tpu.vector_load %arg10[%swap3A_1135] {strides = array<i32>} : memref<128xi32, #tpu.memory_space<vmem>>, vector<16xi32>,
    %swap3A_1137 = vector.shape_cast %swap3A_1136 : vector<16xi32> to vector<16xi32>
    %swap3A_1138 = vector.shape_cast %select_n3A_1134 : vector<16xi32> to vector<16xi32>
    tpu.vector_store %arg10[%swap3A_1135], %swap3A_1138 {strides = array<i32>} : memref<128xi32, #tpu.memory_space<vmem>>, vector<16xi32>,
    %get3A_1139 = arith.constant 544 : index
    %get3A_1140 = tpu.vector_load %arg9[%get3A_1139] {strides = array<i32>} : memref<1024xi32, #tpu.memory_space<vmem>>, vector<16xi32>,
    %get3A_1141 = vector.shape_cast %get3A_1140 : vector<16xi32> to vector<16xi32>
    %get3A_1142 = arith.constant 544 : index
    %get3A_1143 = tpu.vector_load %arg8[%get3A_1142] {strides = array<i32>} : memref<1024xi32, #tpu.memory_space<vmem>>, vector<16xi32>,
    %get3A_1144 = vector.shape_cast %get3A_1143 : vector<16xi32> to vector<16xi32>
    %gt3A_1145 = arith.constant 0 : i32
    %gt3A_1146 = vector.broadcast %gt3A_1145 : i32 to vector<16xi32>
    %gt3A_1147 = arith.cmpi sgt, %get3A_1141, %gt3A_1146 : vector<16xi32>
    %add3A_1148 = vector.broadcast %mul3A_20 : i32 to vector<16xi32>
    %add3A_1149 = arith.addi %get3A_1144, %add3A_1148 : vector<16xi32>
    %jit3A_1150 = arith.constant 128 : i32
    %broadcast_in_dim3A_1151 = vector.broadcast %jit3A_1150 : i32 to vector<16xi32>
    %select_n3A_1152 = arith.select %gt3A_1147, %add3A_1149, %broadcast_in_dim3A_1151 : vector<16xi1>, vector<16xi32>
    %swap3A_1153 = arith.constant 32 : index
    %swap3A_1154 = tpu.vector_load %arg10[%swap3A_1153] {strides = array<i32>} : memref<128xi32, #tpu.memory_space<vmem>>, vector<16xi32>,
    %swap3A_1155 = vector.shape_cast %swap3A_1154 : vector<16xi32> to vector<16xi32>
    %swap3A_1156 = vector.shape_cast %select_n3A_1152 : vector<16xi32> to vector<16xi32>
    tpu.vector_store %arg10[%swap3A_1153], %swap3A_1156 {strides = array<i32>} : memref<128xi32, #tpu.memory_space<vmem>>, vector<16xi32>,
    %get3A_1157 = arith.constant 560 : index
    %get3A_1158 = tpu.vector_load %arg9[%get3A_1157] {strides = array<i32>} : memref<1024xi32, #tpu.memory_space<vmem>>, vector<16xi32>,
    %get3A_1159 = vector.shape_cast %get3A_1158 : vector<16xi32> to vector<16xi32>
    %get3A_1160 = arith.constant 560 : index
    %get3A_1161 = tpu.vector_load %arg8[%get3A_1160] {strides = array<i32>} : memref<1024xi32, #tpu.memory_space<vmem>>, vector<16xi32>,
    %get3A_1162 = vector.shape_cast %get3A_1161 : vector<16xi32> to vector<16xi32>
    %gt3A_1163 = arith.constant 0 : i32
    %gt3A_1164 = vector.broadcast %gt3A_1163 : i32 to vector<16xi32>
    %gt3A_1165 = arith.cmpi sgt, %get3A_1159, %gt3A_1164 : vector<16xi32>
    %add3A_1166 = vector.broadcast %mul3A_20 : i32 to vector<16xi32>
    %add3A_1167 = arith.addi %get3A_1162, %add3A_1166 : vector<16xi32>
    %jit3A_1168 = arith.constant 128 : i32
    %broadcast_in_dim3A_1169 = vector.broadcast %jit3A_1168 : i32 to vector<16xi32>
    %select_n3A_1170 = arith.select %gt3A_1165, %add3A_1167, %broadcast_in_dim3A_1169 : vector<16xi1>, vector<16xi32>
    %swap3A_1171 = arith.constant 48 : index
    %swap3A_1172 = tpu.vector_load %arg10[%swap3A_1171] {strides = array<i32>} : memref<128xi32, #tpu.memory_space<vmem>>, vector<16xi32>,
    %swap3A_1173 = vector.shape_cast %swap3A_1172 : vector<16xi32> to vector<16xi32>
    %swap3A_1174 = vector.shape_cast %select_n3A_1170 : vector<16xi32> to vector<16xi32>
    tpu.vector_store %arg10[%swap3A_1171], %swap3A_1174 {strides = array<i32>} : memref<128xi32, #tpu.memory_space<vmem>>, vector<16xi32>,
    %get3A_1175 = arith.constant 576 : index
    %get3A_1176 = tpu.vector_load %arg9[%get3A_1175] {strides = array<i32>} : memref<1024xi32, #tpu.memory_space<vmem>>, vector<16xi32>,
    %get3A_1177 = vector.shape_cast %get3A_1176 : vector<16xi32> to vector<16xi32>
    %get3A_1178 = arith.constant 576 : index
    %get3A_1179 = tpu.vector_load %arg8[%get3A_1178] {strides = array<i32>} : memref<1024xi32, #tpu.memory_space<vmem>>, vector<16xi32>,
    %get3A_1180 = vector.shape_cast %get3A_1179 : vector<16xi32> to vector<16xi32>
    %gt3A_1181 = arith.constant 0 : i32
    %gt3A_1182 = vector.broadcast %gt3A_1181 : i32 to vector<16xi32>
    %gt3A_1183 = arith.cmpi sgt, %get3A_1177, %gt3A_1182 : vector<16xi32>
    %add3A_1184 = vector.broadcast %mul3A_20 : i32 to vector<16xi32>
    %add3A_1185 = arith.addi %get3A_1180, %add3A_1184 : vector<16xi32>
    %jit3A_1186 = arith.constant 128 : i32
    %broadcast_in_dim3A_1187 = vector.broadcast %jit3A_1186 : i32 to vector<16xi32>
    %select_n3A_1188 = arith.select %gt3A_1183, %add3A_1185, %broadcast_in_dim3A_1187 : vector<16xi1>, vector<16xi32>
    %swap3A_1189 = arith.constant 64 : index
    %swap3A_1190 = tpu.vector_load %arg10[%swap3A_1189] {strides = array<i32>} : memref<128xi32, #tpu.memory_space<vmem>>, vector<16xi32>,
    %swap3A_1191 = vector.shape_cast %swap3A_1190 : vector<16xi32> to vector<16xi32>
    %swap3A_1192 = vector.shape_cast %select_n3A_1188 : vector<16xi32> to vector<16xi32>
    tpu.vector_store %arg10[%swap3A_1189], %swap3A_1192 {strides = array<i32>} : memref<128xi32, #tpu.memory_space<vmem>>, vector<16xi32>,
    %get3A_1193 = arith.constant 592 : index
    %get3A_1194 = tpu.vector_load %arg9[%get3A_1193] {strides = array<i32>} : memref<1024xi32, #tpu.memory_space<vmem>>, vector<16xi32>,
    %get3A_1195 = vector.shape_cast %get3A_1194 : vector<16xi32> to vector<16xi32>
    %get3A_1196 = arith.constant 592 : index
    %get3A_1197 = tpu.vector_load %arg8[%get3A_1196] {strides = array<i32>} : memref<1024xi32, #tpu.memory_space<vmem>>, vector<16xi32>,
    %get3A_1198 = vector.shape_cast %get3A_1197 : vector<16xi32> to vector<16xi32>
    %gt3A_1199 = arith.constant 0 : i32
    %gt3A_1200 = vector.broadcast %gt3A_1199 : i32 to vector<16xi32>
    %gt3A_1201 = arith.cmpi sgt, %get3A_1195, %gt3A_1200 : vector<16xi32>
    %add3A_1202 = vector.broadcast %mul3A_20 : i32 to vector<16xi32>
    %add3A_1203 = arith.addi %get3A_1198, %add3A_1202 : vector<16xi32>
    %jit3A_1204 = arith.constant 128 : i32
    %broadcast_in_dim3A_1205 = vector.broadcast %jit3A_1204 : i32 to vector<16xi32>
    %select_n3A_1206 = arith.select %gt3A_1201, %add3A_1203, %broadcast_in_dim3A_1205 : vector<16xi1>, vector<16xi32>
    %swap3A_1207 = arith.constant 80 : index
    %swap3A_1208 = tpu.vector_load %arg10[%swap3A_1207] {strides = array<i32>} : memref<128xi32, #tpu.memory_space<vmem>>, vector<16xi32>,
    %swap3A_1209 = vector.shape_cast %swap3A_1208 : vector<16xi32> to vector<16xi32>
    %swap3A_1210 = vector.shape_cast %select_n3A_1206 : vector<16xi32> to vector<16xi32>
    tpu.vector_store %arg10[%swap3A_1207], %swap3A_1210 {strides = array<i32>} : memref<128xi32, #tpu.memory_space<vmem>>, vector<16xi32>,
    %get3A_1211 = arith.constant 608 : index
    %get3A_1212 = tpu.vector_load %arg9[%get3A_1211] {strides = array<i32>} : memref<1024xi32, #tpu.memory_space<vmem>>, vector<16xi32>,
    %get3A_1213 = vector.shape_cast %get3A_1212 : vector<16xi32> to vector<16xi32>
    %get3A_1214 = arith.constant 608 : index
    %get3A_1215 = tpu.vector_load %arg8[%get3A_1214] {strides = array<i32>} : memref<1024xi32, #tpu.memory_space<vmem>>, vector<16xi32>,
    %get3A_1216 = vector.shape_cast %get3A_1215 : vector<16xi32> to vector<16xi32>
    %gt3A_1217 = arith.constant 0 : i32
    %gt3A_1218 = vector.broadcast %gt3A_1217 : i32 to vector<16xi32>
    %gt3A_1219 = arith.cmpi sgt, %get3A_1213, %gt3A_1218 : vector<16xi32>
    %add3A_1220 = vector.broadcast %mul3A_20 : i32 to vector<16xi32>
    %add3A_1221 = arith.addi %get3A_1216, %add3A_1220 : vector<16xi32>
    %jit3A_1222 = arith.constant 128 : i32
    %broadcast_in_dim3A_1223 = vector.broadcast %jit3A_1222 : i32 to vector<16xi32>
    %select_n3A_1224 = arith.select %gt3A_1219, %add3A_1221, %broadcast_in_dim3A_1223 : vector<16xi1>, vector<16xi32>
    %swap3A_1225 = arith.constant 96 : index
    %swap3A_1226 = tpu.vector_load %arg10[%swap3A_1225] {strides = array<i32>} : memref<128xi32, #tpu.memory_space<vmem>>, vector<16xi32>,
    %swap3A_1227 = vector.shape_cast %swap3A_1226 : vector<16xi32> to vector<16xi32>
    %swap3A_1228 = vector.shape_cast %select_n3A_1224 : vector<16xi32> to vector<16xi32>
    tpu.vector_store %arg10[%swap3A_1225], %swap3A_1228 {strides = array<i32>} : memref<128xi32, #tpu.memory_space<vmem>>, vector<16xi32>,
    %get3A_1229 = arith.constant 624 : index
    %get3A_1230 = tpu.vector_load %arg9[%get3A_1229] {strides = array<i32>} : memref<1024xi32, #tpu.memory_space<vmem>>, vector<16xi32>,
    %get3A_1231 = vector.shape_cast %get3A_1230 : vector<16xi32> to vector<16xi32>
    %get3A_1232 = arith.constant 624 : index
    %get3A_1233 = tpu.vector_load %arg8[%get3A_1232] {strides = array<i32>} : memref<1024xi32, #tpu.memory_space<vmem>>, vector<16xi32>,
    %get3A_1234 = vector.shape_cast %get3A_1233 : vector<16xi32> to vector<16xi32>
    %gt3A_1235 = arith.constant 0 : i32
    %gt3A_1236 = vector.broadcast %gt3A_1235 : i32 to vector<16xi32>
    %gt3A_1237 = arith.cmpi sgt, %get3A_1231, %gt3A_1236 : vector<16xi32>
    %add3A_1238 = vector.broadcast %mul3A_20 : i32 to vector<16xi32>
    %add3A_1239 = arith.addi %get3A_1234, %add3A_1238 : vector<16xi32>
    %jit3A_1240 = arith.constant 128 : i32
    %broadcast_in_dim3A_1241 = vector.broadcast %jit3A_1240 : i32 to vector<16xi32>
    %select_n3A_1242 = arith.select %gt3A_1237, %add3A_1239, %broadcast_in_dim3A_1241 : vector<16xi1>, vector<16xi32>
    %swap3A_1243 = arith.constant 112 : index
    %swap3A_1244 = tpu.vector_load %arg10[%swap3A_1243] {strides = array<i32>} : memref<128xi32, #tpu.memory_space<vmem>>, vector<16xi32>,
    %swap3A_1245 = vector.shape_cast %swap3A_1244 : vector<16xi32> to vector<16xi32>
    %swap3A_1246 = vector.shape_cast %select_n3A_1242 : vector<16xi32> to vector<16xi32>
    tpu.vector_store %arg10[%swap3A_1243], %swap3A_1246 {strides = array<i32>} : memref<128xi32, #tpu.memory_space<vmem>>, vector<16xi32>,
    %dma_wait3A_1247 = arith.constant 0 : i32
    %dma_wait3A_1248 = tpu.memref_slice %arg2[%add3A_938, %dma_wait3A_1247] : memref<32768x128xf32, #tpu.memory_space<hbm>> -> memref<128x128xf32, #tpu.memory_space<hbm>>
    %dma_wait3A_1249 = arith.constant 0 : i32
    %dma_wait3A_1250 = tpu.memref_slice %arg2[%add3A_938, %dma_wait3A_1249] : memref<32768x128xf32, #tpu.memory_space<hbm>> -> memref<128x128xf32, #tpu.memory_space<hbm>>
    tpu.wait_dma2 semaphore(%arg13 : memref<!tpu.dma_semaphore, #tpu.memory_space<semaphore_mem>>) src(%dma_wait3A_1250 : memref<128x128xf32, #tpu.memory_space<hbm>>) dst(%arg6 : memref<128x128xf32, #tpu.memory_space<vmem>>)
    %dma_start3A_1251 = arith.constant 0 : i32
    %dma_start3A_1252 = arith.constant 0 : i32
    %dma_start3A_1253 = tpu.memref_slice %arg12[%dma_start3A_1251, %dma_start3A_1252] : memref<144x128xf32, #tpu.memory_space<vmem_shared>> -> memref<144x128xf32, #tpu.memory_space<vmem_shared>>
    tpu.enqueue_indirect_dma source(%arg6 : memref<128x128xf32, #tpu.memory_space<vmem>>) target(%dma_start3A_1253 : memref<144x128xf32, #tpu.memory_space<vmem_shared>>) offsets(%arg10 : memref<128xi32, #tpu.memory_space<vmem>>) semaphore(%arg15 : memref<!tpu.dma_semaphore, #tpu.memory_space<semaphore_mem>>) {add = true}
    %dma_wait3A_1254 = arith.constant 0 : i32
    %dma_wait3A_1255 = arith.constant 0 : i32
    %dma_wait3A_1256 = tpu.memref_slice %arg12[%dma_wait3A_1254, %dma_wait3A_1255] : memref<144x128xf32, #tpu.memory_space<vmem_shared>> -> memref<144x128xf32, #tpu.memory_space<vmem_shared>>
    tpu.wait_indirect_dma semaphore(%arg15 : memref<!tpu.dma_semaphore, #tpu.memory_space<semaphore_mem>>) src(%arg6 : memref<128x128xf32, #tpu.memory_space<vmem>>) dst(%dma_wait3A_1256 : memref<144x128xf32, #tpu.memory_space<vmem_shared>>)
    %add3A_1257 = arith.constant 768 : i32
    %add3A_1258 = arith.addi %mul3A_2, %add3A_1257 : i32
    %dma_start3A_1259 = arith.constant 0 : i32
    %dma_start3A_1260 = tpu.memref_slice %arg2[%add3A_1258, %dma_start3A_1259] : memref<32768x128xf32, #tpu.memory_space<hbm>> -> memref<128x128xf32, #tpu.memory_space<hbm>>
    %dma_start3A_1261 = arith.constant 0 : i32
    %dma_start3A_1262 = tpu.memref_slice %arg2[%add3A_1258, %dma_start3A_1261] : memref<32768x128xf32, #tpu.memory_space<hbm>> -> memref<128x128xf32, #tpu.memory_space<hbm>>
    tpu.enqueue_dma source(%dma_start3A_1262 : memref<128x128xf32, #tpu.memory_space<hbm>>) target(%arg6 : memref<128x128xf32, #tpu.memory_space<vmem>>) target_semaphore(%arg13 : memref<!tpu.dma_semaphore, #tpu.memory_space<semaphore_mem>>)
    %get3A_1263 = arith.constant 640 : index
    %get3A_1264 = tpu.vector_load %arg9[%get3A_1263] {strides = array<i32>} : memref<1024xi32, #tpu.memory_space<vmem>>, vector<16xi32>,
    %get3A_1265 = vector.shape_cast %get3A_1264 : vector<16xi32> to vector<16xi32>
    %get3A_1266 = arith.constant 640 : index
    %get3A_1267 = tpu.vector_load %arg8[%get3A_1266] {strides = array<i32>} : memref<1024xi32, #tpu.memory_space<vmem>>, vector<16xi32>,
    %get3A_1268 = vector.shape_cast %get3A_1267 : vector<16xi32> to vector<16xi32>
    %gt3A_1269 = arith.constant 0 : i32
    %gt3A_1270 = vector.broadcast %gt3A_1269 : i32 to vector<16xi32>
    %gt3A_1271 = arith.cmpi sgt, %get3A_1265, %gt3A_1270 : vector<16xi32>
    %add3A_1272 = vector.broadcast %mul3A_20 : i32 to vector<16xi32>
    %add3A_1273 = arith.addi %get3A_1268, %add3A_1272 : vector<16xi32>
    %jit3A_1274 = arith.constant 128 : i32
    %broadcast_in_dim3A_1275 = vector.broadcast %jit3A_1274 : i32 to vector<16xi32>
    %select_n3A_1276 = arith.select %gt3A_1271, %add3A_1273, %broadcast_in_dim3A_1275 : vector<16xi1>, vector<16xi32>
    %swap3A_1277 = arith.constant 0 : index
    %swap3A_1278 = tpu.vector_load %arg11[%swap3A_1277] {strides = array<i32>} : memref<128xi32, #tpu.memory_space<vmem>>, vector<16xi32>,
    %swap3A_1279 = vector.shape_cast %swap3A_1278 : vector<16xi32> to vector<16xi32>
    %swap3A_1280 = vector.shape_cast %select_n3A_1276 : vector<16xi32> to vector<16xi32>
    tpu.vector_store %arg11[%swap3A_1277], %swap3A_1280 {strides = array<i32>} : memref<128xi32, #tpu.memory_space<vmem>>, vector<16xi32>,
    %get3A_1281 = arith.constant 656 : index
    %get3A_1282 = tpu.vector_load %arg9[%get3A_1281] {strides = array<i32>} : memref<1024xi32, #tpu.memory_space<vmem>>, vector<16xi32>,
    %get3A_1283 = vector.shape_cast %get3A_1282 : vector<16xi32> to vector<16xi32>
    %get3A_1284 = arith.constant 656 : index
    %get3A_1285 = tpu.vector_load %arg8[%get3A_1284] {strides = array<i32>} : memref<1024xi32, #tpu.memory_space<vmem>>, vector<16xi32>,
    %get3A_1286 = vector.shape_cast %get3A_1285 : vector<16xi32> to vector<16xi32>
    %gt3A_1287 = arith.constant 0 : i32
    %gt3A_1288 = vector.broadcast %gt3A_1287 : i32 to vector<16xi32>
    %gt3A_1289 = arith.cmpi sgt, %get3A_1283, %gt3A_1288 : vector<16xi32>
    %add3A_1290 = vector.broadcast %mul3A_20 : i32 to vector<16xi32>
    %add3A_1291 = arith.addi %get3A_1286, %add3A_1290 : vector<16xi32>
    %jit3A_1292 = arith.constant 128 : i32
    %broadcast_in_dim3A_1293 = vector.broadcast %jit3A_1292 : i32 to vector<16xi32>
    %select_n3A_1294 = arith.select %gt3A_1289, %add3A_1291, %broadcast_in_dim3A_1293 : vector<16xi1>, vector<16xi32>
    %swap3A_1295 = arith.constant 16 : index
    %swap3A_1296 = tpu.vector_load %arg11[%swap3A_1295] {strides = array<i32>} : memref<128xi32, #tpu.memory_space<vmem>>, vector<16xi32>,
    %swap3A_1297 = vector.shape_cast %swap3A_1296 : vector<16xi32> to vector<16xi32>
    %swap3A_1298 = vector.shape_cast %select_n3A_1294 : vector<16xi32> to vector<16xi32>
    tpu.vector_store %arg11[%swap3A_1295], %swap3A_1298 {strides = array<i32>} : memref<128xi32, #tpu.memory_space<vmem>>, vector<16xi32>,
    %get3A_1299 = arith.constant 672 : index
    %get3A_1300 = tpu.vector_load %arg9[%get3A_1299] {strides = array<i32>} : memref<1024xi32, #tpu.memory_space<vmem>>, vector<16xi32>,
    %get3A_1301 = vector.shape_cast %get3A_1300 : vector<16xi32> to vector<16xi32>
    %get3A_1302 = arith.constant 672 : index
    %get3A_1303 = tpu.vector_load %arg8[%get3A_1302] {strides = array<i32>} : memref<1024xi32, #tpu.memory_space<vmem>>, vector<16xi32>,
    %get3A_1304 = vector.shape_cast %get3A_1303 : vector<16xi32> to vector<16xi32>
    %gt3A_1305 = arith.constant 0 : i32
    %gt3A_1306 = vector.broadcast %gt3A_1305 : i32 to vector<16xi32>
    %gt3A_1307 = arith.cmpi sgt, %get3A_1301, %gt3A_1306 : vector<16xi32>
    %add3A_1308 = vector.broadcast %mul3A_20 : i32 to vector<16xi32>
    %add3A_1309 = arith.addi %get3A_1304, %add3A_1308 : vector<16xi32>
    %jit3A_1310 = arith.constant 128 : i32
    %broadcast_in_dim3A_1311 = vector.broadcast %jit3A_1310 : i32 to vector<16xi32>
    %select_n3A_1312 = arith.select %gt3A_1307, %add3A_1309, %broadcast_in_dim3A_1311 : vector<16xi1>, vector<16xi32>
    %swap3A_1313 = arith.constant 32 : index
    %swap3A_1314 = tpu.vector_load %arg11[%swap3A_1313] {strides = array<i32>} : memref<128xi32, #tpu.memory_space<vmem>>, vector<16xi32>,
    %swap3A_1315 = vector.shape_cast %swap3A_1314 : vector<16xi32> to vector<16xi32>
    %swap3A_1316 = vector.shape_cast %select_n3A_1312 : vector<16xi32> to vector<16xi32>
    tpu.vector_store %arg11[%swap3A_1313], %swap3A_1316 {strides = array<i32>} : memref<128xi32, #tpu.memory_space<vmem>>, vector<16xi32>,
    %get3A_1317 = arith.constant 688 : index
    %get3A_1318 = tpu.vector_load %arg9[%get3A_1317] {strides = array<i32>} : memref<1024xi32, #tpu.memory_space<vmem>>, vector<16xi32>,
    %get3A_1319 = vector.shape_cast %get3A_1318 : vector<16xi32> to vector<16xi32>
    %get3A_1320 = arith.constant 688 : index
    %get3A_1321 = tpu.vector_load %arg8[%get3A_1320] {strides = array<i32>} : memref<1024xi32, #tpu.memory_space<vmem>>, vector<16xi32>,
    %get3A_1322 = vector.shape_cast %get3A_1321 : vector<16xi32> to vector<16xi32>
    %gt3A_1323 = arith.constant 0 : i32
    %gt3A_1324 = vector.broadcast %gt3A_1323 : i32 to vector<16xi32>
    %gt3A_1325 = arith.cmpi sgt, %get3A_1319, %gt3A_1324 : vector<16xi32>
    %add3A_1326 = vector.broadcast %mul3A_20 : i32 to vector<16xi32>
    %add3A_1327 = arith.addi %get3A_1322, %add3A_1326 : vector<16xi32>
    %jit3A_1328 = arith.constant 128 : i32
    %broadcast_in_dim3A_1329 = vector.broadcast %jit3A_1328 : i32 to vector<16xi32>
    %select_n3A_1330 = arith.select %gt3A_1325, %add3A_1327, %broadcast_in_dim3A_1329 : vector<16xi1>, vector<16xi32>
    %swap3A_1331 = arith.constant 48 : index
    %swap3A_1332 = tpu.vector_load %arg11[%swap3A_1331] {strides = array<i32>} : memref<128xi32, #tpu.memory_space<vmem>>, vector<16xi32>,
    %swap3A_1333 = vector.shape_cast %swap3A_1332 : vector<16xi32> to vector<16xi32>
    %swap3A_1334 = vector.shape_cast %select_n3A_1330 : vector<16xi32> to vector<16xi32>
    tpu.vector_store %arg11[%swap3A_1331], %swap3A_1334 {strides = array<i32>} : memref<128xi32, #tpu.memory_space<vmem>>, vector<16xi32>,
    %get3A_1335 = arith.constant 704 : index
    %get3A_1336 = tpu.vector_load %arg9[%get3A_1335] {strides = array<i32>} : memref<1024xi32, #tpu.memory_space<vmem>>, vector<16xi32>,
    %get3A_1337 = vector.shape_cast %get3A_1336 : vector<16xi32> to vector<16xi32>
    %get3A_1338 = arith.constant 704 : index
    %get3A_1339 = tpu.vector_load %arg8[%get3A_1338] {strides = array<i32>} : memref<1024xi32, #tpu.memory_space<vmem>>, vector<16xi32>,
    %get3A_1340 = vector.shape_cast %get3A_1339 : vector<16xi32> to vector<16xi32>
    %gt3A_1341 = arith.constant 0 : i32
    %gt3A_1342 = vector.broadcast %gt3A_1341 : i32 to vector<16xi32>
    %gt3A_1343 = arith.cmpi sgt, %get3A_1337, %gt3A_1342 : vector<16xi32>
    %add3A_1344 = vector.broadcast %mul3A_20 : i32 to vector<16xi32>
    %add3A_1345 = arith.addi %get3A_1340, %add3A_1344 : vector<16xi32>
    %jit3A_1346 = arith.constant 128 : i32
    %broadcast_in_dim3A_1347 = vector.broadcast %jit3A_1346 : i32 to vector<16xi32>
    %select_n3A_1348 = arith.select %gt3A_1343, %add3A_1345, %broadcast_in_dim3A_1347 : vector<16xi1>, vector<16xi32>
    %swap3A_1349 = arith.constant 64 : index
    %swap3A_1350 = tpu.vector_load %arg11[%swap3A_1349] {strides = array<i32>} : memref<128xi32, #tpu.memory_space<vmem>>, vector<16xi32>,
    %swap3A_1351 = vector.shape_cast %swap3A_1350 : vector<16xi32> to vector<16xi32>
    %swap3A_1352 = vector.shape_cast %select_n3A_1348 : vector<16xi32> to vector<16xi32>
    tpu.vector_store %arg11[%swap3A_1349], %swap3A_1352 {strides = array<i32>} : memref<128xi32, #tpu.memory_space<vmem>>, vector<16xi32>,
    %get3A_1353 = arith.constant 720 : index
    %get3A_1354 = tpu.vector_load %arg9[%get3A_1353] {strides = array<i32>} : memref<1024xi32, #tpu.memory_space<vmem>>, vector<16xi32>,
    %get3A_1355 = vector.shape_cast %get3A_1354 : vector<16xi32> to vector<16xi32>
    %get3A_1356 = arith.constant 720 : index
    %get3A_1357 = tpu.vector_load %arg8[%get3A_1356] {strides = array<i32>} : memref<1024xi32, #tpu.memory_space<vmem>>, vector<16xi32>,
    %get3A_1358 = vector.shape_cast %get3A_1357 : vector<16xi32> to vector<16xi32>
    %gt3A_1359 = arith.constant 0 : i32
    %gt3A_1360 = vector.broadcast %gt3A_1359 : i32 to vector<16xi32>
    %gt3A_1361 = arith.cmpi sgt, %get3A_1355, %gt3A_1360 : vector<16xi32>
    %add3A_1362 = vector.broadcast %mul3A_20 : i32 to vector<16xi32>
    %add3A_1363 = arith.addi %get3A_1358, %add3A_1362 : vector<16xi32>
    %jit3A_1364 = arith.constant 128 : i32
    %broadcast_in_dim3A_1365 = vector.broadcast %jit3A_1364 : i32 to vector<16xi32>
    %select_n3A_1366 = arith.select %gt3A_1361, %add3A_1363, %broadcast_in_dim3A_1365 : vector<16xi1>, vector<16xi32>
    %swap3A_1367 = arith.constant 80 : index
    %swap3A_1368 = tpu.vector_load %arg11[%swap3A_1367] {strides = array<i32>} : memref<128xi32, #tpu.memory_space<vmem>>, vector<16xi32>,
    %swap3A_1369 = vector.shape_cast %swap3A_1368 : vector<16xi32> to vector<16xi32>
    %swap3A_1370 = vector.shape_cast %select_n3A_1366 : vector<16xi32> to vector<16xi32>
    tpu.vector_store %arg11[%swap3A_1367], %swap3A_1370 {strides = array<i32>} : memref<128xi32, #tpu.memory_space<vmem>>, vector<16xi32>,
    %get3A_1371 = arith.constant 736 : index
    %get3A_1372 = tpu.vector_load %arg9[%get3A_1371] {strides = array<i32>} : memref<1024xi32, #tpu.memory_space<vmem>>, vector<16xi32>,
    %get3A_1373 = vector.shape_cast %get3A_1372 : vector<16xi32> to vector<16xi32>
    %get3A_1374 = arith.constant 736 : index
    %get3A_1375 = tpu.vector_load %arg8[%get3A_1374] {strides = array<i32>} : memref<1024xi32, #tpu.memory_space<vmem>>, vector<16xi32>,
    %get3A_1376 = vector.shape_cast %get3A_1375 : vector<16xi32> to vector<16xi32>
    %gt3A_1377 = arith.constant 0 : i32
    %gt3A_1378 = vector.broadcast %gt3A_1377 : i32 to vector<16xi32>
    %gt3A_1379 = arith.cmpi sgt, %get3A_1373, %gt3A_1378 : vector<16xi32>
    %add3A_1380 = vector.broadcast %mul3A_20 : i32 to vector<16xi32>
    %add3A_1381 = arith.addi %get3A_1376, %add3A_1380 : vector<16xi32>
    %jit3A_1382 = arith.constant 128 : i32
    %broadcast_in_dim3A_1383 = vector.broadcast %jit3A_1382 : i32 to vector<16xi32>
    %select_n3A_1384 = arith.select %gt3A_1379, %add3A_1381, %broadcast_in_dim3A_1383 : vector<16xi1>, vector<16xi32>
    %swap3A_1385 = arith.constant 96 : index
    %swap3A_1386 = tpu.vector_load %arg11[%swap3A_1385] {strides = array<i32>} : memref<128xi32, #tpu.memory_space<vmem>>, vector<16xi32>,
    %swap3A_1387 = vector.shape_cast %swap3A_1386 : vector<16xi32> to vector<16xi32>
    %swap3A_1388 = vector.shape_cast %select_n3A_1384 : vector<16xi32> to vector<16xi32>
    tpu.vector_store %arg11[%swap3A_1385], %swap3A_1388 {strides = array<i32>} : memref<128xi32, #tpu.memory_space<vmem>>, vector<16xi32>,
    %get3A_1389 = arith.constant 752 : index
    %get3A_1390 = tpu.vector_load %arg9[%get3A_1389] {strides = array<i32>} : memref<1024xi32, #tpu.memory_space<vmem>>, vector<16xi32>,
    %get3A_1391 = vector.shape_cast %get3A_1390 : vector<16xi32> to vector<16xi32>
    %get3A_1392 = arith.constant 752 : index
    %get3A_1393 = tpu.vector_load %arg8[%get3A_1392] {strides = array<i32>} : memref<1024xi32, #tpu.memory_space<vmem>>, vector<16xi32>,
    %get3A_1394 = vector.shape_cast %get3A_1393 : vector<16xi32> to vector<16xi32>
    %gt3A_1395 = arith.constant 0 : i32
    %gt3A_1396 = vector.broadcast %gt3A_1395 : i32 to vector<16xi32>
    %gt3A_1397 = arith.cmpi sgt, %get3A_1391, %gt3A_1396 : vector<16xi32>
    %add3A_1398 = vector.broadcast %mul3A_20 : i32 to vector<16xi32>
    %add3A_1399 = arith.addi %get3A_1394, %add3A_1398 : vector<16xi32>
    %jit3A_1400 = arith.constant 128 : i32
    %broadcast_in_dim3A_1401 = vector.broadcast %jit3A_1400 : i32 to vector<16xi32>
    %select_n3A_1402 = arith.select %gt3A_1397, %add3A_1399, %broadcast_in_dim3A_1401 : vector<16xi1>, vector<16xi32>
    %swap3A_1403 = arith.constant 112 : index
    %swap3A_1404 = tpu.vector_load %arg11[%swap3A_1403] {strides = array<i32>} : memref<128xi32, #tpu.memory_space<vmem>>, vector<16xi32>,
    %swap3A_1405 = vector.shape_cast %swap3A_1404 : vector<16xi32> to vector<16xi32>
    %swap3A_1406 = vector.shape_cast %select_n3A_1402 : vector<16xi32> to vector<16xi32>
    tpu.vector_store %arg11[%swap3A_1403], %swap3A_1406 {strides = array<i32>} : memref<128xi32, #tpu.memory_space<vmem>>, vector<16xi32>,
    %dma_wait3A_1407 = arith.constant 0 : i32
    %dma_wait3A_1408 = tpu.memref_slice %arg2[%add3A_1098, %dma_wait3A_1407] : memref<32768x128xf32, #tpu.memory_space<hbm>> -> memref<128x128xf32, #tpu.memory_space<hbm>>
    %dma_wait3A_1409 = arith.constant 0 : i32
    %dma_wait3A_1410 = tpu.memref_slice %arg2[%add3A_1098, %dma_wait3A_1409] : memref<32768x128xf32, #tpu.memory_space<hbm>> -> memref<128x128xf32, #tpu.memory_space<hbm>>
    tpu.wait_dma2 semaphore(%arg14 : memref<!tpu.dma_semaphore, #tpu.memory_space<semaphore_mem>>) src(%dma_wait3A_1410 : memref<128x128xf32, #tpu.memory_space<hbm>>) dst(%arg7 : memref<128x128xf32, #tpu.memory_space<vmem>>)
    %dma_start3A_1411 = arith.constant 0 : i32
    %dma_start3A_1412 = arith.constant 0 : i32
    %dma_start3A_1413 = tpu.memref_slice %arg12[%dma_start3A_1411, %dma_start3A_1412] : memref<144x128xf32, #tpu.memory_space<vmem_shared>> -> memref<144x128xf32, #tpu.memory_space<vmem_shared>>
    tpu.enqueue_indirect_dma source(%arg7 : memref<128x128xf32, #tpu.memory_space<vmem>>) target(%dma_start3A_1413 : memref<144x128xf32, #tpu.memory_space<vmem_shared>>) offsets(%arg11 : memref<128xi32, #tpu.memory_space<vmem>>) semaphore(%arg16 : memref<!tpu.dma_semaphore, #tpu.memory_space<semaphore_mem>>) {add = true}
    %dma_wait3A_1414 = arith.constant 0 : i32
    %dma_wait3A_1415 = arith.constant 0 : i32
    %dma_wait3A_1416 = tpu.memref_slice %arg12[%dma_wait3A_1414, %dma_wait3A_1415] : memref<144x128xf32, #tpu.memory_space<vmem_shared>> -> memref<144x128xf32, #tpu.memory_space<vmem_shared>>
    tpu.wait_indirect_dma semaphore(%arg16 : memref<!tpu.dma_semaphore, #tpu.memory_space<semaphore_mem>>) src(%arg7 : memref<128x128xf32, #tpu.memory_space<vmem>>) dst(%dma_wait3A_1416 : memref<144x128xf32, #tpu.memory_space<vmem_shared>>)
    %add3A_1417 = arith.constant 896 : i32
    %add3A_1418 = arith.addi %mul3A_2, %add3A_1417 : i32
    %dma_start3A_1419 = arith.constant 0 : i32
    %dma_start3A_1420 = tpu.memref_slice %arg2[%add3A_1418, %dma_start3A_1419] : memref<32768x128xf32, #tpu.memory_space<hbm>> -> memref<128x128xf32, #tpu.memory_space<hbm>>
    %dma_start3A_1421 = arith.constant 0 : i32
    %dma_start3A_1422 = tpu.memref_slice %arg2[%add3A_1418, %dma_start3A_1421] : memref<32768x128xf32, #tpu.memory_space<hbm>> -> memref<128x128xf32, #tpu.memory_space<hbm>>
    tpu.enqueue_dma source(%dma_start3A_1422 : memref<128x128xf32, #tpu.memory_space<hbm>>) target(%arg7 : memref<128x128xf32, #tpu.memory_space<vmem>>) target_semaphore(%arg14 : memref<!tpu.dma_semaphore, #tpu.memory_space<semaphore_mem>>)
    %get3A_1423 = arith.constant 768 : index
    %get3A_1424 = tpu.vector_load %arg9[%get3A_1423] {strides = array<i32>} : memref<1024xi32, #tpu.memory_space<vmem>>, vector<16xi32>,
    %get3A_1425 = vector.shape_cast %get3A_1424 : vector<16xi32> to vector<16xi32>
    %get3A_1426 = arith.constant 768 : index
    %get3A_1427 = tpu.vector_load %arg8[%get3A_1426] {strides = array<i32>} : memref<1024xi32, #tpu.memory_space<vmem>>, vector<16xi32>,
    %get3A_1428 = vector.shape_cast %get3A_1427 : vector<16xi32> to vector<16xi32>
    %gt3A_1429 = arith.constant 0 : i32
    %gt3A_1430 = vector.broadcast %gt3A_1429 : i32 to vector<16xi32>
    %gt3A_1431 = arith.cmpi sgt, %get3A_1425, %gt3A_1430 : vector<16xi32>
    %add3A_1432 = vector.broadcast %mul3A_20 : i32 to vector<16xi32>
    %add3A_1433 = arith.addi %get3A_1428, %add3A_1432 : vector<16xi32>
    %jit3A_1434 = arith.constant 128 : i32
    %broadcast_in_dim3A_1435 = vector.broadcast %jit3A_1434 : i32 to vector<16xi32>
    %select_n3A_1436 = arith.select %gt3A_1431, %add3A_1433, %broadcast_in_dim3A_1435 : vector<16xi1>, vector<16xi32>
    %swap3A_1437 = arith.constant 0 : index
    %swap3A_1438 = tpu.vector_load %arg10[%swap3A_1437] {strides = array<i32>} : memref<128xi32, #tpu.memory_space<vmem>>, vector<16xi32>,
    %swap3A_1439 = vector.shape_cast %swap3A_1438 : vector<16xi32> to vector<16xi32>
    %swap3A_1440 = vector.shape_cast %select_n3A_1436 : vector<16xi32> to vector<16xi32>
    tpu.vector_store %arg10[%swap3A_1437], %swap3A_1440 {strides = array<i32>} : memref<128xi32, #tpu.memory_space<vmem>>, vector<16xi32>,
    %get3A_1441 = arith.constant 784 : index
    %get3A_1442 = tpu.vector_load %arg9[%get3A_1441] {strides = array<i32>} : memref<1024xi32, #tpu.memory_space<vmem>>, vector<16xi32>,
    %get3A_1443 = vector.shape_cast %get3A_1442 : vector<16xi32> to vector<16xi32>
    %get3A_1444 = arith.constant 784 : index
    %get3A_1445 = tpu.vector_load %arg8[%get3A_1444] {strides = array<i32>} : memref<1024xi32, #tpu.memory_space<vmem>>, vector<16xi32>,
    %get3A_1446 = vector.shape_cast %get3A_1445 : vector<16xi32> to vector<16xi32>
    %gt3A_1447 = arith.constant 0 : i32
    %gt3A_1448 = vector.broadcast %gt3A_1447 : i32 to vector<16xi32>
    %gt3A_1449 = arith.cmpi sgt, %get3A_1443, %gt3A_1448 : vector<16xi32>
    %add3A_1450 = vector.broadcast %mul3A_20 : i32 to vector<16xi32>
    %add3A_1451 = arith.addi %get3A_1446, %add3A_1450 : vector<16xi32>
    %jit3A_1452 = arith.constant 128 : i32
    %broadcast_in_dim3A_1453 = vector.broadcast %jit3A_1452 : i32 to vector<16xi32>
    %select_n3A_1454 = arith.select %gt3A_1449, %add3A_1451, %broadcast_in_dim3A_1453 : vector<16xi1>, vector<16xi32>
    %swap3A_1455 = arith.constant 16 : index
    %swap3A_1456 = tpu.vector_load %arg10[%swap3A_1455] {strides = array<i32>} : memref<128xi32, #tpu.memory_space<vmem>>, vector<16xi32>,
    %swap3A_1457 = vector.shape_cast %swap3A_1456 : vector<16xi32> to vector<16xi32>
    %swap3A_1458 = vector.shape_cast %select_n3A_1454 : vector<16xi32> to vector<16xi32>
    tpu.vector_store %arg10[%swap3A_1455], %swap3A_1458 {strides = array<i32>} : memref<128xi32, #tpu.memory_space<vmem>>, vector<16xi32>,
    %get3A_1459 = arith.constant 800 : index
    %get3A_1460 = tpu.vector_load %arg9[%get3A_1459] {strides = array<i32>} : memref<1024xi32, #tpu.memory_space<vmem>>, vector<16xi32>,
    %get3A_1461 = vector.shape_cast %get3A_1460 : vector<16xi32> to vector<16xi32>
    %get3A_1462 = arith.constant 800 : index
    %get3A_1463 = tpu.vector_load %arg8[%get3A_1462] {strides = array<i32>} : memref<1024xi32, #tpu.memory_space<vmem>>, vector<16xi32>,
    %get3A_1464 = vector.shape_cast %get3A_1463 : vector<16xi32> to vector<16xi32>
    %gt3A_1465 = arith.constant 0 : i32
    %gt3A_1466 = vector.broadcast %gt3A_1465 : i32 to vector<16xi32>
    %gt3A_1467 = arith.cmpi sgt, %get3A_1461, %gt3A_1466 : vector<16xi32>
    %add3A_1468 = vector.broadcast %mul3A_20 : i32 to vector<16xi32>
    %add3A_1469 = arith.addi %get3A_1464, %add3A_1468 : vector<16xi32>
    %jit3A_1470 = arith.constant 128 : i32
    %broadcast_in_dim3A_1471 = vector.broadcast %jit3A_1470 : i32 to vector<16xi32>
    %select_n3A_1472 = arith.select %gt3A_1467, %add3A_1469, %broadcast_in_dim3A_1471 : vector<16xi1>, vector<16xi32>
    %swap3A_1473 = arith.constant 32 : index
    %swap3A_1474 = tpu.vector_load %arg10[%swap3A_1473] {strides = array<i32>} : memref<128xi32, #tpu.memory_space<vmem>>, vector<16xi32>,
    %swap3A_1475 = vector.shape_cast %swap3A_1474 : vector<16xi32> to vector<16xi32>
    %swap3A_1476 = vector.shape_cast %select_n3A_1472 : vector<16xi32> to vector<16xi32>
    tpu.vector_store %arg10[%swap3A_1473], %swap3A_1476 {strides = array<i32>} : memref<128xi32, #tpu.memory_space<vmem>>, vector<16xi32>,
    %get3A_1477 = arith.constant 816 : index
    %get3A_1478 = tpu.vector_load %arg9[%get3A_1477] {strides = array<i32>} : memref<1024xi32, #tpu.memory_space<vmem>>, vector<16xi32>,
    %get3A_1479 = vector.shape_cast %get3A_1478 : vector<16xi32> to vector<16xi32>
    %get3A_1480 = arith.constant 816 : index
    %get3A_1481 = tpu.vector_load %arg8[%get3A_1480] {strides = array<i32>} : memref<1024xi32, #tpu.memory_space<vmem>>, vector<16xi32>,
    %get3A_1482 = vector.shape_cast %get3A_1481 : vector<16xi32> to vector<16xi32>
    %gt3A_1483 = arith.constant 0 : i32
    %gt3A_1484 = vector.broadcast %gt3A_1483 : i32 to vector<16xi32>
    %gt3A_1485 = arith.cmpi sgt, %get3A_1479, %gt3A_1484 : vector<16xi32>
    %add3A_1486 = vector.broadcast %mul3A_20 : i32 to vector<16xi32>
    %add3A_1487 = arith.addi %get3A_1482, %add3A_1486 : vector<16xi32>
    %jit3A_1488 = arith.constant 128 : i32
    %broadcast_in_dim3A_1489 = vector.broadcast %jit3A_1488 : i32 to vector<16xi32>
    %select_n3A_1490 = arith.select %gt3A_1485, %add3A_1487, %broadcast_in_dim3A_1489 : vector<16xi1>, vector<16xi32>
    %swap3A_1491 = arith.constant 48 : index
    %swap3A_1492 = tpu.vector_load %arg10[%swap3A_1491] {strides = array<i32>} : memref<128xi32, #tpu.memory_space<vmem>>, vector<16xi32>,
    %swap3A_1493 = vector.shape_cast %swap3A_1492 : vector<16xi32> to vector<16xi32>
    %swap3A_1494 = vector.shape_cast %select_n3A_1490 : vector<16xi32> to vector<16xi32>
    tpu.vector_store %arg10[%swap3A_1491], %swap3A_1494 {strides = array<i32>} : memref<128xi32, #tpu.memory_space<vmem>>, vector<16xi32>,
    %get3A_1495 = arith.constant 832 : index
    %get3A_1496 = tpu.vector_load %arg9[%get3A_1495] {strides = array<i32>} : memref<1024xi32, #tpu.memory_space<vmem>>, vector<16xi32>,
    %get3A_1497 = vector.shape_cast %get3A_1496 : vector<16xi32> to vector<16xi32>
    %get3A_1498 = arith.constant 832 : index
    %get3A_1499 = tpu.vector_load %arg8[%get3A_1498] {strides = array<i32>} : memref<1024xi32, #tpu.memory_space<vmem>>, vector<16xi32>,
    %get3A_1500 = vector.shape_cast %get3A_1499 : vector<16xi32> to vector<16xi32>
    %gt3A_1501 = arith.constant 0 : i32
    %gt3A_1502 = vector.broadcast %gt3A_1501 : i32 to vector<16xi32>
    %gt3A_1503 = arith.cmpi sgt, %get3A_1497, %gt3A_1502 : vector<16xi32>
    %add3A_1504 = vector.broadcast %mul3A_20 : i32 to vector<16xi32>
    %add3A_1505 = arith.addi %get3A_1500, %add3A_1504 : vector<16xi32>
    %jit3A_1506 = arith.constant 128 : i32
    %broadcast_in_dim3A_1507 = vector.broadcast %jit3A_1506 : i32 to vector<16xi32>
    %select_n3A_1508 = arith.select %gt3A_1503, %add3A_1505, %broadcast_in_dim3A_1507 : vector<16xi1>, vector<16xi32>
    %swap3A_1509 = arith.constant 64 : index
    %swap3A_1510 = tpu.vector_load %arg10[%swap3A_1509] {strides = array<i32>} : memref<128xi32, #tpu.memory_space<vmem>>, vector<16xi32>,
    %swap3A_1511 = vector.shape_cast %swap3A_1510 : vector<16xi32> to vector<16xi32>
    %swap3A_1512 = vector.shape_cast %select_n3A_1508 : vector<16xi32> to vector<16xi32>
    tpu.vector_store %arg10[%swap3A_1509], %swap3A_1512 {strides = array<i32>} : memref<128xi32, #tpu.memory_space<vmem>>, vector<16xi32>,
    %get3A_1513 = arith.constant 848 : index
    %get3A_1514 = tpu.vector_load %arg9[%get3A_1513] {strides = array<i32>} : memref<1024xi32, #tpu.memory_space<vmem>>, vector<16xi32>,
    %get3A_1515 = vector.shape_cast %get3A_1514 : vector<16xi32> to vector<16xi32>
    %get3A_1516 = arith.constant 848 : index
    %get3A_1517 = tpu.vector_load %arg8[%get3A_1516] {strides = array<i32>} : memref<1024xi32, #tpu.memory_space<vmem>>, vector<16xi32>,
    %get3A_1518 = vector.shape_cast %get3A_1517 : vector<16xi32> to vector<16xi32>
    %gt3A_1519 = arith.constant 0 : i32
    %gt3A_1520 = vector.broadcast %gt3A_1519 : i32 to vector<16xi32>
    %gt3A_1521 = arith.cmpi sgt, %get3A_1515, %gt3A_1520 : vector<16xi32>
    %add3A_1522 = vector.broadcast %mul3A_20 : i32 to vector<16xi32>
    %add3A_1523 = arith.addi %get3A_1518, %add3A_1522 : vector<16xi32>
    %jit3A_1524 = arith.constant 128 : i32
    %broadcast_in_dim3A_1525 = vector.broadcast %jit3A_1524 : i32 to vector<16xi32>
    %select_n3A_1526 = arith.select %gt3A_1521, %add3A_1523, %broadcast_in_dim3A_1525 : vector<16xi1>, vector<16xi32>
    %swap3A_1527 = arith.constant 80 : index
    %swap3A_1528 = tpu.vector_load %arg10[%swap3A_1527] {strides = array<i32>} : memref<128xi32, #tpu.memory_space<vmem>>, vector<16xi32>,
    %swap3A_1529 = vector.shape_cast %swap3A_1528 : vector<16xi32> to vector<16xi32>
    %swap3A_1530 = vector.shape_cast %select_n3A_1526 : vector<16xi32> to vector<16xi32>
    tpu.vector_store %arg10[%swap3A_1527], %swap3A_1530 {strides = array<i32>} : memref<128xi32, #tpu.memory_space<vmem>>, vector<16xi32>,
    %get3A_1531 = arith.constant 864 : index
    %get3A_1532 = tpu.vector_load %arg9[%get3A_1531] {strides = array<i32>} : memref<1024xi32, #tpu.memory_space<vmem>>, vector<16xi32>,
    %get3A_1533 = vector.shape_cast %get3A_1532 : vector<16xi32> to vector<16xi32>
    %get3A_1534 = arith.constant 864 : index
    %get3A_1535 = tpu.vector_load %arg8[%get3A_1534] {strides = array<i32>} : memref<1024xi32, #tpu.memory_space<vmem>>, vector<16xi32>,
    %get3A_1536 = vector.shape_cast %get3A_1535 : vector<16xi32> to vector<16xi32>
    %gt3A_1537 = arith.constant 0 : i32
    %gt3A_1538 = vector.broadcast %gt3A_1537 : i32 to vector<16xi32>
    %gt3A_1539 = arith.cmpi sgt, %get3A_1533, %gt3A_1538 : vector<16xi32>
    %add3A_1540 = vector.broadcast %mul3A_20 : i32 to vector<16xi32>
    %add3A_1541 = arith.addi %get3A_1536, %add3A_1540 : vector<16xi32>
    %jit3A_1542 = arith.constant 128 : i32
    %broadcast_in_dim3A_1543 = vector.broadcast %jit3A_1542 : i32 to vector<16xi32>
    %select_n3A_1544 = arith.select %gt3A_1539, %add3A_1541, %broadcast_in_dim3A_1543 : vector<16xi1>, vector<16xi32>
    %swap3A_1545 = arith.constant 96 : index
    %swap3A_1546 = tpu.vector_load %arg10[%swap3A_1545] {strides = array<i32>} : memref<128xi32, #tpu.memory_space<vmem>>, vector<16xi32>,
    %swap3A_1547 = vector.shape_cast %swap3A_1546 : vector<16xi32> to vector<16xi32>
    %swap3A_1548 = vector.shape_cast %select_n3A_1544 : vector<16xi32> to vector<16xi32>
    tpu.vector_store %arg10[%swap3A_1545], %swap3A_1548 {strides = array<i32>} : memref<128xi32, #tpu.memory_space<vmem>>, vector<16xi32>,
    %get3A_1549 = arith.constant 880 : index
    %get3A_1550 = tpu.vector_load %arg9[%get3A_1549] {strides = array<i32>} : memref<1024xi32, #tpu.memory_space<vmem>>, vector<16xi32>,
    %get3A_1551 = vector.shape_cast %get3A_1550 : vector<16xi32> to vector<16xi32>
    %get3A_1552 = arith.constant 880 : index
    %get3A_1553 = tpu.vector_load %arg8[%get3A_1552] {strides = array<i32>} : memref<1024xi32, #tpu.memory_space<vmem>>, vector<16xi32>,
    %get3A_1554 = vector.shape_cast %get3A_1553 : vector<16xi32> to vector<16xi32>
    %gt3A_1555 = arith.constant 0 : i32
    %gt3A_1556 = vector.broadcast %gt3A_1555 : i32 to vector<16xi32>
    %gt3A_1557 = arith.cmpi sgt, %get3A_1551, %gt3A_1556 : vector<16xi32>
    %add3A_1558 = vector.broadcast %mul3A_20 : i32 to vector<16xi32>
    %add3A_1559 = arith.addi %get3A_1554, %add3A_1558 : vector<16xi32>
    %jit3A_1560 = arith.constant 128 : i32
    %broadcast_in_dim3A_1561 = vector.broadcast %jit3A_1560 : i32 to vector<16xi32>
    %select_n3A_1562 = arith.select %gt3A_1557, %add3A_1559, %broadcast_in_dim3A_1561 : vector<16xi1>, vector<16xi32>
    %swap3A_1563 = arith.constant 112 : index
    %swap3A_1564 = tpu.vector_load %arg10[%swap3A_1563] {strides = array<i32>} : memref<128xi32, #tpu.memory_space<vmem>>, vector<16xi32>,
    %swap3A_1565 = vector.shape_cast %swap3A_1564 : vector<16xi32> to vector<16xi32>
    %swap3A_1566 = vector.shape_cast %select_n3A_1562 : vector<16xi32> to vector<16xi32>
    tpu.vector_store %arg10[%swap3A_1563], %swap3A_1566 {strides = array<i32>} : memref<128xi32, #tpu.memory_space<vmem>>, vector<16xi32>,
    %dma_wait3A_1567 = arith.constant 0 : i32
    %dma_wait3A_1568 = tpu.memref_slice %arg2[%add3A_1258, %dma_wait3A_1567] : memref<32768x128xf32, #tpu.memory_space<hbm>> -> memref<128x128xf32, #tpu.memory_space<hbm>>
    %dma_wait3A_1569 = arith.constant 0 : i32
    %dma_wait3A_1570 = tpu.memref_slice %arg2[%add3A_1258, %dma_wait3A_1569] : memref<32768x128xf32, #tpu.memory_space<hbm>> -> memref<128x128xf32, #tpu.memory_space<hbm>>
    tpu.wait_dma2 semaphore(%arg13 : memref<!tpu.dma_semaphore, #tpu.memory_space<semaphore_mem>>) src(%dma_wait3A_1570 : memref<128x128xf32, #tpu.memory_space<hbm>>) dst(%arg6 : memref<128x128xf32, #tpu.memory_space<vmem>>)
    %dma_start3A_1571 = arith.constant 0 : i32
    %dma_start3A_1572 = arith.constant 0 : i32
    %dma_start3A_1573 = tpu.memref_slice %arg12[%dma_start3A_1571, %dma_start3A_1572] : memref<144x128xf32, #tpu.memory_space<vmem_shared>> -> memref<144x128xf32, #tpu.memory_space<vmem_shared>>
    tpu.enqueue_indirect_dma source(%arg6 : memref<128x128xf32, #tpu.memory_space<vmem>>) target(%dma_start3A_1573 : memref<144x128xf32, #tpu.memory_space<vmem_shared>>) offsets(%arg10 : memref<128xi32, #tpu.memory_space<vmem>>) semaphore(%arg15 : memref<!tpu.dma_semaphore, #tpu.memory_space<semaphore_mem>>) {add = true}
    %get3A_1574 = arith.constant 896 : index
    %get3A_1575 = tpu.vector_load %arg9[%get3A_1574] {strides = array<i32>} : memref<1024xi32, #tpu.memory_space<vmem>>, vector<16xi32>,
    %get3A_1576 = vector.shape_cast %get3A_1575 : vector<16xi32> to vector<16xi32>
    %get3A_1577 = arith.constant 896 : index
    %get3A_1578 = tpu.vector_load %arg8[%get3A_1577] {strides = array<i32>} : memref<1024xi32, #tpu.memory_space<vmem>>, vector<16xi32>,
    %get3A_1579 = vector.shape_cast %get3A_1578 : vector<16xi32> to vector<16xi32>
    %gt3A_1580 = arith.constant 0 : i32
    %gt3A_1581 = vector.broadcast %gt3A_1580 : i32 to vector<16xi32>
    %gt3A_1582 = arith.cmpi sgt, %get3A_1576, %gt3A_1581 : vector<16xi32>
    %add3A_1583 = vector.broadcast %mul3A_20 : i32 to vector<16xi32>
    %add3A_1584 = arith.addi %get3A_1579, %add3A_1583 : vector<16xi32>
    %jit3A_1585 = arith.constant 128 : i32
    %broadcast_in_dim3A_1586 = vector.broadcast %jit3A_1585 : i32 to vector<16xi32>
    %select_n3A_1587 = arith.select %gt3A_1582, %add3A_1584, %broadcast_in_dim3A_1586 : vector<16xi1>, vector<16xi32>
    %swap3A_1588 = arith.constant 0 : index
    %swap3A_1589 = tpu.vector_load %arg11[%swap3A_1588] {strides = array<i32>} : memref<128xi32, #tpu.memory_space<vmem>>, vector<16xi32>,
    %swap3A_1590 = vector.shape_cast %swap3A_1589 : vector<16xi32> to vector<16xi32>
    %swap3A_1591 = vector.shape_cast %select_n3A_1587 : vector<16xi32> to vector<16xi32>
    tpu.vector_store %arg11[%swap3A_1588], %swap3A_1591 {strides = array<i32>} : memref<128xi32, #tpu.memory_space<vmem>>, vector<16xi32>,
    %get3A_1592 = arith.constant 912 : index
    %get3A_1593 = tpu.vector_load %arg9[%get3A_1592] {strides = array<i32>} : memref<1024xi32, #tpu.memory_space<vmem>>, vector<16xi32>,
    %get3A_1594 = vector.shape_cast %get3A_1593 : vector<16xi32> to vector<16xi32>
    %get3A_1595 = arith.constant 912 : index
    %get3A_1596 = tpu.vector_load %arg8[%get3A_1595] {strides = array<i32>} : memref<1024xi32, #tpu.memory_space<vmem>>, vector<16xi32>,
    %get3A_1597 = vector.shape_cast %get3A_1596 : vector<16xi32> to vector<16xi32>
    %gt3A_1598 = arith.constant 0 : i32
    %gt3A_1599 = vector.broadcast %gt3A_1598 : i32 to vector<16xi32>
    %gt3A_1600 = arith.cmpi sgt, %get3A_1594, %gt3A_1599 : vector<16xi32>
    %add3A_1601 = vector.broadcast %mul3A_20 : i32 to vector<16xi32>
    %add3A_1602 = arith.addi %get3A_1597, %add3A_1601 : vector<16xi32>
    %jit3A_1603 = arith.constant 128 : i32
    %broadcast_in_dim3A_1604 = vector.broadcast %jit3A_1603 : i32 to vector<16xi32>
    %select_n3A_1605 = arith.select %gt3A_1600, %add3A_1602, %broadcast_in_dim3A_1604 : vector<16xi1>, vector<16xi32>
    %swap3A_1606 = arith.constant 16 : index
    %swap3A_1607 = tpu.vector_load %arg11[%swap3A_1606] {strides = array<i32>} : memref<128xi32, #tpu.memory_space<vmem>>, vector<16xi32>,
    %swap3A_1608 = vector.shape_cast %swap3A_1607 : vector<16xi32> to vector<16xi32>
    %swap3A_1609 = vector.shape_cast %select_n3A_1605 : vector<16xi32> to vector<16xi32>
    tpu.vector_store %arg11[%swap3A_1606], %swap3A_1609 {strides = array<i32>} : memref<128xi32, #tpu.memory_space<vmem>>, vector<16xi32>,
    %get3A_1610 = arith.constant 928 : index
    %get3A_1611 = tpu.vector_load %arg9[%get3A_1610] {strides = array<i32>} : memref<1024xi32, #tpu.memory_space<vmem>>, vector<16xi32>,
    %get3A_1612 = vector.shape_cast %get3A_1611 : vector<16xi32> to vector<16xi32>
    %get3A_1613 = arith.constant 928 : index
    %get3A_1614 = tpu.vector_load %arg8[%get3A_1613] {strides = array<i32>} : memref<1024xi32, #tpu.memory_space<vmem>>, vector<16xi32>,
    %get3A_1615 = vector.shape_cast %get3A_1614 : vector<16xi32> to vector<16xi32>
    %gt3A_1616 = arith.constant 0 : i32
    %gt3A_1617 = vector.broadcast %gt3A_1616 : i32 to vector<16xi32>
    %gt3A_1618 = arith.cmpi sgt, %get3A_1612, %gt3A_1617 : vector<16xi32>
    %add3A_1619 = vector.broadcast %mul3A_20 : i32 to vector<16xi32>
    %add3A_1620 = arith.addi %get3A_1615, %add3A_1619 : vector<16xi32>
    %jit3A_1621 = arith.constant 128 : i32
    %broadcast_in_dim3A_1622 = vector.broadcast %jit3A_1621 : i32 to vector<16xi32>
    %select_n3A_1623 = arith.select %gt3A_1618, %add3A_1620, %broadcast_in_dim3A_1622 : vector<16xi1>, vector<16xi32>
    %swap3A_1624 = arith.constant 32 : index
    %swap3A_1625 = tpu.vector_load %arg11[%swap3A_1624] {strides = array<i32>} : memref<128xi32, #tpu.memory_space<vmem>>, vector<16xi32>,
    %swap3A_1626 = vector.shape_cast %swap3A_1625 : vector<16xi32> to vector<16xi32>
    %swap3A_1627 = vector.shape_cast %select_n3A_1623 : vector<16xi32> to vector<16xi32>
    tpu.vector_store %arg11[%swap3A_1624], %swap3A_1627 {strides = array<i32>} : memref<128xi32, #tpu.memory_space<vmem>>, vector<16xi32>,
    %get3A_1628 = arith.constant 944 : index
    %get3A_1629 = tpu.vector_load %arg9[%get3A_1628] {strides = array<i32>} : memref<1024xi32, #tpu.memory_space<vmem>>, vector<16xi32>,
    %get3A_1630 = vector.shape_cast %get3A_1629 : vector<16xi32> to vector<16xi32>
    %get3A_1631 = arith.constant 944 : index
    %get3A_1632 = tpu.vector_load %arg8[%get3A_1631] {strides = array<i32>} : memref<1024xi32, #tpu.memory_space<vmem>>, vector<16xi32>,
    %get3A_1633 = vector.shape_cast %get3A_1632 : vector<16xi32> to vector<16xi32>
    %gt3A_1634 = arith.constant 0 : i32
    %gt3A_1635 = vector.broadcast %gt3A_1634 : i32 to vector<16xi32>
    %gt3A_1636 = arith.cmpi sgt, %get3A_1630, %gt3A_1635 : vector<16xi32>
    %add3A_1637 = vector.broadcast %mul3A_20 : i32 to vector<16xi32>
    %add3A_1638 = arith.addi %get3A_1633, %add3A_1637 : vector<16xi32>
    %jit3A_1639 = arith.constant 128 : i32
    %broadcast_in_dim3A_1640 = vector.broadcast %jit3A_1639 : i32 to vector<16xi32>
    %select_n3A_1641 = arith.select %gt3A_1636, %add3A_1638, %broadcast_in_dim3A_1640 : vector<16xi1>, vector<16xi32>
    %swap3A_1642 = arith.constant 48 : index
    %swap3A_1643 = tpu.vector_load %arg11[%swap3A_1642] {strides = array<i32>} : memref<128xi32, #tpu.memory_space<vmem>>, vector<16xi32>,
    %swap3A_1644 = vector.shape_cast %swap3A_1643 : vector<16xi32> to vector<16xi32>
    %swap3A_1645 = vector.shape_cast %select_n3A_1641 : vector<16xi32> to vector<16xi32>
    tpu.vector_store %arg11[%swap3A_1642], %swap3A_1645 {strides = array<i32>} : memref<128xi32, #tpu.memory_space<vmem>>, vector<16xi32>,
    %get3A_1646 = arith.constant 960 : index
    %get3A_1647 = tpu.vector_load %arg9[%get3A_1646] {strides = array<i32>} : memref<1024xi32, #tpu.memory_space<vmem>>, vector<16xi32>,
    %get3A_1648 = vector.shape_cast %get3A_1647 : vector<16xi32> to vector<16xi32>
    %get3A_1649 = arith.constant 960 : index
    %get3A_1650 = tpu.vector_load %arg8[%get3A_1649] {strides = array<i32>} : memref<1024xi32, #tpu.memory_space<vmem>>, vector<16xi32>,
    %get3A_1651 = vector.shape_cast %get3A_1650 : vector<16xi32> to vector<16xi32>
    %gt3A_1652 = arith.constant 0 : i32
    %gt3A_1653 = vector.broadcast %gt3A_1652 : i32 to vector<16xi32>
    %gt3A_1654 = arith.cmpi sgt, %get3A_1648, %gt3A_1653 : vector<16xi32>
    %add3A_1655 = vector.broadcast %mul3A_20 : i32 to vector<16xi32>
    %add3A_1656 = arith.addi %get3A_1651, %add3A_1655 : vector<16xi32>
    %jit3A_1657 = arith.constant 128 : i32
    %broadcast_in_dim3A_1658 = vector.broadcast %jit3A_1657 : i32 to vector<16xi32>
    %select_n3A_1659 = arith.select %gt3A_1654, %add3A_1656, %broadcast_in_dim3A_1658 : vector<16xi1>, vector<16xi32>
    %swap3A_1660 = arith.constant 64 : index
    %swap3A_1661 = tpu.vector_load %arg11[%swap3A_1660] {strides = array<i32>} : memref<128xi32, #tpu.memory_space<vmem>>, vector<16xi32>,
    %swap3A_1662 = vector.shape_cast %swap3A_1661 : vector<16xi32> to vector<16xi32>
    %swap3A_1663 = vector.shape_cast %select_n3A_1659 : vector<16xi32> to vector<16xi32>
    tpu.vector_store %arg11[%swap3A_1660], %swap3A_1663 {strides = array<i32>} : memref<128xi32, #tpu.memory_space<vmem>>, vector<16xi32>,
    %get3A_1664 = arith.constant 976 : index
    %get3A_1665 = tpu.vector_load %arg9[%get3A_1664] {strides = array<i32>} : memref<1024xi32, #tpu.memory_space<vmem>>, vector<16xi32>,
    %get3A_1666 = vector.shape_cast %get3A_1665 : vector<16xi32> to vector<16xi32>
    %get3A_1667 = arith.constant 976 : index
    %get3A_1668 = tpu.vector_load %arg8[%get3A_1667] {strides = array<i32>} : memref<1024xi32, #tpu.memory_space<vmem>>, vector<16xi32>,
    %get3A_1669 = vector.shape_cast %get3A_1668 : vector<16xi32> to vector<16xi32>
    %gt3A_1670 = arith.constant 0 : i32
    %gt3A_1671 = vector.broadcast %gt3A_1670 : i32 to vector<16xi32>
    %gt3A_1672 = arith.cmpi sgt, %get3A_1666, %gt3A_1671 : vector<16xi32>
    %add3A_1673 = vector.broadcast %mul3A_20 : i32 to vector<16xi32>
    %add3A_1674 = arith.addi %get3A_1669, %add3A_1673 : vector<16xi32>
    %jit3A_1675 = arith.constant 128 : i32
    %broadcast_in_dim3A_1676 = vector.broadcast %jit3A_1675 : i32 to vector<16xi32>
    %select_n3A_1677 = arith.select %gt3A_1672, %add3A_1674, %broadcast_in_dim3A_1676 : vector<16xi1>, vector<16xi32>
    %swap3A_1678 = arith.constant 80 : index
    %swap3A_1679 = tpu.vector_load %arg11[%swap3A_1678] {strides = array<i32>} : memref<128xi32, #tpu.memory_space<vmem>>, vector<16xi32>,
    %swap3A_1680 = vector.shape_cast %swap3A_1679 : vector<16xi32> to vector<16xi32>
    %swap3A_1681 = vector.shape_cast %select_n3A_1677 : vector<16xi32> to vector<16xi32>
    tpu.vector_store %arg11[%swap3A_1678], %swap3A_1681 {strides = array<i32>} : memref<128xi32, #tpu.memory_space<vmem>>, vector<16xi32>,
    %get3A_1682 = arith.constant 992 : index
    %get3A_1683 = tpu.vector_load %arg9[%get3A_1682] {strides = array<i32>} : memref<1024xi32, #tpu.memory_space<vmem>>, vector<16xi32>,
    %get3A_1684 = vector.shape_cast %get3A_1683 : vector<16xi32> to vector<16xi32>
    %get3A_1685 = arith.constant 992 : index
    %get3A_1686 = tpu.vector_load %arg8[%get3A_1685] {strides = array<i32>} : memref<1024xi32, #tpu.memory_space<vmem>>, vector<16xi32>,
    %get3A_1687 = vector.shape_cast %get3A_1686 : vector<16xi32> to vector<16xi32>
    %gt3A_1688 = arith.constant 0 : i32
    %gt3A_1689 = vector.broadcast %gt3A_1688 : i32 to vector<16xi32>
    %gt3A_1690 = arith.cmpi sgt, %get3A_1684, %gt3A_1689 : vector<16xi32>
    %add3A_1691 = vector.broadcast %mul3A_20 : i32 to vector<16xi32>
    %add3A_1692 = arith.addi %get3A_1687, %add3A_1691 : vector<16xi32>
    %jit3A_1693 = arith.constant 128 : i32
    %broadcast_in_dim3A_1694 = vector.broadcast %jit3A_1693 : i32 to vector<16xi32>
    %select_n3A_1695 = arith.select %gt3A_1690, %add3A_1692, %broadcast_in_dim3A_1694 : vector<16xi1>, vector<16xi32>
    %swap3A_1696 = arith.constant 96 : index
    %swap3A_1697 = tpu.vector_load %arg11[%swap3A_1696] {strides = array<i32>} : memref<128xi32, #tpu.memory_space<vmem>>, vector<16xi32>,
    %swap3A_1698 = vector.shape_cast %swap3A_1697 : vector<16xi32> to vector<16xi32>
    %swap3A_1699 = vector.shape_cast %select_n3A_1695 : vector<16xi32> to vector<16xi32>
    tpu.vector_store %arg11[%swap3A_1696], %swap3A_1699 {strides = array<i32>} : memref<128xi32, #tpu.memory_space<vmem>>, vector<16xi32>,
    %get3A_1700 = arith.constant 1008 : index
    %get3A_1701 = tpu.vector_load %arg9[%get3A_1700] {strides = array<i32>} : memref<1024xi32, #tpu.memory_space<vmem>>, vector<16xi32>,
    %get3A_1702 = vector.shape_cast %get3A_1701 : vector<16xi32> to vector<16xi32>
    %get3A_1703 = arith.constant 1008 : index
    %get3A_1704 = tpu.vector_load %arg8[%get3A_1703] {strides = array<i32>} : memref<1024xi32, #tpu.memory_space<vmem>>, vector<16xi32>,
    %get3A_1705 = vector.shape_cast %get3A_1704 : vector<16xi32> to vector<16xi32>
    %gt3A_1706 = arith.constant 0 : i32
    %gt3A_1707 = vector.broadcast %gt3A_1706 : i32 to vector<16xi32>
    %gt3A_1708 = arith.cmpi sgt, %get3A_1702, %gt3A_1707 : vector<16xi32>
    %add3A_1709 = vector.broadcast %mul3A_20 : i32 to vector<16xi32>
    %add3A_1710 = arith.addi %get3A_1705, %add3A_1709 : vector<16xi32>
    %jit3A_1711 = arith.constant 128 : i32
    %broadcast_in_dim3A_1712 = vector.broadcast %jit3A_1711 : i32 to vector<16xi32>
    %select_n3A_1713 = arith.select %gt3A_1708, %add3A_1710, %broadcast_in_dim3A_1712 : vector<16xi1>, vector<16xi32>
    %swap3A_1714 = arith.constant 112 : index
    %swap3A_1715 = tpu.vector_load %arg11[%swap3A_1714] {strides = array<i32>} : memref<128xi32, #tpu.memory_space<vmem>>, vector<16xi32>,
    %swap3A_1716 = vector.shape_cast %swap3A_1715 : vector<16xi32> to vector<16xi32>
    %swap3A_1717 = vector.shape_cast %select_n3A_1713 : vector<16xi32> to vector<16xi32>
    tpu.vector_store %arg11[%swap3A_1714], %swap3A_1717 {strides = array<i32>} : memref<128xi32, #tpu.memory_space<vmem>>, vector<16xi32>,
    %dma_wait3A_1718 = arith.constant 0 : i32
    %dma_wait3A_1719 = tpu.memref_slice %arg2[%add3A_1418, %dma_wait3A_1718] : memref<32768x128xf32, #tpu.memory_space<hbm>> -> memref<128x128xf32, #tpu.memory_space<hbm>>
    %dma_wait3A_1720 = arith.constant 0 : i32
    %dma_wait3A_1721 = tpu.memref_slice %arg2[%add3A_1418, %dma_wait3A_1720] : memref<32768x128xf32, #tpu.memory_space<hbm>> -> memref<128x128xf32, #tpu.memory_space<hbm>>
    tpu.wait_dma2 semaphore(%arg14 : memref<!tpu.dma_semaphore, #tpu.memory_space<semaphore_mem>>) src(%dma_wait3A_1721 : memref<128x128xf32, #tpu.memory_space<hbm>>) dst(%arg7 : memref<128x128xf32, #tpu.memory_space<vmem>>)
    %dma_start3A_1722 = arith.constant 0 : i32
    %dma_start3A_1723 = arith.constant 0 : i32
    %dma_start3A_1724 = tpu.memref_slice %arg12[%dma_start3A_1722, %dma_start3A_1723] : memref<144x128xf32, #tpu.memory_space<vmem_shared>> -> memref<144x128xf32, #tpu.memory_space<vmem_shared>>
    tpu.enqueue_indirect_dma source(%arg7 : memref<128x128xf32, #tpu.memory_space<vmem>>) target(%dma_start3A_1724 : memref<144x128xf32, #tpu.memory_space<vmem_shared>>) offsets(%arg11 : memref<128xi32, #tpu.memory_space<vmem>>) semaphore(%arg16 : memref<!tpu.dma_semaphore, #tpu.memory_space<semaphore_mem>>) {add = true}
    %dma_wait3A_1725 = arith.constant 0 : i32
    %dma_wait3A_1726 = arith.constant 0 : i32
    %dma_wait3A_1727 = tpu.memref_slice %arg12[%dma_wait3A_1725, %dma_wait3A_1726] : memref<144x128xf32, #tpu.memory_space<vmem_shared>> -> memref<144x128xf32, #tpu.memory_space<vmem_shared>>
    tpu.wait_indirect_dma semaphore(%arg15 : memref<!tpu.dma_semaphore, #tpu.memory_space<semaphore_mem>>) src(%arg6 : memref<128x128xf32, #tpu.memory_space<vmem>>) dst(%dma_wait3A_1727 : memref<144x128xf32, #tpu.memory_space<vmem_shared>>)
    %dma_wait3A_1728 = arith.constant 0 : i32
    %dma_wait3A_1729 = arith.constant 0 : i32
    %dma_wait3A_1730 = tpu.memref_slice %arg12[%dma_wait3A_1728, %dma_wait3A_1729] : memref<144x128xf32, #tpu.memory_space<vmem_shared>> -> memref<144x128xf32, #tpu.memory_space<vmem_shared>>
    tpu.wait_indirect_dma semaphore(%arg16 : memref<!tpu.dma_semaphore, #tpu.memory_space<semaphore_mem>>) src(%arg7 : memref<128x128xf32, #tpu.memory_space<vmem>>) dst(%dma_wait3A_1730 : memref<144x128xf32, #tpu.memory_space<vmem_shared>>)
    %barrier3A_1731 = arith.constant 0 : index
    tpu.barrier barrier_id(%barrier3A_1731)
    %mul3A_1732 = arith.constant 8 : i32
    %mul3A_1733 = arith.muli %arg1, %mul3A_1732 : i32
    "tpu.region"() ({
      %run_scoped3A = tpu.sem_alloc : memref<!tpu.dma_semaphore, #tpu.memory_space<semaphore_mem>>
      %dma_start3A_1736 = arith.constant 0 : i32
      %dma_start3A_1737 = arith.constant 0 : i32
      %dma_start3A_1738 = tpu.memref_slice %arg6[%dma_start3A_1736, %dma_start3A_1737] : memref<128x128xf32, #tpu.memory_space<vmem>> -> memref<8x128xf32, #tpu.memory_space<vmem>>
      %dma_start3A_1739 = arith.constant 0 : i32
      %dma_start3A_1740 = tpu.memref_slice %arg12[%mul3A_1733, %dma_start3A_1739] : memref<144x128xf32, #tpu.memory_space<vmem_shared>> -> memref<8x128xf32, #tpu.memory_space<vmem_shared>>
      %dma_start3A_1741 = arith.constant 0 : i32
      %dma_start3A_1742 = arith.constant 0 : i32
      %dma_start3A_1743 = tpu.memref_slice %arg6[%dma_start3A_1741, %dma_start3A_1742] : memref<128x128xf32, #tpu.memory_space<vmem>> -> memref<8x128xf32, #tpu.memory_space<vmem>>
      %dma_start3A_1744 = arith.constant 0 : i32
      %dma_start3A_1745 = tpu.memref_slice %arg12[%mul3A_1733, %dma_start3A_1744] : memref<144x128xf32, #tpu.memory_space<vmem_shared>> -> memref<8x128xf32, #tpu.memory_space<vmem_shared>>
      tpu.enqueue_dma source(%dma_start3A_1745 : memref<8x128xf32, #tpu.memory_space<vmem_shared>>) target(%dma_start3A_1743 : memref<8x128xf32, #tpu.memory_space<vmem>>) target_semaphore(%run_scoped3A : memref<!tpu.dma_semaphore, #tpu.memory_space<semaphore_mem>>)
      %dma_wait3A_1746 = arith.constant 0 : i32
      %dma_wait3A_1747 = arith.constant 0 : i32
      %dma_wait3A_1748 = tpu.memref_slice %arg6[%dma_wait3A_1746, %dma_wait3A_1747] : memref<128x128xf32, #tpu.memory_space<vmem>> -> memref<8x128xf32, #tpu.memory_space<vmem>>
      %dma_wait3A_1749 = arith.constant 0 : i32
      %dma_wait3A_1750 = tpu.memref_slice %arg12[%mul3A_1733, %dma_wait3A_1749] : memref<144x128xf32, #tpu.memory_space<vmem_shared>> -> memref<8x128xf32, #tpu.memory_space<vmem_shared>>
      %dma_wait3A_1751 = arith.constant 0 : i32
      %dma_wait3A_1752 = arith.constant 0 : i32
      %dma_wait3A_1753 = tpu.memref_slice %arg6[%dma_wait3A_1751, %dma_wait3A_1752] : memref<128x128xf32, #tpu.memory_space<vmem>> -> memref<8x128xf32, #tpu.memory_space<vmem>>
      %dma_wait3A_1754 = arith.constant 0 : i32
      %dma_wait3A_1755 = tpu.memref_slice %arg12[%mul3A_1733, %dma_wait3A_1754] : memref<144x128xf32, #tpu.memory_space<vmem_shared>> -> memref<8x128xf32, #tpu.memory_space<vmem_shared>>
      tpu.wait_dma2 semaphore(%run_scoped3A : memref<!tpu.dma_semaphore, #tpu.memory_space<semaphore_mem>>) src(%dma_wait3A_1755 : memref<8x128xf32, #tpu.memory_space<vmem_shared>>) dst(%dma_wait3A_1753 : memref<8x128xf32, #tpu.memory_space<vmem>>)
      tpu.yield
    }) : () -> ()
    %mul3A_1734 = arith.constant 8 : i32
    %mul3A_1735 = arith.muli %arg1, %mul3A_1734 : i32
    "tpu.region"() ({
      %run_scoped3A = tpu.sem_alloc : memref<!tpu.dma_semaphore, #tpu.memory_space<semaphore_mem>>
      %dma_start3A_1736 = arith.constant 0 : i32
      %dma_start3A_1737 = arith.constant 0 : i32
      %dma_start3A_1738 = tpu.memref_slice %arg6[%dma_start3A_1736, %dma_start3A_1737] : memref<128x128xf32, #tpu.memory_space<vmem>> -> memref<8x128xf32, #tpu.memory_space<vmem>>
      %dma_start3A_1739 = arith.constant 0 : i32
      %dma_start3A_1740 = tpu.memref_slice %arg5[%arg0, %mul3A_1735, %dma_start3A_1739] : memref<2x128x128xf32, #tpu.memory_space<hbm>> -> memref<1x8x128xf32, #tpu.memory_space<hbm>>
      %dma_start3A_1741 = tpu.memref_squeeze %dma_start3A_1740 : memref<1x8x128xf32, #tpu.memory_space<hbm>> -> memref<8x128xf32, #tpu.memory_space<hbm>>
      %dma_start3A_1742 = arith.constant 0 : i32
      %dma_start3A_1743 = tpu.memref_slice %arg5[%arg0, %mul3A_1735, %dma_start3A_1742] : memref<2x128x128xf32, #tpu.memory_space<hbm>> -> memref<1x8x128xf32, #tpu.memory_space<hbm>>
      %dma_start3A_1744 = tpu.memref_squeeze %dma_start3A_1743 : memref<1x8x128xf32, #tpu.memory_space<hbm>> -> memref<8x128xf32, #tpu.memory_space<hbm>>
      %dma_start3A_1745 = arith.constant 0 : i32
      %dma_start3A_1746 = arith.constant 0 : i32
      %dma_start3A_1747 = tpu.memref_slice %arg6[%dma_start3A_1745, %dma_start3A_1746] : memref<128x128xf32, #tpu.memory_space<vmem>> -> memref<8x128xf32, #tpu.memory_space<vmem>>
      tpu.enqueue_dma source(%dma_start3A_1747 : memref<8x128xf32, #tpu.memory_space<vmem>>) target(%dma_start3A_1744 : memref<8x128xf32, #tpu.memory_space<hbm>>) target_semaphore(%run_scoped3A : memref<!tpu.dma_semaphore, #tpu.memory_space<semaphore_mem>>)
      %dma_wait3A_1748 = arith.constant 0 : i32
      %dma_wait3A_1749 = arith.constant 0 : i32
      %dma_wait3A_1750 = tpu.memref_slice %arg6[%dma_wait3A_1748, %dma_wait3A_1749] : memref<128x128xf32, #tpu.memory_space<vmem>> -> memref<8x128xf32, #tpu.memory_space<vmem>>
      %dma_wait3A_1751 = arith.constant 0 : i32
      %dma_wait3A_1752 = tpu.memref_slice %arg5[%arg0, %mul3A_1735, %dma_wait3A_1751] : memref<2x128x128xf32, #tpu.memory_space<hbm>> -> memref<1x8x128xf32, #tpu.memory_space<hbm>>
      %dma_wait3A_1753 = tpu.memref_squeeze %dma_wait3A_1752 : memref<1x8x128xf32, #tpu.memory_space<hbm>> -> memref<8x128xf32, #tpu.memory_space<hbm>>
      %dma_wait3A_1754 = arith.constant 0 : i32
      %dma_wait3A_1755 = tpu.memref_slice %arg5[%arg0, %mul3A_1735, %dma_wait3A_1754] : memref<2x128x128xf32, #tpu.memory_space<hbm>> -> memref<1x8x128xf32, #tpu.memory_space<hbm>>
      %dma_wait3A_1756 = tpu.memref_squeeze %dma_wait3A_1755 : memref<1x8x128xf32, #tpu.memory_space<hbm>> -> memref<8x128xf32, #tpu.memory_space<hbm>>
      %dma_wait3A_1757 = arith.constant 0 : i32
      %dma_wait3A_1758 = arith.constant 0 : i32
      %dma_wait3A_1759 = tpu.memref_slice %arg6[%dma_wait3A_1757, %dma_wait3A_1758] : memref<128x128xf32, #tpu.memory_space<vmem>> -> memref<8x128xf32, #tpu.memory_space<vmem>>
      tpu.wait_dma2 semaphore(%run_scoped3A : memref<!tpu.dma_semaphore, #tpu.memory_space<semaphore_mem>>) src(%dma_wait3A_1759 : memref<8x128xf32, #tpu.memory_space<vmem>>) dst(%dma_wait3A_1756 : memref<8x128xf32, #tpu.memory_space<hbm>>)
      tpu.yield
    }) : () -> ()
    return
  }
}

module attributes {stable_mosaic.version = 14 : i64} {
  func.func @_mlp_body(%arg0: memref<2x128x128xf32, #tpu.memory_space<vmem>>, %arg1: memref<128x64xf32, #tpu.memory_space<vmem>>, %arg2: memref<1x64xf32, #tpu.memory_space<vmem>>, %arg3: memref<64x64xf32, #tpu.memory_space<vmem>>, %arg4: memref<1x64xf32, #tpu.memory_space<vmem>>, %arg5: memref<64x16xf32, #tpu.memory_space<vmem>>, %arg6: memref<1x16xf32, #tpu.memory_space<vmem>>, %arg7: memref<8x16xf32, #tpu.memory_space<vmem>>) attributes {dimension_semantics = [], scalar_prefetch = 0 : i64, scratch_operands = 0 : i64, tpu.core_type = #tpu.core_type<tc>} {
    %get3A = arith.constant 0 : index
    %get3A_0 = arith.constant 0 : index
    %get3A_1 = arith.constant 0 : index
    %get3A_2 = vector.load %arg0[%get3A, %get3A_0, %get3A_1] : memref<2x128x128xf32, #tpu.memory_space<vmem>>, vector<1x128x128xf32>
    %get3A_3 = vector.shape_cast %get3A_2 : vector<1x128x128xf32> to vector<128x128xf32>
    %get3A_4 = arith.constant 1 : index
    %get3A_5 = arith.constant 0 : index
    %get3A_6 = arith.constant 0 : index
    %get3A_7 = vector.load %arg0[%get3A_4, %get3A_5, %get3A_6] : memref<2x128x128xf32, #tpu.memory_space<vmem>>, vector<1x128x128xf32>
    %get3A_8 = vector.shape_cast %get3A_7 : vector<1x128x128xf32> to vector<128x128xf32>
    %add3A = arith.addf %get3A_3, %get3A_8 : vector<128x128xf32>
    %reduce_sum3A = arith.constant dense<0.000000e+00> : vector<128xf32>
    %reduce_sum3A_9 = vector.multi_reduction <add>, %add3A, %reduce_sum3A [1] : vector<128x128xf32> to vector<128xf32>
    %broadcast_in_dim3A = vector.shape_cast %reduce_sum3A_9 : vector<128xf32> to vector<128x1xf32>
    %eq3A = arith.constant 0.000000e+00 : f32
    %eq3A_10 = vector.broadcast %eq3A : f32 to vector<128x1xf32>
    %eq3A_11 = arith.cmpf oeq, %broadcast_in_dim3A, %eq3A_10 : vector<128x1xf32>
    %get3A_12 = arith.constant 0 : index
    %get3A_13 = arith.constant 0 : index
    %get3A_14 = vector.load %arg1[%get3A_12, %get3A_13] : memref<128x64xf32, #tpu.memory_space<vmem>>, vector<128x64xf32>
    %dot_general3A = arith.constant dense<0.000000e+00> : vector<128x64xf32>
    %dot_general3A_15 = tpu.matmul %add3A, %get3A_14, %dot_general3A {dimension_numbers = #tpu.dot_dimension_numbers<[1], [0], [0], [1], [0, 0, 1, 1], [], []>, transpose_lhs_hint = false} : vector<128x128xf32>, vector<128x64xf32>, vector<128x64xf32> -> vector<128x64xf32>
    %get3A_16 = arith.constant 0 : index
    %get3A_17 = arith.constant 0 : index
    %get3A_18 = vector.load %arg2[%get3A_16, %get3A_17] : memref<1x64xf32, #tpu.memory_space<vmem>>, vector<1x64xf32>
    %add3A_19 = vector.broadcast %get3A_18 : vector<1x64xf32> to vector<128x64xf32>
    %add3A_20 = arith.addf %dot_general3A_15, %add3A_19 : vector<128x64xf32>
    %max3A = arith.constant 0.000000e+00 : f32
    %max3A_21 = vector.broadcast %max3A : f32 to vector<128x64xf32>
    %max3A_22 = arith.maximumf %add3A_20, %max3A_21 : vector<128x64xf32>
    %get3A_23 = arith.constant 0 : index
    %get3A_24 = arith.constant 0 : index
    %get3A_25 = vector.load %arg3[%get3A_23, %get3A_24] : memref<64x64xf32, #tpu.memory_space<vmem>>, vector<64x64xf32>
    %dot_general3A_26 = arith.constant dense<0.000000e+00> : vector<128x64xf32>
    %dot_general3A_27 = tpu.matmul %max3A_22, %get3A_25, %dot_general3A_26 {dimension_numbers = #tpu.dot_dimension_numbers<[1], [0], [0], [1], [0, 0, 1, 1], [], []>, transpose_lhs_hint = false} : vector<128x64xf32>, vector<64x64xf32>, vector<128x64xf32> -> vector<128x64xf32>
    %get3A_28 = arith.constant 0 : index
    %get3A_29 = arith.constant 0 : index
    %get3A_30 = vector.load %arg4[%get3A_28, %get3A_29] : memref<1x64xf32, #tpu.memory_space<vmem>>, vector<1x64xf32>
    %add3A_31 = vector.broadcast %get3A_30 : vector<1x64xf32> to vector<128x64xf32>
    %add3A_32 = arith.addf %dot_general3A_27, %add3A_31 : vector<128x64xf32>
    %max3A_33 = arith.constant 0.000000e+00 : f32
    %max3A_34 = vector.broadcast %max3A_33 : f32 to vector<128x64xf32>
    %max3A_35 = arith.maximumf %add3A_32, %max3A_34 : vector<128x64xf32>
    %get3A_36 = arith.constant 0 : index
    %get3A_37 = arith.constant 0 : index
    %get3A_38 = vector.load %arg5[%get3A_36, %get3A_37] : memref<64x16xf32, #tpu.memory_space<vmem>>, vector<64x16xf32>
    %dot_general3A_39 = arith.constant dense<0.000000e+00> : vector<128x16xf32>
    %dot_general3A_40 = tpu.matmul %max3A_35, %get3A_38, %dot_general3A_39 {dimension_numbers = #tpu.dot_dimension_numbers<[1], [0], [0], [1], [0, 0, 1, 1], [], []>, transpose_lhs_hint = false} : vector<128x64xf32>, vector<64x16xf32>, vector<128x16xf32> -> vector<128x16xf32>
    %get3A_41 = arith.constant 0 : index
    %get3A_42 = arith.constant 0 : index
    %get3A_43 = vector.load %arg6[%get3A_41, %get3A_42] : memref<1x16xf32, #tpu.memory_space<vmem>>, vector<1x16xf32>
    %add3A_44 = vector.broadcast %get3A_43 : vector<1x16xf32> to vector<128x16xf32>
    %add3A_45 = arith.addf %dot_general3A_40, %add3A_44 : vector<128x16xf32>
    %jit3A = arith.constant 0.000000e+00 : f32
    %broadcast_in_dim3A_46 = vector.shape_cast %eq3A_11 : vector<128x1xi1> to vector<128x1xi1>
    %broadcast_in_dim3A_47 = vector.broadcast %broadcast_in_dim3A_46 : vector<128x1xi1> to vector<128x16xi1>
    %broadcast_in_dim3A_48 = vector.broadcast %jit3A : f32 to vector<128x16xf32>
    %select_n3A = arith.select %broadcast_in_dim3A_47, %broadcast_in_dim3A_48, %add3A_45 : vector<128x16xi1>, vector<128x16xf32>
    %iota3A = tpu.iota {dimensions = array<i32: 1>} : vector<8x128xi32>
    %iota3A_49 = tpu.iota {dimensions = array<i32: 0>} : vector<8x128xi32>
    %jit3A_50 = arith.constant 16 : i32
    %div3A = vector.broadcast %jit3A_50 : i32 to vector<8x128xi32>
    %div3A_51 = arith.divsi %iota3A, %div3A : vector<8x128xi32>
    %sign3A = arith.constant 0 : i32
    %sign3A_52 = vector.broadcast %sign3A : i32 to vector<8x128xi32>
    %sign3A_53 = arith.cmpi sgt, %iota3A, %sign3A_52 : vector<8x128xi32>
    %sign3A_54 = arith.extui %sign3A_53 : vector<8x128xi1> to vector<8x128xi32>
    %sign3A_55 = arith.constant 0 : i32
    %sign3A_56 = vector.broadcast %sign3A_55 : i32 to vector<8x128xi32>
    %sign3A_57 = arith.cmpi slt, %iota3A, %sign3A_56 : vector<8x128xi32>
    %sign3A_58 = arith.extui %sign3A_57 : vector<8x128xi1> to vector<8x128xi32>
    %sign3A_59 = arith.subi %sign3A_54, %sign3A_58 : vector<8x128xi32>
    %sign3A_60 = arith.constant 0 : i32
    %sign3A_61 = arith.cmpi sgt, %jit3A_50, %sign3A_60 : i32
    %sign3A_62 = arith.extui %sign3A_61 : i1 to i32
    %sign3A_63 = arith.constant 0 : i32
    %sign3A_64 = arith.cmpi slt, %jit3A_50, %sign3A_63 : i32
    %sign3A_65 = arith.extui %sign3A_64 : i1 to i32
    %sign3A_66 = arith.subi %sign3A_62, %sign3A_65 : i32
    %ne3A = vector.broadcast %sign3A_66 : i32 to vector<8x128xi32>
    %ne3A_67 = arith.cmpi ne, %sign3A_59, %ne3A : vector<8x128xi32>
    %rem3A = vector.broadcast %jit3A_50 : i32 to vector<8x128xi32>
    %rem3A_68 = arith.remsi %iota3A, %rem3A : vector<8x128xi32>
    %ne3A_69 = arith.constant 0 : i32
    %ne3A_70 = vector.broadcast %ne3A_69 : i32 to vector<8x128xi32>
    %ne3A_71 = arith.cmpi ne, %rem3A_68, %ne3A_70 : vector<8x128xi32>
    %and3A = arith.andi %ne3A_67, %ne3A_71 : vector<8x128xi1>
    %sub3A = arith.constant 1 : i32
    %sub3A_72 = vector.broadcast %sub3A : i32 to vector<8x128xi32>
    %sub3A_73 = arith.subi %div3A_51, %sub3A_72 : vector<8x128xi32>
    %select_n3A_74 = arith.select %and3A, %sub3A_73, %div3A_51 : vector<8x128xi1>, vector<8x128xi32>
    %eq3A_75 = arith.cmpi eq, %select_n3A_74, %iota3A_49 : vector<8x128xi32>
    %convert_element_type3A = arith.extui %eq3A_75 : vector<8x128xi1> to vector<8x128xi32>
    %convert_element_type3A_76 = arith.sitofp %convert_element_type3A : vector<8x128xi32> to vector<8x128xf32>
    %dot_general3A_77 = arith.constant dense<0.000000e+00> : vector<8x16xf32>
    %dot_general3A_78 = tpu.matmul %convert_element_type3A_76, %select_n3A, %dot_general3A_77 {dimension_numbers = #tpu.dot_dimension_numbers<[1], [0], [0], [1], [0, 0, 1, 1], [], []>, transpose_lhs_hint = false} : vector<8x128xf32>, vector<128x16xf32>, vector<8x16xf32> -> vector<8x16xf32>
    %swap3A = arith.constant 0 : index
    %swap3A_79 = arith.constant 0 : index
    %swap3A_80 = vector.load %arg7[%swap3A, %swap3A_79] : memref<8x16xf32, #tpu.memory_space<vmem>>, vector<8x16xf32>
    tpu.vector_store %arg7[%swap3A, %swap3A_79], %dot_general3A_78 {strides = array<i32>} : memref<8x16xf32, #tpu.memory_space<vmem>>, vector<8x16xf32>,
    return
  }
}

</mosaic_0001>

<sc_bundles>
// kernel: kernel.4.cloned.1.call-start
scs
__scs_entry_jumppad:
0x0: {  	(pc) =	sbr.rel $0x88, $3  }
0x1: {  	(tag) =	ssettag $0x0;
	lr =	simm.s32 $0x1  }
0x2: {  	[smem:$0x3F98] =	sst lr;
	_ =	strace $0xD0000000  }
0x3: {  	_ = 	snop  }
0x4: {  	_ = 	snop  }
0x5: {  	_ = 	snop  }
0x6: {  	_ = 	snop  }
0x7: {  	_ = 	snop  }
__scs_overlays_trampoline_lowered:
0x8: {  	[smem:$0x3FA7] =	sst s0  }
0x9: {  	[smem:$0x3FA8] =	sst s1  }
0xa: {  	[smem:$0x3FA9] =	sst s2  }
0xb: {  	[smem:$0x3FAA] =	sst s3  }
0xc: {  	[smem:$0x3FAB] =	sst s4  }
0xd: {  	[smem:$0x3FAC] =	sst s5  }
0xe: {  	[smem:$0x3FAD] =	sst s6  }
0xf: {  	[smem:$0x3FAE] =	sst s7  }
0x10: {  	[smem:$0x3FAF] =	sst s8  }
0x11: {  	[smem:$0x3FB0] =	sst s9;
	s0 =	simm.s32 @!p0 $0x0  }
0x12: {  	s1 =	sld [smem:$0x3F96];
	s0 =	simm.s32 @p0 $0x1  }
0x13: {  	[smem:$0x3FB1] =	sst s0;
	s0 =	simm.s32 @!p1 $0x0  }
0x14: {  	s2 =	sld [smem:$0x3F95];
	s0 =	simm.s32 @p1 $0x1  }
0x15: {  	[smem:$0x3FB2] =	sst s0;
	s0 =	simm.s32 @!p2 $0x0  }
0x16: {  	s3 =	sld [smem:$0x3FDB];
	s0 =	simm.s32 @p2 $0x1  }
0x17: {  	s4 =	simm.s32 $0x1BF5;
	[smem:$0x3FB4] =	sst s0  }
0x18: {  	s0 =	sld [smem:$0x3F97];
	_ =	swait.ge [sflag:s4], $0x0  }
0x19: {  	s7 =	sld [smem:$0x3F98]  }
0x1a: {  	s8 =	sadd.s32 $0xFFFFE003, lr  }
0x1b: {  	s9 =	sadd.s32 $0xFFFFFEF7, lr;
	s5 =	simm.s32 $0xFFFFFFFF;
	p2 =	slt.u32 s8, $0xFFFFF086  }
0x1c: {  	p1 =	slt.u32 s9, $0xF7A;
	s5 =	simm.s32 @!p2 $0x0  }
0x1d: {  	s5 =	simm.s32 @p1 $0x1;
	p0 =	seq.s32 s7, s2  }
0x1e: {  	s7 =	smul.u32 @!p0 $0xF7A, s2;
	p2 =	seq.s32 @!p0 s5, $0x0  }
0x1f: {  	s9 =	smul.u32 $0xF7A, s1;
	s8 =	simm.s32 @!p0 $0x1BF5;
	p2 =	por !p2, p0  }
0x20: {  	[sflag:s8] =	ssyncset.s32 @!p0 $0xFFFFF086;
	s6 =	sadd.s32 @!p0 s3, s7;
	s7 =	simm.s32 @!p0 $0x108  }
0x21: {  	s3 =	sadd.s32 s3, s9;
	s6 =	sadd.s32 @!p0 $0x88, s6;
	s7 =	simm.s32 @p2 $0x1082  }
0x22: {  	[simem:s7], [sflag:s8] =	dma.local @!p0 [hbm:s6], $0xF7A  }
0x23: {  	s9 =	sor.u32 $0xD0000000, s2;
	s6 =	simm.s32 $0x108;
	_ =	swait.ge @!p0 [sflag:s8], $0x0  }
0x24: {  	s3 =	sadd.s32 $0x88, s3;
	s6 =	simm.s32 @!p1 $0x1082;
	[sflag:s4] =	ssyncset.s32 $0xFFFFF086  }
0x25: {  	[simem:s6], [sflag:s4] =	dma.local [hbm:s3], $0xF7A  }
0x26: {  	[smem:$0x3F98] =	sst s1;
	(tag) =	ssettag s2;
	_ =	strace s9  }
0x27: {  	s1 =	sld [smem:$0x3FA8]  }
0x28: {  	s2 =	sld [smem:$0x3FA9]  }
0x29: {  	s4 =	sld [smem:$0x3FAB]  }
0x2a: {  	p0 =	seq.s32 s5, $0x0;
	s5 =	sld [smem:$0x3FAC]  }
0x2b: {  	s6 =	sld [smem:$0x3FAD]  }
0x2c: {  	s7 =	sld [smem:$0x3FAE]  }
0x2d: {  	s3 =	simm.s32 $0x108;
	s8 =	sld [smem:$0x3FAF]  }
0x2e: {  	s3 =	simm.s32 @!p0 $0x1082;
	s9 =	sld [smem:$0x3FB0]  }
0x2f: {  	lr =	sadd.s32 s0, s3;
	s0 =	sld [smem:$0x3FA7]  }
0x30: {  	s3 =	sld [smem:$0x3FAA]  }
0x31: {  	[smem:$0x3FB3] =	sst s10  }
0x32: {  	s10 =	sld [smem:$0x3FB1];
	_ =	sdelay $0x3  }
0x33: {  	p0 =	seq.s32 s10, $0x1;
	s10 =	sld [smem:$0x3FB3];
	_ =	sdelay $0x3  }
0x34: {  	[smem:$0x3FB3] =	sst s10  }
0x35: {  	s10 =	sld [smem:$0x3FB2];
	_ =	sdelay $0x3  }
0x36: {  	p1 =	seq.s32 s10, $0x1;
	s10 =	sld [smem:$0x3FB3];
	_ =	sdelay $0x3  }
0x37: {  	[smem:$0x3FB3] =	sst s10  }
0x38: {  	s10 =	sld [smem:$0x3FB4]  }
0x39: {  	_ = 	snop;
	(pc) =	sbr.ind lr, $3  }
0x3a: {  	_ = 	snop  }
0x3b: {  	_ = 	snop  }
0x3c: {  	p2 =	seq.s32 s10, $0x1;
	s10 =	sld [smem:$0x3FB3]  }
0x3d: {  	_ =	shalt  }
0x3e: {  	_ =	shalt  }
0x3f: {  	_ =	shalt  }
0x40: {  	_ =	shalt  }
0x41: {  	_ =	shalt  }
0x42: {  	_ =	shalt  }
0x43: {  	_ =	shalt  }
0x44: {  	_ =	shalt  }
0x45: {  	_ =	shalt  }
0x46: {  	_ =	shalt  }
0x47: {  	_ =	shalt  }
0x48: {  	_ =	shalt  }
0x49: {  	_ =	shalt  }
0x4a: {  	_ =	shalt  }
0x4b: {  	_ =	shalt  }
0x4c: {  	_ =	shalt  }
0x4d: {  	_ =	shalt  }
0x4e: {  	_ =	shalt  }
0x4f: {  	_ =	shalt  }
0x50: {  	_ =	shalt  }
0x51: {  	_ =	shalt  }
0x52: {  	_ =	shalt  }
0x53: {  	_ =	shalt  }
0x54: {  	_ =	shalt  }
0x55: {  	_ =	shalt  }
0x56: {  	_ =	shalt  }
0x57: {  	_ =	shalt  }
0x58: {  	_ =	shalt  }
0x59: {  	_ =	shalt  }
0x5a: {  	_ =	shalt  }
0x5b: {  	_ =	shalt  }
0x5c: {  	_ =	shalt  }
0x5d: {  	_ =	shalt  }
0x5e: {  	_ =	shalt  }
0x5f: {  	_ =	shalt  }
0x60: {  	_ =	shalt  }
0x61: {  	_ =	shalt  }
0x62: {  	_ =	shalt  }
0x63: {  	_ =	shalt  }
0x64: {  	_ =	shalt  }
0x65: {  	_ =	shalt  }
0x66: {  	_ =	shalt  }
0x67: {  	_ =	shalt  }
0x68: {  	_ =	shalt  }
0x69: {  	_ =	shalt  }
0x6a: {  	_ =	shalt  }
0x6b: {  	_ =	shalt  }
0x6c: {  	_ =	shalt  }
0x6d: {  	_ =	shalt  }
0x6e: {  	_ =	shalt  }
0x6f: {  	_ =	shalt  }
0x70: {  	_ =	shalt  }
0x71: {  	_ =	shalt  }
0x72: {  	_ =	shalt  }
0x73: {  	_ =	shalt  }
0x74: {  	_ =	shalt  }
0x75: {  	_ =	shalt  }
0x76: {  	_ =	shalt  }
0x77: {  	_ =	shalt  }
0x78: {  	_ =	shalt  }
0x79: {  	_ =	shalt  }
0x7a: {  	_ =	shalt  }
0x7b: {  	_ =	shalt  }
0x7c: {  	_ =	shalt  }
0x7d: {  	_ =	shalt  }
0x7e: {  	_ =	shalt  }
0x7f: {  	_ =	shalt  }
0x80: {  	_ =	shalt  }
0x81: {  	_ =	shalt  }
0x82: {  	_ =	shalt  }
0x83: {  	_ =	shalt  }
0x84: {  	_ =	shalt  }
0x85: {  	_ =	shalt  }
0x86: {  	_ =	shalt  }
0x87: {  	_ =	shalt  }
.Lfunc_end0:
.L_simem_size_0:
called_computation_lowered:
.L_overlay_start_0:
0x88: {  	s2 =	sld [smem:$0x3FD9]  }
0x89: {  	s3 =	sld [smem:$0x3FFE];
	_ =	sdelay $0x1  }
0x8a: {  	s1 =	srdreg.scid  }
0x8b: {  	s0 =	sand.u32 $0x1, s1  }
0x8c: {  	s17 =	sshll.u32 s0, $0xA;
	s2 =	sadd.s32 s3, s2  }
0x8d: {  	s2 =	sadd.s32 s2, s17  }
0x8e: {  	[smem:$0x3FBF] =	sst s2  }
0x8f: {  	_ = 	snop  }
0x90: {  	s2 =	sld [smem:$0x3FC8];
	(tm) =	ssettm $0x1  }
0x91: {  	s18 =	sld [smem:$0x3FFB];
	_ =	sdelay $0x3  }
0x92: {  	_ =	strace s18  }
0x93: {  	s3 =	sld [smem:$0x3FFC];
	_ =	sdelay $0x3  }
0x94: {  	_ =	strace s3  }
0x95: {  	s3 =	sld [smem:$0x3FFD];
	_ =	sdelay $0x3  }
0x96: {  	_ =	strace s3  }
0x97: {  	_ =	strace $0x8FFFFFFF  }
0x98: {  	s19 =	sld [smem:$0x3FDB];
	_ =	sdelay $0x1  }
0x99: {  	s4 =	simm.s32 $_scs_section_size  }
0x9a: {  	s5 =	simm.s32 $_size__tile_overlayer_lowered;
	s6 =	simm.s32 $_tile_overlayer_lowered  }
0x9b: {  	s22 =	simm.s32 $0x1BFF;
	s21 =	sshll.u32 s6, $0x1;
	s3 =	sadd.s32 s4, s19  }
0x9c: {  	s7 =	simm.s32 $0x0;
	s20 =	sshll.u32 s5, $0x1;
	s5 =	sadd.s32 s21, s3  }
0x9d: {  	[timem:s7], [sflag:s22] =	dma.local [hbm:s5], s20  }
0x9e: {  	_ =	swait.ge [sflag:s22], s20  }
0x9f: {  	s4 =	ssub.s32 $0x0, s20;
	[sflag:s22] =	ssyncset.done $0x0  }
0xa0: {  	[sflag:s22] =	ssyncadd.s32 s4;
	_ =	sdelay $0x1  }
0xa1: {  	s23 =	simm.s32 $0x1B8B  }
0xa2: {  	_ =	swait.ge [sflag:s23], $0x1  }
0xa3: {  	[sflag:s23] =	ssyncset.done $0x0  }
0xa4: {  	s25 =	simm.s32 $0x1B8E;
	s24 =	sld [smem:$0x3FFE];
	[sflag:s23] =	ssyncadd.s32 $0xFFFFFFFF  }
0xa5: {  	s26 =	simm.s32 $execute0_lowered;
	[smem:$0x3FD2] =	sst s25  }
0xa6: {  	s5 =	sshll.u32 s26, $0x1;
	_ =	strace $0x80000046;
	[dreg:$0x1] =	wrdreg $0xFFFFFFFF  }
0xa7: {  	s28 =	simm.s32 $_size_execute0_lowered;
	s3 =	sadd.s32 s3, s5;
	[dreg:$0x0] =	wrdreg $0x0  }
0xa8: {  	s5 =	sshll.u32 s28, $0x1;
	[dreg:$0x2] =	wrdreg s3  }
0xa9: {  	[dreg:$0x3] =	wrdreg s5  }
0xaa: {  	[dreg:$0x4] =	wrdreg $0xC0  }
0xab: {  	_ =	task [dreg:s7], $0x5FFFF  }
0xac: {  	[dreg:$0x1] =	wrdreg $0xFFFFFFFF  }
0xad: {  	[dreg:$0x0] =	wrdreg $0x60  }
0xae: {  	[dreg:$0x2] =	wrdreg s2  }
0xaf: {  	[dreg:$0x3] =	wrdreg s24  }
0xb0: {  	[dreg:$0x4] =	wrdreg $0x89000  }
0xb1: {  	[dreg:$0x5] =	wrdreg $0x9  }
0xb2: {  	_ =	task.clear_ibuf [dreg:s7], $0x6FFFF;
	_ =	strace $0x90000046  }
0xb3: {  	s29 =	simm.s32 $0x9;
	_ =	strace $0x80000048  }
0xb4: {  	_ =	swait.ge [sflag:s29], $0x1  }
0xb5: {  	[sflag:s29] =	ssyncadd.s32 $0xFFFFFFFF  }
0xb6: {  	_ =	strace $0x90000048  }
0xb7: {  	_ =	sfence  }
0xb8: {  	s30 =	sld [smem:$0x0];
	_ =	sdelay $0x2  }
0xb9: {  	s31 =	sshll.u32 s1, $0xD;
	s1 =	sshrl.u32 s1, $0x2  }
0xba: {  	s3 =	sand.u32 $0x4000, s31;
	s1 =	sadd.s32 s1, s30  }
0xbb: {  	s0 =	sor.u32 s3, s0;
	s1 =	sshll.u32 s1, $0x11  }
0xbc: {  	s0 =	sor.u32 s1, s0  }
0xbd: {  	s0 =	sadd.s32 $0x8F2B, s0  }
0xbe: {  	[sflag:s0] =	ssyncadd.remote.s32 $0x1  }
0xbf: {  	_ =	sfence.sel $0xFFFF  }
0xc0: {  	[dreg:$0x0] =	wrdreg $0xFFFFFFFF;
	(pc) =	sbr.abs _section_cstart, $3  }
0xc1: {  	[dreg:$0x1] =	wrdreg $0xFFFFFFFF  }
0xc2: {  	_ =	task.clear_ibuf [dreg:s7], $0x2FFFF;
	_ =	strace $0x9FFFFFFF  }
0xc3: {  	(tm) =	ssettm $0x7FFFFFFF  }
tec
execute0_lowered:
.L_overlay_start_1:
0x0: {  	(tag) =	ssettag $0x1  }
0x1: {  	s7 =	rddreg [dreg:$0x0]  }
0x2: {  	s4 =	rddreg [dreg:$0x1]  }
0x3: {  	s2 =	rddreg [dreg:$0x2]  }
0x4: {  	s3 =	srdreg.scid;
	s0 =	rddreg [dreg:$0x3]  }
0x5: {  	s1 =	stileid.u32;
	s19 =	simm.s32 $0x8000;
	s20 =	simm.s32 $0x8400  }
0x6: {  	s21 =	simm.s32 $0x4000;
	s22 =	simm.s32 $0x1;
	s23 =	simm.s32 $0x80  }
0x7: {  	s24 =	simm.s32 $0x8800;
	s28 =	simm.s32 $0x8880;
	s29 =	simm.s32 $0x4  }
0x8: {  	s13 =	sand.u32 $0x1, s3;
	s3 =	simm.s32 $0x0;
	s5 =	sshll.u32 s1, $0xB  }
0x9: {  	s8 =	sshll.u32 s1, $0x7;
	s10 =	smul.u32 $0x1200, s1;
	s26 =	sshll.u32 s1, $0x3  }
0xa: {  	s16 =	sshll.u32 s1, $0xA;
	s6 =	sshll.u32 s13, $0xA;
	[smem:$0x7FF] =	sst s3  }
0xb: {  	s9 =	ssub.s32 $0x2, s13;
	s14 =	sadd.s32 s8, s4;
	s26 =	sand.u32 $0x70, s26  }
0xc: {  	s15 =	sshll.u32 s13, $0xB;
	s5 =	sor.u32 s6, s5;
	_ =	strace $0x80000047  }
0xd: {  	s25 =	sshrl.u32 s9, $0x1;
	s30 =	sshrl.u32 s10, $0x2;
	s18 =	sadd.s32 s15, s14  }
0xe: {  	s15 =	sadd.s32 s16, s2;
	v0 =	vmov s26;
	s26 =	simm.s32 $0x2;
	s6 =	sshrl.u32 s5, $0x3  }
0xf: {  	s17 =	ssub.s32 s9, s25;
	s31 =	sshll.u32 s5, $0x4;
	s16 =	sadd.s32 $0x3200, s18  }
0x10: {  	s18 =	simm.s32 $0x5;
	s25 =	simm.s32 $0x3;
	s6 =	sadd.s32 s6, s4  }
0x11: {  	s4 =	sadd.s32 s30, s2;
	s7 =	sadd.s32 s7, s31;
	s17 =	smax.u32 s17, $0x1  }
0x12: {  	s5 =	sadd.s32 $0x1200, s6;
	s6 =	sadd.s32 $0x2200, s6;
	s8 =	sadd.s32 $0x800, s7  }
0x13: {  	s9 =	sadd.s32 $0x1000, s7;
	s10 =	sadd.s32 $0x1800, s7;
	s11 =	sadd.s32 $0x2000, s7  }
0x14: {  	v1 =	vimm.f32 $0.0e+00;
	s12 =	sadd.s32 $0x2800, s7;
	s13 =	sadd.s32 $0x3000, s7;
	s14 =	sadd.s32 $0x3800, s7  }
.LBB2_1:
0x15: {  	[tilespmem:$0x0] =	vst v1  }
0x16: {  	[tilespmem:$0x10] =	vst v1  }
0x17: {  	[tilespmem:$0x20] =	vst v1  }
0x18: {  	[tilespmem:$0x30] =	vst v1  }
0x19: {  	[tilespmem:$0x40] =	vst v1  }
0x1a: {  	[tilespmem:$0x50] =	vst v1  }
0x1b: {  	[tilespmem:$0x60] =	vst v1  }
0x1c: {  	[tilespmem:$0x70] =	vst v1  }
0x1d: {  	[tilespmem:$0x80] =	vst v1  }
0x1e: {  	[tilespmem:$0x90] =	vst v1  }
0x1f: {  	[tilespmem:$0xA0] =	vst v1  }
0x20: {  	[tilespmem:$0xB0] =	vst v1  }
0x21: {  	[tilespmem:$0xC0] =	vst v1  }
0x22: {  	[tilespmem:$0xD0] =	vst v1  }
0x23: {  	[tilespmem:$0xE0] =	vst v1  }
0x24: {  	[tilespmem:$0xF0] =	vst v1  }
0x25: {  	[tilespmem:$0x100] =	vst v1  }
0x26: {  	[tilespmem:$0x110] =	vst v1  }
0x27: {  	[tilespmem:$0x120] =	vst v1  }
0x28: {  	[tilespmem:$0x130] =	vst v1  }
0x29: {  	[tilespmem:$0x140] =	vst v1  }
0x2a: {  	[tilespmem:$0x150] =	vst v1  }
0x2b: {  	[tilespmem:$0x160] =	vst v1  }
0x2c: {  	[tilespmem:$0x170] =	vst v1  }
0x2d: {  	[tilespmem:$0x180] =	vst v1  }
0x2e: {  	[tilespmem:$0x190] =	vst v1  }
0x2f: {  	[tilespmem:$0x1A0] =	vst v1  }
0x30: {  	[tilespmem:$0x1B0] =	vst v1  }
0x31: {  	[tilespmem:$0x1C0] =	vst v1  }
0x32: {  	[tilespmem:$0x1D0] =	vst v1  }
0x33: {  	[tilespmem:$0x1E0] =	vst v1  }
0x34: {  	[tilespmem:$0x1F0] =	vst v1  }
0x35: {  	[tilespmem:$0x200] =	vst v1  }
0x36: {  	[tilespmem:$0x210] =	vst v1  }
0x37: {  	[tilespmem:$0x220] =	vst v1  }
0x38: {  	[tilespmem:$0x230] =	vst v1  }
0x39: {  	[tilespmem:$0x240] =	vst v1  }
0x3a: {  	[tilespmem:$0x250] =	vst v1  }
0x3b: {  	[tilespmem:$0x260] =	vst v1  }
0x3c: {  	[tilespmem:$0x270] =	vst v1  }
0x3d: {  	[tilespmem:$0x280] =	vst v1  }
0x3e: {  	[tilespmem:$0x290] =	vst v1  }
0x3f: {  	[tilespmem:$0x2A0] =	vst v1  }
0x40: {  	[tilespmem:$0x2B0] =	vst v1  }
0x41: {  	[tilespmem:$0x2C0] =	vst v1  }
0x42: {  	[tilespmem:$0x2D0] =	vst v1  }
0x43: {  	[tilespmem:$0x2E0] =	vst v1  }
0x44: {  	[tilespmem:$0x2F0] =	vst v1  }
0x45: {  	[tilespmem:$0x300] =	vst v1  }
0x46: {  	[tilespmem:$0x310] =	vst v1  }
0x47: {  	[tilespmem:$0x320] =	vst v1  }
0x48: {  	[tilespmem:$0x330] =	vst v1  }
0x49: {  	[tilespmem:$0x340] =	vst v1  }
0x4a: {  	[tilespmem:$0x350] =	vst v1  }
0x4b: {  	[tilespmem:$0x360] =	vst v1  }
0x4c: {  	[tilespmem:$0x370] =	vst v1  }
0x4d: {  	[tilespmem:$0x380] =	vst v1  }
0x4e: {  	[tilespmem:$0x390] =	vst v1  }
0x4f: {  	[tilespmem:$0x3A0] =	vst v1  }
0x50: {  	[tilespmem:$0x3B0] =	vst v1  }
0x51: {  	[tilespmem:$0x3C0] =	vst v1  }
0x52: {  	[tilespmem:$0x3D0] =	vst v1  }
0x53: {  	[tilespmem:$0x3E0] =	vst v1  }
0x54: {  	[tilespmem:$0x3F0] =	vst v1  }
0x55: {  	[tilespmem:$0x400] =	vst v1  }
0x56: {  	[tilespmem:$0x410] =	vst v1  }
0x57: {  	[tilespmem:$0x420] =	vst v1  }
0x58: {  	[tilespmem:$0x430] =	vst v1  }
0x59: {  	[tilespmem:$0x440] =	vst v1  }
0x5a: {  	[tilespmem:$0x450] =	vst v1  }
0x5b: {  	[tilespmem:$0x460] =	vst v1  }
0x5c: {  	[tilespmem:$0x470] =	vst v1  }
0x5d: {  	[spmem:s4] =	stream.linear.scatter [tilespmem:s3], [sflag:$0x5], $0x480, $0x38;
	[tilespmem:$0x8D80] =	vst v63  }
0x5e: {  	_ =	swait.ge [sflag:s18], $0x480  }
0x5f: {  	[sflag:s18] =	ssyncset.done $0x0  }
0x60: {  	[sflag:s18] =	ssyncadd.s32 $0xFFFFFB80  }
0x61: {  	[tilespmem:s19], [sflag:$0x5] =	stream.linear.gather [hbm4b:s5+s3], $0x400, $0x38;
	[tilespmem:$0x8D80] =	vst v63  }
0x62: {  	_ =	swait.ge [sflag:s18], $0x400  }
0x63: {  	[sflag:s18] =	ssyncset.done $0x0  }
0x64: {  	[sflag:s18] =	ssyncadd.s32 $0xFFFFFC00  }
0x65: {  	[tilespmem:s20], [sflag:$0x5] =	stream.linear.gather [hbm4b:s6+s3], $0x400, $0x38;
	[tilespmem:$0x8D80] =	vst v63  }
0x66: {  	_ =	swait.ge [sflag:s18], $0x400  }
0x67: {  	[sflag:s18] =	ssyncset.done $0x0  }
0x68: {  	[sflag:s18] =	ssyncadd.s32 $0xFFFFFC00  }
0x69: {  	[bflag:$0x0] =	sbarrier.arrive $0xFFFF  }
0x6a: {  	[tilespmem:s3], [sflag:$0x1] =	stream.linear.gather [hbm4b:s7+s3], $0x4000, $0x38;
	[tilespmem:$0x8D80] =	vst v63  }
0x6b: {  	_ = 	snop  }
0x6c: {  	[tilespmem:s21], [sflag:$0x2] =	stream.linear.gather [hbm4b:s8+s3], $0x4000, $0x38;
	[tilespmem:$0x8D80] =	vst v63  }
0x6d: {  	v2 =	vld [tilespmem:$0x8400]  }
0x6e: {  	v3 =	vld [tilespmem:$0x8000]  }
0x6f: {  	v4 =	vld [tilespmem:$0x8410]  }
0x70: {  	v5 =	vld [tilespmem:$0x8010]  }
0x71: {  	v6 =	vld [tilespmem:$0x8420]  }
0x72: {  	v7 =	vld [tilespmem:$0x8020]  }
0x73: {  	v8 =	vld [tilespmem:$0x8430]  }
0x74: {  	v9 =	vld [tilespmem:$0x8030]  }
0x75: {  	v10 =	vld [tilespmem:$0x8440]  }
0x76: {  	v11 =	vld [tilespmem:$0x8040]  }
0x77: {  	v12 =	vld [tilespmem:$0x8450]  }
0x78: {  	v13 =	vld [tilespmem:$0x8050]  }
0x79: {  	v14 =	vld [tilespmem:$0x8460]  }
0x7a: {  	v29 =	vld [tilespmem:$0x8470];
	vm0 =	vgt.s32 v2, $0x0;
	v2 =	vadd.s32 v0, v3  }
0x7b: {  	v3 =	vld [tilespmem:$0x8060];
	vm13 =	vgt.s32 v4, $0x0;
	v28 =	vadd.s32 v0, v5;
	v2 =	vnsel vm0, $0x80, v2  }
0x7c: {  	v31 =	vld [tilespmem:$0x8070];
	vm14 =	vgt.s32 v6, $0x0;
	v30 =	vadd.s32 v0, v7;
	[tilespmem:$0x8800] =	vst v2;
	v2 =	vnsel vm13, $0x80, v28  }
0x7d: {  	vm15 =	vgt.s32 v8, $0x0;
	v32 =	vadd.s32 v0, v9;
	[tilespmem:$0x8810] =	vst v2;
	v2 =	vnsel vm14, $0x80, v30  }
0x7e: {  	vm4 =	vgt.s32 v10, $0x0;
	v33 =	vadd.s32 v0, v11;
	[tilespmem:$0x8820] =	vst v2;
	v2 =	vnsel vm15, $0x80, v32  }
0x7f: {  	vm5 =	vgt.s32 v12, $0x0;
	v34 =	vadd.s32 v0, v13;
	[tilespmem:$0x8830] =	vst v2;
	v2 =	vnsel vm4, $0x80, v33  }
0x80: {  	vm6 =	vgt.s32 v14, $0x0;
	v3 =	vadd.s32 v0, v3;
	[tilespmem:$0x8840] =	vst v2;
	v2 =	vnsel vm5, $0x80, v34  }
0x81: {  	vm7 =	vgt.s32 v29, $0x0;
	[tilespmem:$0x8850] =	vst v2;
	v2 =	vnsel vm6, $0x80, v3;
	v3 =	vadd.s32 v0, v31  }
0x82: {  	[tilespmem:$0x8860] =	vst v2;
	v2 =	vnsel vm7, $0x80, v3  }
0x83: {  	[tilespmem:$0x8870] =	vst v2  }
0x84: {  	_ =	swait.ge [sflag:s22], $0x4000  }
0x85: {  	[sflag:s22] =	ssyncset.done $0x0  }
0x86: {  	[sflag:s22] =	ssyncadd.s32 $0xFFFFC000  }
0x87: {  	[spmem:s2] =	stream.indirect.scatter.add.f32 [tilespmem:s3], [sflag:$0x3], $0x80, s24, s23, $0xb8;
	[tilespmem:$0x8D80] =	vst v63  }
0x88: {  	_ =	swait.ge [sflag:s25], $0x4000  }
0x89: {  	[sflag:s25] =	ssyncset.done $0x0  }
0x8a: {  	[sflag:s25] =	ssyncadd.s32 $0xFFFFC000  }
0x8b: {  	[tilespmem:s3], [sflag:$0x1] =	stream.linear.gather [hbm4b:s9+s3], $0x4000, $0x38;
	[tilespmem:$0x8D80] =	vst v63  }
0x8c: {  	v2 =	vld [tilespmem:$0x8480]  }
0x8d: {  	v3 =	vld [tilespmem:$0x8080]  }
0x8e: {  	v35 =	vld [tilespmem:$0x8490]  }
0x8f: {  	v36 =	vld [tilespmem:$0x8090]  }
0x90: {  	v37 =	vld [tilespmem:$0x84A0]  }
0x91: {  	v38 =	vld [tilespmem:$0x80A0]  }
0x92: {  	v39 =	vld [tilespmem:$0x84B0]  }
0x93: {  	v40 =	vld [tilespmem:$0x80B0]  }
0x94: {  	v41 =	vld [tilespmem:$0x84C0]  }
0x95: {  	v42 =	vld [tilespmem:$0x80C0]  }
0x96: {  	v43 =	vld [tilespmem:$0x84D0]  }
0x97: {  	v44 =	vld [tilespmem:$0x80D0]  }
0x98: {  	v45 =	vld [tilespmem:$0x84E0]  }
0x99: {  	v47 =	vld [tilespmem:$0x84F0];
	vm8 =	vgt.s32 v2, $0x0;
	v2 =	vadd.s32 v0, v3  }
0x9a: {  	v3 =	vld [tilespmem:$0x80E0];
	vm9 =	vgt.s32 v35, $0x0;
	v46 =	vadd.s32 v0, v36;
	v2 =	vnsel vm8, $0x80, v2  }
0x9b: {  	v49 =	vld [tilespmem:$0x80F0];
	vm10 =	vgt.s32 v37, $0x0;
	v48 =	vadd.s32 v0, v38;
	[tilespmem:$0x8880] =	vst v2;
	v2 =	vnsel vm9, $0x80, v46  }
0x9c: {  	vm11 =	vgt.s32 v39, $0x0;
	v50 =	vadd.s32 v0, v40;
	[tilespmem:$0x8890] =	vst v2;
	v2 =	vnsel vm10, $0x80, v48  }
0x9d: {  	vm12 =	vgt.s32 v41, $0x0;
	v51 =	vadd.s32 v0, v42;
	[tilespmem:$0x88A0] =	vst v2;
	v2 =	vnsel vm11, $0x80, v50  }
0x9e: {  	vm13 =	vgt.s32 v43, $0x0;
	v52 =	vadd.s32 v0, v44;
	[tilespmem:$0x88B0] =	vst v2;
	v2 =	vnsel vm12, $0x80, v51  }
0x9f: {  	vm14 =	vgt.s32 v45, $0x0;
	v3 =	vadd.s32 v0, v3;
	[tilespmem:$0x88C0] =	vst v2;
	v2 =	vnsel vm13, $0x80, v52  }
0xa0: {  	vm15 =	vgt.s32 v47, $0x0;
	[tilespmem:$0x88D0] =	vst v2;
	v2 =	vnsel vm14, $0x80, v3;
	v3 =	vadd.s32 v0, v49  }
0xa1: {  	[tilespmem:$0x88E0] =	vst v2;
	v2 =	vnsel vm15, $0x80, v3  }
0xa2: {  	[tilespmem:$0x88F0] =	vst v2  }
0xa3: {  	_ =	swait.ge [sflag:s26], $0x4000  }
0xa4: {  	[sflag:s26] =	ssyncset.done $0x0  }
0xa5: {  	[sflag:s26] =	ssyncadd.s32 $0xFFFFC000  }
0xa6: {  	[spmem:s2] =	stream.indirect.scatter.add.f32 [tilespmem:s21], [sflag:$0x4], $0x80, s28, s23, $0xb8;
	[tilespmem:$0x8D80] =	vst v63  }
0xa7: {  	_ =	swait.ge [sflag:s29], $0x4000  }
0xa8: {  	[sflag:s29] =	ssyncset.done $0x0  }
0xa9: {  	[sflag:s29] =	ssyncadd.s32 $0xFFFFC000  }
0xaa: {  	[tilespmem:s21], [sflag:$0x2] =	stream.linear.gather [hbm4b:s10+s3], $0x4000, $0x38;
	[tilespmem:$0x8D80] =	vst v63  }
0xab: {  	v2 =	vld [tilespmem:$0x8500]  }
0xac: {  	v3 =	vld [tilespmem:$0x8100]  }
0xad: {  	v53 =	vld [tilespmem:$0x8510]  }
0xae: {  	v54 =	vld [tilespmem:$0x8110]  }
0xaf: {  	v55 =	vld [tilespmem:$0x8520]  }
0xb0: {  	v56 =	vld [tilespmem:$0x8120]  }
0xb1: {  	v57 =	vld [tilespmem:$0x8530]  }
0xb2: {  	v58 =	vld [tilespmem:$0x8130]  }
0xb3: {  	v59 =	vld [tilespmem:$0x8540]  }
0xb4: {  	v60 =	vld [tilespmem:$0x8140]  }
0xb5: {  	v61 =	vld [tilespmem:$0x8550]  }
0xb6: {  	v62 =	vld [tilespmem:$0x8150]  }
0xb7: {  	v63 =	vld [tilespmem:$0x8560]  }
0xb8: {  	v16 =	vld [tilespmem:$0x8570];
	vm4 =	vgt.s32 v2, $0x0;
	v2 =	vadd.s32 v0, v3  }
0xb9: {  	v3 =	vld [tilespmem:$0x8160];
	vm5 =	vgt.s32 v53, $0x0;
	v15 =	vadd.s32 v0, v54;
	v2 =	vnsel vm4, $0x80, v2  }
0xba: {  	v18 =	vld [tilespmem:$0x8170];
	vm6 =	vgt.s32 v55, $0x0;
	v17 =	vadd.s32 v0, v56;
	[tilespmem:$0x8800] =	vst v2;
	v2 =	vnsel vm5, $0x80, v15  }
0xbb: {  	vm7 =	vgt.s32 v57, $0x0;
	v19 =	vadd.s32 v0, v58;
	[tilespmem:$0x8810] =	vst v2;
	v2 =	vnsel vm6, $0x80, v17  }
0xbc: {  	vm8 =	vgt.s32 v59, $0x0;
	v20 =	vadd.s32 v0, v60;
	[tilespmem:$0x8820] =	vst v2;
	v2 =	vnsel vm7, $0x80, v19  }
0xbd: {  	vm9 =	vgt.s32 v61, $0x0;
	v21 =	vadd.s32 v0, v62;
	[tilespmem:$0x8830] =	vst v2;
	v2 =	vnsel vm8, $0x80, v20  }
0xbe: {  	vm10 =	vgt.s32 v63, $0x0;
	v3 =	vadd.s32 v0, v3;
	[tilespmem:$0x8840] =	vst v2;
	v2 =	vnsel vm9, $0x80, v21  }
0xbf: {  	vm11 =	vgt.s32 v16, $0x0;
	[tilespmem:$0x8850] =	vst v2;
	v2 =	vnsel vm10, $0x80, v3;
	v3 =	vadd.s32 v0, v18  }
0xc0: {  	[tilespmem:$0x8860] =	vst v2;
	v2 =	vnsel vm11, $0x80, v3  }
0xc1: {  	[tilespmem:$0x8870] =	vst v2  }
0xc2: {  	_ =	swait.ge [sflag:s22], $0x4000  }
0xc3: {  	[sflag:s22] =	ssyncset.done $0x0  }
0xc4: {  	[sflag:s22] =	ssyncadd.s32 $0xFFFFC000  }
0xc5: {  	[spmem:s2] =	stream.indirect.scatter.add.f32 [tilespmem:s3], [sflag:$0x3], $0x80, s24, s23, $0xb8;
	[tilespmem:$0x8D80] =	vst v63  }
0xc6: {  	_ =	swait.ge [sflag:s25], $0x4000  }
0xc7: {  	[sflag:s25] =	ssyncset.done $0x0  }
0xc8: {  	[sflag:s25] =	ssyncadd.s32 $0xFFFFC000  }
0xc9: {  	[tilespmem:s3], [sflag:$0x1] =	stream.linear.gather [hbm4b:s11+s3], $0x4000, $0x38;
	[tilespmem:$0x8D80] =	vst v63  }
0xca: {  	v2 =	vld [tilespmem:$0x8580]  }
0xcb: {  	v3 =	vld [tilespmem:$0x8180]  }
0xcc: {  	v22 =	vld [tilespmem:$0x8590]  }
0xcd: {  	v23 =	vld [tilespmem:$0x8190]  }
0xce: {  	v24 =	vld [tilespmem:$0x85A0]  }
0xcf: {  	v25 =	vld [tilespmem:$0x81A0]  }
0xd0: {  	v26 =	vld [tilespmem:$0x85B0]  }
0xd1: {  	v27 =	vld [tilespmem:$0x81B0]  }
0xd2: {  	v28 =	vld [tilespmem:$0x85C0]  }
0xd3: {  	v29 =	vld [tilespmem:$0x81C0]  }
0xd4: {  	v30 =	vld [tilespmem:$0x85D0]  }
0xd5: {  	v31 =	vld [tilespmem:$0x81D0]  }
0xd6: {  	v32 =	vld [tilespmem:$0x85E0]  }
0xd7: {  	v34 =	vld [tilespmem:$0x85F0];
	vm12 =	vgt.s32 v2, $0x0;
	v2 =	vadd.s32 v0, v3  }
0xd8: {  	v3 =	vld [tilespmem:$0x81E0];
	vm13 =	vgt.s32 v22, $0x0;
	v33 =	vadd.s32 v0, v23;
	v2 =	vnsel vm12, $0x80, v2  }
0xd9: {  	v36 =	vld [tilespmem:$0x81F0];
	vm14 =	vgt.s32 v24, $0x0;
	v35 =	vadd.s32 v0, v25;
	[tilespmem:$0x8880] =	vst v2;
	v2 =	vnsel vm13, $0x80, v33  }
0xda: {  	vm15 =	vgt.s32 v26, $0x0;
	v37 =	vadd.s32 v0, v27;
	[tilespmem:$0x8890] =	vst v2;
	v2 =	vnsel vm14, $0x80, v35  }
0xdb: {  	vm4 =	vgt.s32 v28, $0x0;
	v38 =	vadd.s32 v0, v29;
	[tilespmem:$0x88A0] =	vst v2;
	v2 =	vnsel vm15, $0x80, v37  }
0xdc: {  	vm5 =	vgt.s32 v30, $0x0;
	v39 =	vadd.s32 v0, v31;
	[tilespmem:$0x88B0] =	vst v2;
	v2 =	vnsel vm4, $0x80, v38  }
0xdd: {  	vm6 =	vgt.s32 v32, $0x0;
	v3 =	vadd.s32 v0, v3;
	[tilespmem:$0x88C0] =	vst v2;
	v2 =	vnsel vm5, $0x80, v39  }
0xde: {  	vm7 =	vgt.s32 v34, $0x0;
	[tilespmem:$0x88D0] =	vst v2;
	v2 =	vnsel vm6, $0x80, v3;
	v3 =	vadd.s32 v0, v36  }
0xdf: {  	[tilespmem:$0x88E0] =	vst v2;
	v2 =	vnsel vm7, $0x80, v3  }
0xe0: {  	[tilespmem:$0x88F0] =	vst v2  }
0xe1: {  	_ =	swait.ge [sflag:s26], $0x4000  }
0xe2: {  	[sflag:s26] =	ssyncset.done $0x0  }
0xe3: {  	[sflag:s26] =	ssyncadd.s32 $0xFFFFC000  }
0xe4: {  	[spmem:s2] =	stream.indirect.scatter.add.f32 [tilespmem:s21], [sflag:$0x4], $0x80, s28, s23, $0xb8;
	[tilespmem:$0x8D80] =	vst v63  }
0xe5: {  	_ =	swait.ge [sflag:s29], $0x4000  }
0xe6: {  	[sflag:s29] =	ssyncset.done $0x0  }
0xe7: {  	[sflag:s29] =	ssyncadd.s32 $0xFFFFC000  }
0xe8: {  	[tilespmem:s21], [sflag:$0x2] =	stream.linear.gather [hbm4b:s12+s3], $0x4000, $0x38;
	[tilespmem:$0x8D80] =	vst v63  }
0xe9: {  	v2 =	vld [tilespmem:$0x8600]  }
0xea: {  	v3 =	vld [tilespmem:$0x8200]  }
0xeb: {  	v40 =	vld [tilespmem:$0x8610]  }
0xec: {  	v41 =	vld [tilespmem:$0x8210]  }
0xed: {  	v42 =	vld [tilespmem:$0x8620]  }
0xee: {  	v43 =	vld [tilespmem:$0x8220]  }
0xef: {  	v44 =	vld [tilespmem:$0x8630]  }
0xf0: {  	v45 =	vld [tilespmem:$0x8230]  }
0xf1: {  	v46 =	vld [tilespmem:$0x8640]  }
0xf2: {  	v47 =	vld [tilespmem:$0x8240]  }
0xf3: {  	v48 =	vld [tilespmem:$0x8650]  }
0xf4: {  	v49 =	vld [tilespmem:$0x8250]  }
0xf5: {  	v50 =	vld [tilespmem:$0x8660]  }
0xf6: {  	v52 =	vld [tilespmem:$0x8670];
	vm8 =	vgt.s32 v2, $0x0;
	v2 =	vadd.s32 v0, v3  }
0xf7: {  	v3 =	vld [tilespmem:$0x8260];
	vm9 =	vgt.s32 v40, $0x0;
	v51 =	vadd.s32 v0, v41;
	v2 =	vnsel vm8, $0x80, v2  }
0xf8: {  	v54 =	vld [tilespmem:$0x8270];
	vm10 =	vgt.s32 v42, $0x0;
	v53 =	vadd.s32 v0, v43;
	[tilespmem:$0x8800] =	vst v2;
	v2 =	vnsel vm9, $0x80, v51  }
0xf9: {  	vm11 =	vgt.s32 v44, $0x0;
	v55 =	vadd.s32 v0, v45;
	[tilespmem:$0x8810] =	vst v2;
	v2 =	vnsel vm10, $0x80, v53  }
0xfa: {  	vm12 =	vgt.s32 v46, $0x0;
	v56 =	vadd.s32 v0, v47;
	[tilespmem:$0x8820] =	vst v2;
	v2 =	vnsel vm11, $0x80, v55  }
0xfb: {  	vm13 =	vgt.s32 v48, $0x0;
	v57 =	vadd.s32 v0, v49;
	[tilespmem:$0x8830] =	vst v2;
	v2 =	vnsel vm12, $0x80, v56  }
0xfc: {  	vm14 =	vgt.s32 v50, $0x0;
	v3 =	vadd.s32 v0, v3;
	[tilespmem:$0x8840] =	vst v2;
	v2 =	vnsel vm13, $0x80, v57  }
0xfd: {  	vm15 =	vgt.s32 v52, $0x0;
	[tilespmem:$0x8850] =	vst v2;
	v2 =	vnsel vm14, $0x80, v3;
	v3 =	vadd.s32 v0, v54  }
0xfe: {  	[tilespmem:$0x8860] =	vst v2;
	v2 =	vnsel vm15, $0x80, v3  }
0xff: {  	[tilespmem:$0x8870] =	vst v2  }
0x100: {  	_ =	swait.ge [sflag:s22], $0x4000  }
0x101: {  	[sflag:s22] =	ssyncset.done $0x0  }
0x102: {  	[sflag:s22] =	ssyncadd.s32 $0xFFFFC000  }
0x103: {  	[spmem:s2] =	stream.indirect.scatter.add.f32 [tilespmem:s3], [sflag:$0x3], $0x80, s24, s23, $0xb8;
	[tilespmem:$0x8D80] =	vst v63  }
0x104: {  	_ =	swait.ge [sflag:s25], $0x4000  }
0x105: {  	[sflag:s25] =	ssyncset.done $0x0  }
0x106: {  	[sflag:s25] =	ssyncadd.s32 $0xFFFFC000  }
0x107: {  	[tilespmem:s3], [sflag:$0x1] =	stream.linear.gather [hbm4b:s13+s3], $0x4000, $0x38;
	[tilespmem:$0x8D80] =	vst v63  }
0x108: {  	v2 =	vld [tilespmem:$0x8680]  }
0x109: {  	v3 =	vld [tilespmem:$0x8280]  }
0x10a: {  	v58 =	vld [tilespmem:$0x8690]  }
0x10b: {  	v59 =	vld [tilespmem:$0x8290]  }
0x10c: {  	v60 =	vld [tilespmem:$0x86A0]  }
0x10d: {  	v61 =	vld [tilespmem:$0x82A0]  }
0x10e: {  	v62 =	vld [tilespmem:$0x86B0]  }
0x10f: {  	v63 =	vld [tilespmem:$0x82B0]  }
0x110: {  	v16 =	vld [tilespmem:$0x86C0]  }
0x111: {  	v17 =	vld [tilespmem:$0x82C0]  }
0x112: {  	v18 =	vld [tilespmem:$0x86D0]  }
0x113: {  	v19 =	vld [tilespmem:$0x82D0]  }
0x114: {  	v20 =	vld [tilespmem:$0x86E0]  }
0x115: {  	v22 =	vld [tilespmem:$0x86F0];
	vm4 =	vgt.s32 v2, $0x0;
	v2 =	vadd.s32 v0, v3  }
0x116: {  	v3 =	vld [tilespmem:$0x82E0];
	vm5 =	vgt.s32 v58, $0x0;
	v21 =	vadd.s32 v0, v59;
	v2 =	vnsel vm4, $0x80, v2  }
0x117: {  	v24 =	vld [tilespmem:$0x82F0];
	vm6 =	vgt.s32 v60, $0x0;
	v23 =	vadd.s32 v0, v61;
	[tilespmem:$0x8880] =	vst v2;
	v2 =	vnsel vm5, $0x80, v21  }
0x118: {  	vm7 =	vgt.s32 v62, $0x0;
	v25 =	vadd.s32 v0, v63;
	[tilespmem:$0x8890] =	vst v2;
	v2 =	vnsel vm6, $0x80, v23  }
0x119: {  	vm8 =	vgt.s32 v16, $0x0;
	v26 =	vadd.s32 v0, v17;
	[tilespmem:$0x88A0] =	vst v2;
	v2 =	vnsel vm7, $0x80, v25  }
0x11a: {  	vm9 =	vgt.s32 v18, $0x0;
	v27 =	vadd.s32 v0, v19;
	[tilespmem:$0x88B0] =	vst v2;
	v2 =	vnsel vm8, $0x80, v26  }
0x11b: {  	vm10 =	vgt.s32 v20, $0x0;
	v3 =	vadd.s32 v0, v3;
	[tilespmem:$0x88C0] =	vst v2;
	v2 =	vnsel vm9, $0x80, v27  }
0x11c: {  	vm11 =	vgt.s32 v22, $0x0;
	[tilespmem:$0x88D0] =	vst v2;
	v2 =	vnsel vm10, $0x80, v3;
	v3 =	vadd.s32 v0, v24  }
0x11d: {  	[tilespmem:$0x88E0] =	vst v2;
	v2 =	vnsel vm11, $0x80, v3  }
0x11e: {  	[tilespmem:$0x88F0] =	vst v2  }
0x11f: {  	_ =	swait.ge [sflag:s26], $0x4000  }
0x120: {  	[sflag:s26] =	ssyncset.done $0x0  }
0x121: {  	[sflag:s26] =	ssyncadd.s32 $0xFFFFC000  }
0x122: {  	[spmem:s2] =	stream.indirect.scatter.add.f32 [tilespmem:s21], [sflag:$0x4], $0x80, s28, s23, $0xb8;
	[tilespmem:$0x8D80] =	vst v63  }
0x123: {  	_ =	swait.ge [sflag:s29], $0x4000  }
0x124: {  	[sflag:s29] =	ssyncset.done $0x0  }
0x125: {  	[sflag:s29] =	ssyncadd.s32 $0xFFFFC000  }
0x126: {  	[tilespmem:s21], [sflag:$0x2] =	stream.linear.gather [hbm4b:s14+s3], $0x4000, $0x38;
	[tilespmem:$0x8D80] =	vst v63  }
0x127: {  	v2 =	vld [tilespmem:$0x8700]  }
0x128: {  	v3 =	vld [tilespmem:$0x8300]  }
0x129: {  	v28 =	vld [tilespmem:$0x8710]  }
0x12a: {  	v29 =	vld [tilespmem:$0x8310]  }
0x12b: {  	v30 =	vld [tilespmem:$0x8720]  }
0x12c: {  	v31 =	vld [tilespmem:$0x8320]  }
0x12d: {  	v32 =	vld [tilespmem:$0x8730]  }
0x12e: {  	v33 =	vld [tilespmem:$0x8330]  }
0x12f: {  	v34 =	vld [tilespmem:$0x8740]  }
0x130: {  	v35 =	vld [tilespmem:$0x8340]  }
0x131: {  	v36 =	vld [tilespmem:$0x8750]  }
0x132: {  	v37 =	vld [tilespmem:$0x8350]  }
0x133: {  	v38 =	vld [tilespmem:$0x8760]  }
0x134: {  	v40 =	vld [tilespmem:$0x8770];
	vm12 =	vgt.s32 v2, $0x0;
	v2 =	vadd.s32 v0, v3  }
0x135: {  	v3 =	vld [tilespmem:$0x8360];
	vm13 =	vgt.s32 v28, $0x0;
	v39 =	vadd.s32 v0, v29;
	v2 =	vnsel vm12, $0x80, v2  }
0x136: {  	v42 =	vld [tilespmem:$0x8370];
	vm14 =	vgt.s32 v30, $0x0;
	v41 =	vadd.s32 v0, v31;
	[tilespmem:$0x8800] =	vst v2;
	v2 =	vnsel vm13, $0x80, v39  }
0x137: {  	vm15 =	vgt.s32 v32, $0x0;
	v43 =	vadd.s32 v0, v33;
	[tilespmem:$0x8810] =	vst v2;
	v2 =	vnsel vm14, $0x80, v41  }
0x138: {  	vm4 =	vgt.s32 v34, $0x0;
	v44 =	vadd.s32 v0, v35;
	[tilespmem:$0x8820] =	vst v2;
	v2 =	vnsel vm15, $0x80, v43  }
0x139: {  	vm5 =	vgt.s32 v36, $0x0;
	v45 =	vadd.s32 v0, v37;
	[tilespmem:$0x8830] =	vst v2;
	v2 =	vnsel vm4, $0x80, v44  }
0x13a: {  	vm6 =	vgt.s32 v38, $0x0;
	v3 =	vadd.s32 v0, v3;
	[tilespmem:$0x8840] =	vst v2;
	v2 =	vnsel vm5, $0x80, v45  }
0x13b: {  	vm7 =	vgt.s32 v40, $0x0;
	[tilespmem:$0x8850] =	vst v2;
	v2 =	vnsel vm6, $0x80, v3;
	v3 =	vadd.s32 v0, v42  }
0x13c: {  	[tilespmem:$0x8860] =	vst v2;
	v2 =	vnsel vm7, $0x80, v3  }
0x13d: {  	[tilespmem:$0x8870] =	vst v2  }
0x13e: {  	_ =	swait.ge [sflag:s22], $0x4000  }
0x13f: {  	[sflag:s22] =	ssyncset.done $0x0  }
0x140: {  	[sflag:s22] =	ssyncadd.s32 $0xFFFFC000  }
0x141: {  	[spmem:s2] =	stream.indirect.scatter.add.f32 [tilespmem:s3], [sflag:$0x3], $0x80, s24, s23, $0xb8;
	[tilespmem:$0x8D80] =	vst v63  }
0x142: {  	v2 =	vld [tilespmem:$0x8780]  }
0x143: {  	v3 =	vld [tilespmem:$0x8380]  }
0x144: {  	v46 =	vld [tilespmem:$0x8790]  }
0x145: {  	v47 =	vld [tilespmem:$0x8390]  }
0x146: {  	v48 =	vld [tilespmem:$0x87A0]  }
0x147: {  	v49 =	vld [tilespmem:$0x83A0]  }
0x148: {  	v50 =	vld [tilespmem:$0x87B0]  }
0x149: {  	v51 =	vld [tilespmem:$0x83B0]  }
0x14a: {  	v52 =	vld [tilespmem:$0x87C0]  }
0x14b: {  	v53 =	vld [tilespmem:$0x83C0]  }
0x14c: {  	v54 =	vld [tilespmem:$0x87D0]  }
0x14d: {  	v55 =	vld [tilespmem:$0x83D0]  }
0x14e: {  	v56 =	vld [tilespmem:$0x87E0]  }
0x14f: {  	v58 =	vld [tilespmem:$0x87F0];
	vm8 =	vgt.s32 v2, $0x0;
	v2 =	vadd.s32 v0, v3  }
0x150: {  	v3 =	vld [tilespmem:$0x83E0];
	vm9 =	vgt.s32 v46, $0x0;
	v57 =	vadd.s32 v0, v47;
	v2 =	vnsel vm8, $0x80, v2  }
0x151: {  	v60 =	vld [tilespmem:$0x83F0];
	vm10 =	vgt.s32 v48, $0x0;
	v59 =	vadd.s32 v0, v49;
	[tilespmem:$0x8880] =	vst v2;
	v2 =	vnsel vm9, $0x80, v57  }
0x152: {  	vm11 =	vgt.s32 v50, $0x0;
	v61 =	vadd.s32 v0, v51;
	[tilespmem:$0x8890] =	vst v2;
	v2 =	vnsel vm10, $0x80, v59  }
0x153: {  	vm12 =	vgt.s32 v52, $0x0;
	v62 =	vadd.s32 v0, v53;
	[tilespmem:$0x88A0] =	vst v2;
	v2 =	vnsel vm11, $0x80, v61  }
0x154: {  	vm13 =	vgt.s32 v54, $0x0;
	v63 =	vadd.s32 v0, v55;
	[tilespmem:$0x88B0] =	vst v2;
	v2 =	vnsel vm12, $0x80, v62  }
0x155: {  	vm14 =	vgt.s32 v56, $0x0;
	v3 =	vadd.s32 v0, v3;
	[tilespmem:$0x88C0] =	vst v2;
	v2 =	vnsel vm13, $0x80, v63  }
0x156: {  	vm15 =	vgt.s32 v58, $0x0;
	[tilespmem:$0x88D0] =	vst v2;
	v2 =	vnsel vm14, $0x80, v3;
	v3 =	vadd.s32 v0, v60  }
0x157: {  	[tilespmem:$0x88E0] =	vst v2;
	v2 =	vnsel vm15, $0x80, v3  }
0x158: {  	[tilespmem:$0x88F0] =	vst v2  }
0x159: {  	_ =	swait.ge [sflag:s26], $0x4000  }
0x15a: {  	[sflag:s26] =	ssyncset.done $0x0  }
0x15b: {  	[sflag:s26] =	ssyncadd.s32 $0xFFFFC000  }
0x15c: {  	[spmem:s2] =	stream.indirect.scatter.add.f32 [tilespmem:s21], [sflag:$0x4], $0x80, s28, s23, $0xb8;
	[tilespmem:$0x8D80] =	vst v63  }
0x15d: {  	_ =	swait.ge [sflag:s25], $0x4000  }
0x15e: {  	[sflag:s25] =	ssyncset.done $0x0  }
0x15f: {  	[sflag:s25] =	ssyncadd.s32 $0xFFFFC000  }
0x160: {  	_ =	swait.ge [sflag:s29], $0x4000  }
0x161: {  	[sflag:s29] =	ssyncset.done $0x0  }
0x162: {  	[sflag:s29] =	ssyncadd.s32 $0xFFFFC000  }
0x163: {  	[bflag:$0x0] =	sbarrier.arrive $0xFFFF  }
0x164: {  	[tilespmem:s3], [sflag:$0x5] =	stream.linear.gather [spmem:s15], $0x400, $0x38;
	[tilespmem:$0x8D80] =	vst v63  }
0x165: {  	_ =	swait.ge [sflag:s18], $0x400  }
0x166: {  	p0 =	sne.s32 s17, $0x1;
	[sflag:s18] =	ssyncset.done $0x0  }
.Ltmp0:
0x167: {  	[sflag:s18] =	ssyncadd.s32 $0xFFFFFC00;
	(pc) =	sbr.rel @p0 .LBB2_1-.Ltmp0, $4  }
0x168: {  	[hbm4b:s16+s3] =	stream.linear.scatter [tilespmem:s3], [sflag:$0x5], $0x400, $0x38;
	[tilespmem:$0x8D80] =	vst v63  }
0x169: {  	_ =	swait.ge [sflag:s18], $0x400  }
0x16a: {  	[sflag:s18] =	ssyncset.done $0x0  }
0x16b: {  	s17 =	sadd.s32 $0xFFFFFFFF, s17;
	[sflag:s18] =	ssyncadd.s32 $0xFFFFFC00  }
0x16c: {  	_ =	sfence.sel $0x180000  }
0x16d: {  	[bflag:$0x0] =	sbarrier.arrive $0xFFFF  }
0x16e: {  	p0 =	sne.s32 s1, $0x0;
	_ =	strace $0x90000047  }
0x16f: {  	s0 =	sadd.s32 @!p0 $0x100000, s0;
	[bflag:$0x2] =	sbarrier.arrive $0xFFFF  }
0x170: {  	[sflag:s0] =	ssyncadd.tile.s32 @!p0 $0x1;
	_ =	shalt  }
.Lfunc_end2:
_tile_overlayer_lowered:
.L_overlay_start_2:
0x171: {  	(tag) =	ssettag $0x2  }
0x172: {  	s0 =	rddreg [dreg:$0x0];
	s2 =	stileid.u32  }
0x173: {  	s1 =	rddreg [dreg:$0x1];
	p0 =	sne.s32 s2, $0x0  }
0x174: {  	s3 =	rddreg [dreg:$0x2];
	[bflag:$0x3] =	sbarrier.arrive $0xFFFF;
	s2 =	simm.s32 @!p0 $0x1C05  }
0x175: {  	[timem:s3], [sflag:s2] =	dma.local @!p0 [hbm:s0], s1  }
0x176: {  	s0 =	simm.s32 @!p0 $0x5  }
0x177: {  	_ =	swait.ge @!p0 [sflag:s0], s1  }
0x178: {  	s1 =	ssub.s32 @!p0 $0x0, s1;
	[sflag:s0] =	ssyncset.done @!p0 $0x0  }
0x179: {  	[sflag:s0] =	ssyncadd.s32 @!p0 s1  }
0x17a: {  	[bflag:$0x3] =	sbarrier.arrive $0xFFFF  }
0x17b: {  	_ =	shalt  }

</sc_bundles>
